<compile_context>
chip_gen: v7x
topology: tpu7x:2x2x1
jax: 0.10.2.dev20260603
libtpu: 0.0.44.dev20260713+nightly
codegen_flags: <defaults>
</compile_context>

<pallas_src>
import functools

import jax
import jax.numpy as jnp
from jax import lax
from jax.experimental import pallas as pl
from jax.experimental.pallas import tpu as pltpu
from jax.experimental.pallas import tpu_sc as plsc

N = 10000
F = 128
C = 16
E = 320000
NC, NS = 2, 16
NW = NC * NS

CHUNK = 128
NCHUNK = 80
EPW = NCHUNK * CHUNK
EPAD = NW * EPW

NPAD = 10240
STRIPE = NPAD // NS
ZROWS = 128

_vector_mesh = plsc.VectorSubcoreMesh(core_axis_name="c", subcore_axis_name="s")



@functools.partial(
    pl.kernel,
    mesh=_vector_mesh,
    out_type=jax.ShapeDtypeStruct((NC, NPAD, F), jnp.float32),
    scratch_types=[
        pltpu.VMEM((CHUNK,), jnp.int32),
        pltpu.VMEM((CHUNK,), jnp.int32),
        pltpu.VMEM((CHUNK,), jnp.int32),
        pltpu.VMEM((CHUNK,), jnp.int32),
        pltpu.VMEM((CHUNK, F), jnp.float32),
        pltpu.VMEM((CHUNK, F), jnp.float32),
        pltpu.VMEM_SHARED((NPAD, F), jnp.float32),
        pltpu.SemaphoreType.DMA,
        pltpu.SemaphoreType.DMA,
        pltpu.SemaphoreType.DMA,
        pltpu.SemaphoreType.DMA,
        pltpu.SemaphoreType.DMA,
        pltpu.SemaphoreType.DMA,
    ],
)
def _sc_aggregate(g_hbm, src_hbm, dst_hbm, zeros_hbm, out_hbm,
                  srcA, srcB, dstA, dstB, rowsA, rowsB, acc_sh,
                  semSA, semSB, semDA, semDB, semGA, semGB):
    cid = lax.axis_index("c")
    sid = lax.axis_index("s")
    wid = cid * NS + sid

    base = sid * STRIPE
    pltpu.sync_copy(zeros_hbm, acc_sh.at[pl.ds(base, STRIPE)])
    plsc.subcore_barrier()

    pltpu.async_copy(src_hbm.at[wid, 0], srcA, semSA)
    pltpu.async_copy(dst_hbm.at[wid, 0], dstA, semDA)
    pltpu.make_async_copy(src_hbm.at[wid, 0], srcA, semSA).wait()
    pltpu.async_copy(g_hbm.at[srcA], rowsA, semGA)

    @pl.loop(0, NCHUNK // 2)
    def _(i):
        j = i * 2
        pltpu.async_copy(src_hbm.at[wid, j + 1], srcB, semSB)
        pltpu.async_copy(dst_hbm.at[wid, j + 1], dstB, semDB)
        pltpu.make_async_copy(g_hbm.at[srcA], rowsA, semGA).wait()
        pltpu.make_async_copy(src_hbm.at[wid, j + 1], srcB, semSB).wait()
        pltpu.async_copy(g_hbm.at[srcB], rowsB, semGB)
        pltpu.make_async_copy(dst_hbm.at[wid, j], dstA, semDA).wait()
        pltpu.sync_copy(rowsA, acc_sh.at[dstA], add=True)

        @pl.when(j + 2 < NCHUNK)
        def _():
            pltpu.async_copy(src_hbm.at[wid, j + 2], srcA, semSA)
            pltpu.async_copy(dst_hbm.at[wid, j + 2], dstA, semDA)

        pltpu.make_async_copy(g_hbm.at[srcB], rowsB, semGB).wait()

        @pl.when(j + 2 < NCHUNK)
        def _():
            pltpu.make_async_copy(src_hbm.at[wid, j + 2], srcA, semSA).wait()
            pltpu.async_copy(g_hbm.at[srcA], rowsA, semGA)

        pltpu.make_async_copy(dst_hbm.at[wid, j + 1], dstB, semDB).wait()
        pltpu.sync_copy(rowsB, acc_sh.at[dstB], add=True)

    plsc.subcore_barrier()
    pltpu.sync_copy(acc_sh.at[pl.ds(base, STRIPE)],
                    out_hbm.at[cid, pl.ds(base, STRIPE)])


@functools.partial(
    pl.kernel,
    mesh=_vector_mesh,
    out_type=jax.ShapeDtypeStruct((NC, NPAD, F), jnp.float32),
    scratch_types=[
        pltpu.VMEM((CHUNK,), jnp.int32),
        pltpu.VMEM((CHUNK,), jnp.int32),
        pltpu.VMEM((CHUNK, F), jnp.float32),
        pltpu.VMEM_SHARED((NPAD, F), jnp.float32),
        pltpu.SemaphoreType.DMA,
        pltpu.SemaphoreType.DMA,
    ],
)
def _sc_degree(dst_hbm, ones_hbm, zeros_hbm, out_hbm,
               dstA, dstB, ones_v, acc_sh, semDA, semDB):
    cid = lax.axis_index("c")
    sid = lax.axis_index("s")
    wid = cid * NS + sid
    base = sid * STRIPE
    pltpu.sync_copy(zeros_hbm, acc_sh.at[pl.ds(base, STRIPE)])
    pltpu.sync_copy(ones_hbm, ones_v)
    plsc.subcore_barrier()

    @pl.loop(0, NCHUNK)
    def _(j):
        pltpu.sync_copy(dst_hbm.at[wid, j], dstA)
        pltpu.sync_copy(ones_v, acc_sh.at[dstA], add=True)

    plsc.subcore_barrier()
    pltpu.sync_copy(acc_sh.at[pl.ds(base, STRIPE)],
                    out_hbm.at[cid, pl.ds(base, STRIPE)])



BLK = 512


def _tc_first_body(deg_ref, x_ref, w_ref, g_ref, dinv_ref):
    deg = deg_ref[0] + deg_ref[1] + 1.0
    dinv = lax.rsqrt(deg)
    h = jnp.dot(x_ref[...], w_ref[...], preferred_element_type=jnp.float32)
    g_ref[...] = h * dinv[:, :1]
    dinv_ref[...] = dinv[:, :C]


def _tc_mid_body(parts_ref, g_ref, dinv_ref, b_ref, w_ref, gout_ref):
    dinv = dinv_ref[:, :1]
    s = parts_ref[0] + parts_ref[1] + g_ref[...]
    xl = jnp.maximum(s * dinv + b_ref[...], 0.0)
    gout_ref[...] = jnp.dot(xl, w_ref[...],
                            preferred_element_type=jnp.float32) * dinv


def _tc_out_body(parts_ref, g_ref, dinv_ref, b_ref, w_ref, bout_ref, y_ref):
    dinv = dinv_ref[:, :1]
    s = parts_ref[0] + parts_ref[1] + g_ref[...]
    xl = jnp.maximum(s * dinv + b_ref[...], 0.0)
    logits = jnp.dot(xl, w_ref[...],
                     preferred_element_type=jnp.float32) + bout_ref[...]
    m = jnp.max(logits, axis=1, keepdims=True)
    e = jnp.exp(logits - m)
    y_ref[...] = e / jnp.sum(e, axis=1, keepdims=True)


_GRID = (NPAD // BLK,)
_spec_rowsF = pl.BlockSpec((BLK, F), lambda i: (i, 0))
_spec_rowsC = pl.BlockSpec((BLK, C), lambda i: (i, 0))
_spec_partsF = pl.BlockSpec((NC, BLK, F), lambda i: (0, i, 0))
_spec_partsC = pl.BlockSpec((NC, BLK, C), lambda i: (0, i, 0))
_spec_wFF = pl.BlockSpec((F, F), lambda i: (0, 0))
_spec_wFC = pl.BlockSpec((F, C), lambda i: (0, 0))
_spec_bF = pl.BlockSpec((1, F), lambda i: (0, 0))
_spec_bC = pl.BlockSpec((1, C), lambda i: (0, 0))

_tc_first = pl.pallas_call(
    _tc_first_body,
    grid=_GRID,
    in_specs=[_spec_partsF, _spec_rowsF, _spec_wFF],
    out_specs=[_spec_rowsF, _spec_rowsC],
    out_shape=[jax.ShapeDtypeStruct((NPAD, F), jnp.float32),
               jax.ShapeDtypeStruct((NPAD, C), jnp.float32)],
)

_tc_mid = pl.pallas_call(
    _tc_mid_body,
    grid=_GRID,
    in_specs=[_spec_partsF, _spec_rowsF, _spec_rowsC, _spec_bF, _spec_wFF],
    out_specs=_spec_rowsF,
    out_shape=jax.ShapeDtypeStruct((NPAD, F), jnp.float32),
)

_tc_out = pl.pallas_call(
    _tc_out_body,
    grid=_GRID,
    in_specs=[_spec_partsF, _spec_rowsF, _spec_rowsC, _spec_bF, _spec_wFC,
              _spec_bC],
    out_specs=_spec_rowsC,
    out_shape=jax.ShapeDtypeStruct((NPAD, C), jnp.float32),
)



def kernel(x, edge_index, W1, b1, W2, b2, W3, b3, W4, b4, Wout, bout):
    ei = edge_index.astype(jnp.int32)
    pad = EPAD - E
    spare = N + jnp.arange(pad, dtype=jnp.int32) % (NPAD - N)
    src = jnp.concatenate([ei[0], spare])
    dst = jnp.concatenate([ei[1], spare])
    src3 = src.reshape(NW, NCHUNK, CHUNK)
    dst3 = dst.reshape(NW, NCHUNK, CHUNK)

    x_pad = jnp.pad(x, ((0, NPAD - N), (0, 0)))
    zerosF = jnp.zeros((STRIPE, F), jnp.float32)
    onesF = jnp.ones((CHUNK, F), jnp.float32)

    deg_parts = _sc_degree(dst3, onesF, zerosF)
    g, dinv = _tc_first(deg_parts, x_pad, W1)

    for b_prev, W_next in ((b1, W2), (b2, W3), (b3, W4)):
        parts = _sc_aggregate(g, src3, dst3, zerosF)
        g = _tc_mid(parts, g, dinv, b_prev.reshape(1, F), W_next)

    parts = _sc_aggregate(g, src3, dst3, zerosF)
    y = _tc_out(parts, g, dinv, b4.reshape(1, F), Wout, bout.reshape(1, C))
    return y[:N]

# --- scband reference (transcript-rebuilt; emitter-appended) ---
"""Pipeline reference for scband-gnnclassification-8022998909047 (READ-ONLY COPY).

The authoritative reference and input builder live on the scoring server;
editing this copy changes nothing except your own understanding.
"""

import jax, jax.numpy as jnp
import numpy as np

NUM_NODES = 10000
NUM_FEATURES = 128
CHANNELS = 128
NUM_CLASSES = 16
NUM_EDGES = 320000


def gcn_conv(x, edge_index, W, b):
    N = x.shape[0]
    src = edge_index[0]
    dst = edge_index[1]
    loop = jnp.arange(N, dtype=edge_index.dtype)
    src = jnp.concatenate([src, loop])
    dst = jnp.concatenate([dst, loop])
    ones = jnp.ones(src.shape[0], dtype=x.dtype)
    deg = jax.ops.segment_sum(ones, dst, num_segments=N)
    dinv = jnp.where(deg > 0, 1.0 / jnp.sqrt(deg), 0.0)
    norm = dinv[src] * dinv[dst]
    h = x @ W
    msgs = h[src] * norm[:, None]
    out = jax.ops.segment_sum(msgs, dst, num_segments=N)
    return out + b


def setup_inputs(seed: int = 0) -> dict:
    key = jax.random.key(seed)
    ks = jax.random.split(key, 12)
    x = jax.random.normal(ks[0], (NUM_NODES, NUM_FEATURES), dtype=jnp.float32)
    edge_index = jax.random.randint(ks[1], (2, NUM_EDGES), 0, NUM_NODES, dtype=jnp.int64)
    s1 = 1.0 / np.sqrt(NUM_FEATURES)
    s2 = 1.0 / np.sqrt(CHANNELS)
    W1 = jax.random.uniform(ks[2], (NUM_FEATURES, CHANNELS), jnp.float32, -s1, s1)
    b1 = jnp.zeros((CHANNELS,), jnp.float32)
    W2 = jax.random.uniform(ks[3], (CHANNELS, CHANNELS), jnp.float32, -s2, s2)
    b2 = jnp.zeros((CHANNELS,), jnp.float32)
    W3 = jax.random.uniform(ks[4], (CHANNELS, CHANNELS), jnp.float32, -s2, s2)
    b3 = jnp.zeros((CHANNELS,), jnp.float32)
    W4 = jax.random.uniform(ks[5], (CHANNELS, CHANNELS), jnp.float32, -s2, s2)
    b4 = jnp.zeros((CHANNELS,), jnp.float32)
    Wout = jax.random.uniform(ks[6], (CHANNELS, NUM_CLASSES), jnp.float32, -s2, s2)
    bout = jax.random.uniform(ks[7], (NUM_CLASSES,), jnp.float32, -s2, s2)
    return {"x": x, "edge_index": edge_index, "W1": W1, "b1": b1, "W2": W2, "b2": b2, "W3": W3, "b3": b3, "W4": W4, "b4": b4, "Wout": Wout, "bout": bout}


def reference(x, edge_index, W1, b1, W2, b2, W3, b3, W4, b4, Wout, bout):
    # eval mode: dropout is identity
    h = jax.nn.relu(gcn_conv(x, edge_index, W1, b1))
    h = jax.nn.relu(gcn_conv(h, edge_index, W2, b2))
    h = jax.nn.relu(gcn_conv(h, edge_index, W3, b3))
    h = jax.nn.relu(gcn_conv(h, edge_index, W4, b4))
    y = jax.nn.softmax(h @ Wout + bout, axis=1)
    return y

if __name__ == "__main__":
    import jax
    _d = setup_inputs()
    print(jax.jit(kernel)(*tuple(_d.values())))

</pallas_src>

<mosaic_0001>
#map = affine_map<(d0, d1) -> (0, 0)>
#map1 = affine_map<(d0, d1) -> (0, 0, 0)>
module attributes {stable_mosaic.version = 14 : i64} {
  func.func @_sc_aggregate(%arg0: i32, %arg1: i32, %arg2: memref<10240x128xf32, #tpu.memory_space<hbm>>, %arg3: memref<32x80x128xi32, #tpu.memory_space<hbm>>, %arg4: memref<32x80x128xi32, #tpu.memory_space<hbm>>, %arg5: memref<640x128xf32, #tpu.memory_space<hbm>>, %arg6: memref<2x10240x128xf32, #tpu.memory_space<hbm>>, %arg7: memref<128xi32, #tpu.memory_space<vmem>>, %arg8: memref<128xi32, #tpu.memory_space<vmem>>, %arg9: memref<128xi32, #tpu.memory_space<vmem>>, %arg10: memref<128xi32, #tpu.memory_space<vmem>>, %arg11: memref<128x128xf32, #tpu.memory_space<vmem>>, %arg12: memref<128x128xf32, #tpu.memory_space<vmem>>, %arg13: memref<10240x128xf32, #tpu.memory_space<vmem_shared>>, %arg14: memref<!tpu.dma_semaphore, #tpu.memory_space<semaphore_mem>>, %arg15: memref<!tpu.dma_semaphore, #tpu.memory_space<semaphore_mem>>, %arg16: memref<!tpu.dma_semaphore, #tpu.memory_space<semaphore_mem>>, %arg17: memref<!tpu.dma_semaphore, #tpu.memory_space<semaphore_mem>>, %arg18: memref<!tpu.dma_semaphore, #tpu.memory_space<semaphore_mem>>, %arg19: memref<!tpu.dma_semaphore, #tpu.memory_space<semaphore_mem>>) attributes {dimension_semantics = [#tpu.dimension_semantics<core_parallel>, #tpu.dimension_semantics<subcore_parallel>], iteration_bounds = array<i64: 2, 16>, scalar_prefetch = 0 : i64, scratch_operands = 13 : i64, tpu.core_type = #tpu.core_type<sc_vector_subcore>, window_params = [{transform_indices = #map}, {transform_indices = #map1}, {transform_indices = #map1}, {transform_indices = #map}, {transform_indices = #map1}]} {
    %mul3A = arith.constant 16 : i32
    %mul3A_0 = arith.muli %arg0, %mul3A : i32
    %add3A = arith.addi %mul3A_0, %arg1 : i32
    %mul3A_1 = arith.constant 640 : i32
    %mul3A_2 = arith.muli %arg1, %mul3A_1 : i32
    "tpu.region"() ({
      %run_scoped3A = tpu.sem_alloc : memref<!tpu.dma_semaphore, #tpu.memory_space<semaphore_mem>>
      %dma_start3A_30 = arith.constant 0 : i32
      %dma_start3A_31 = tpu.memref_slice %arg13[%mul3A_2, %dma_start3A_30] : memref<10240x128xf32, #tpu.memory_space<vmem_shared>> -> memref<640x128xf32, #tpu.memory_space<vmem_shared>>
      tpu.enqueue_dma source(%arg5 : memref<640x128xf32, #tpu.memory_space<hbm>>) target(%dma_start3A_31 : memref<640x128xf32, #tpu.memory_space<vmem_shared>>) target_semaphore(%run_scoped3A : memref<!tpu.dma_semaphore, #tpu.memory_space<semaphore_mem>>)
      %dma_wait3A_32 = arith.constant 0 : i32
      %dma_wait3A_33 = tpu.memref_slice %arg13[%mul3A_2, %dma_wait3A_32] : memref<10240x128xf32, #tpu.memory_space<vmem_shared>> -> memref<640x128xf32, #tpu.memory_space<vmem_shared>>
      tpu.wait_dma2 semaphore(%run_scoped3A : memref<!tpu.dma_semaphore, #tpu.memory_space<semaphore_mem>>) src(%arg5 : memref<640x128xf32, #tpu.memory_space<hbm>>) dst(%dma_wait3A_33 : memref<640x128xf32, #tpu.memory_space<vmem_shared>>)
      tpu.yield
    }) : () -> ()
    %barrier3A = arith.constant 0 : index
    tpu.barrier barrier_id(%barrier3A)
    %dma_start3A = arith.constant 0 : i32
    %dma_start3A_3 = arith.constant 0 : i32
    %dma_start3A_4 = tpu.memref_slice %arg3[%add3A, %dma_start3A, %dma_start3A_3] : memref<32x80x128xi32, #tpu.memory_space<hbm>> -> memref<1x1x128xi32, #tpu.memory_space<hbm>>
    %dma_start3A_5 = tpu.memref_squeeze %dma_start3A_4 : memref<1x1x128xi32, #tpu.memory_space<hbm>> -> memref<128xi32, #tpu.memory_space<hbm>>
    %dma_start3A_6 = arith.constant 0 : i32
    %dma_start3A_7 = tpu.memref_slice %arg3[%add3A, %dma_start3A, %dma_start3A_6] : memref<32x80x128xi32, #tpu.memory_space<hbm>> -> memref<1x1x128xi32, #tpu.memory_space<hbm>>
    %dma_start3A_8 = tpu.memref_squeeze %dma_start3A_7 : memref<1x1x128xi32, #tpu.memory_space<hbm>> -> memref<128xi32, #tpu.memory_space<hbm>>
    tpu.enqueue_dma source(%dma_start3A_8 : memref<128xi32, #tpu.memory_space<hbm>>) target(%arg7 : memref<128xi32, #tpu.memory_space<vmem>>) target_semaphore(%arg14 : memref<!tpu.dma_semaphore, #tpu.memory_space<semaphore_mem>>)
    %dma_start3A_9 = arith.constant 0 : i32
    %dma_start3A_10 = arith.constant 0 : i32
    %dma_start3A_11 = tpu.memref_slice %arg4[%add3A, %dma_start3A_9, %dma_start3A_10] : memref<32x80x128xi32, #tpu.memory_space<hbm>> -> memref<1x1x128xi32, #tpu.memory_space<hbm>>
    %dma_start3A_12 = tpu.memref_squeeze %dma_start3A_11 : memref<1x1x128xi32, #tpu.memory_space<hbm>> -> memref<128xi32, #tpu.memory_space<hbm>>
    %dma_start3A_13 = arith.constant 0 : i32
    %dma_start3A_14 = tpu.memref_slice %arg4[%add3A, %dma_start3A_9, %dma_start3A_13] : memref<32x80x128xi32, #tpu.memory_space<hbm>> -> memref<1x1x128xi32, #tpu.memory_space<hbm>>
    %dma_start3A_15 = tpu.memref_squeeze %dma_start3A_14 : memref<1x1x128xi32, #tpu.memory_space<hbm>> -> memref<128xi32, #tpu.memory_space<hbm>>
    tpu.enqueue_dma source(%dma_start3A_15 : memref<128xi32, #tpu.memory_space<hbm>>) target(%arg9 : memref<128xi32, #tpu.memory_space<vmem>>) target_semaphore(%arg16 : memref<!tpu.dma_semaphore, #tpu.memory_space<semaphore_mem>>)
    %dma_wait3A = arith.constant 0 : i32
    %dma_wait3A_16 = arith.constant 0 : i32
    %dma_wait3A_17 = tpu.memref_slice %arg3[%add3A, %dma_wait3A, %dma_wait3A_16] : memref<32x80x128xi32, #tpu.memory_space<hbm>> -> memref<1x1x128xi32, #tpu.memory_space<hbm>>
    %dma_wait3A_18 = tpu.memref_squeeze %dma_wait3A_17 : memref<1x1x128xi32, #tpu.memory_space<hbm>> -> memref<128xi32, #tpu.memory_space<hbm>>
    %dma_wait3A_19 = arith.constant 0 : i32
    %dma_wait3A_20 = tpu.memref_slice %arg3[%add3A, %dma_wait3A, %dma_wait3A_19] : memref<32x80x128xi32, #tpu.memory_space<hbm>> -> memref<1x1x128xi32, #tpu.memory_space<hbm>>
    %dma_wait3A_21 = tpu.memref_squeeze %dma_wait3A_20 : memref<1x1x128xi32, #tpu.memory_space<hbm>> -> memref<128xi32, #tpu.memory_space<hbm>>
    tpu.wait_dma2 semaphore(%arg14 : memref<!tpu.dma_semaphore, #tpu.memory_space<semaphore_mem>>) src(%dma_wait3A_21 : memref<128xi32, #tpu.memory_space<hbm>>) dst(%arg7 : memref<128xi32, #tpu.memory_space<vmem>>)
    %dma_start3A_22 = arith.constant 0 : i32
    %dma_start3A_23 = arith.constant 0 : i32
    %dma_start3A_24 = tpu.memref_slice %arg2[%dma_start3A_22, %dma_start3A_23] : memref<10240x128xf32, #tpu.memory_space<hbm>> -> memref<10240x128xf32, #tpu.memory_space<hbm>>
    tpu.enqueue_indirect_dma source(%dma_start3A_24 : memref<10240x128xf32, #tpu.memory_space<hbm>>) target(%arg11 : memref<128x128xf32, #tpu.memory_space<vmem>>) offsets(%arg7 : memref<128xi32, #tpu.memory_space<vmem>>) semaphore(%arg18 : memref<!tpu.dma_semaphore, #tpu.memory_space<semaphore_mem>>)
    %scan3A = arith.constant 0 : i32
    %scan3A_25 = arith.constant 40 : i32
    %scan3A_26 = arith.addi %scan3A, %scan3A_25 : i32
    %scan3A_27 = arith.constant 1 : i32
    scf.for %scan3A_30 = %scan3A to %scan3A_26 step %scan3A_27  : i32 {
      %mul3A_31 = arith.constant 1 : i32
      %mul3A_32 = arith.muli %scan3A_30, %mul3A_31 : i32
      %add3A_33 = arith.constant 0 : i32
      %add3A_34 = arith.addi %add3A_33, %mul3A_32 : i32
      %mul3A_35 = arith.constant 2 : i32
      %mul3A_36 = arith.muli %add3A_34, %mul3A_35 : i32
      %add3A_37 = arith.constant 1 : i32
      %add3A_38 = arith.addi %mul3A_36, %add3A_37 : i32
      %dma_start3A_39 = arith.constant 0 : i32
      %dma_start3A_40 = tpu.memref_slice %arg3[%add3A, %add3A_38, %dma_start3A_39] : memref<32x80x128xi32, #tpu.memory_space<hbm>> -> memref<1x1x128xi32, #tpu.memory_space<hbm>>
      %dma_start3A_41 = tpu.memref_squeeze %dma_start3A_40 : memref<1x1x128xi32, #tpu.memory_space<hbm>> -> memref<128xi32, #tpu.memory_space<hbm>>
      %dma_start3A_42 = arith.constant 0 : i32
      %dma_start3A_43 = tpu.memref_slice %arg3[%add3A, %add3A_38, %dma_start3A_42] : memref<32x80x128xi32, #tpu.memory_space<hbm>> -> memref<1x1x128xi32, #tpu.memory_space<hbm>>
      %dma_start3A_44 = tpu.memref_squeeze %dma_start3A_43 : memref<1x1x128xi32, #tpu.memory_space<hbm>> -> memref<128xi32, #tpu.memory_space<hbm>>
      tpu.enqueue_dma source(%dma_start3A_44 : memref<128xi32, #tpu.memory_space<hbm>>) target(%arg8 : memref<128xi32, #tpu.memory_space<vmem>>) target_semaphore(%arg15 : memref<!tpu.dma_semaphore, #tpu.memory_space<semaphore_mem>>)
      %add3A_45 = arith.constant 1 : i32
      %add3A_46 = arith.addi %mul3A_36, %add3A_45 : i32
      %dma_start3A_47 = arith.constant 0 : i32
      %dma_start3A_48 = tpu.memref_slice %arg4[%add3A, %add3A_46, %dma_start3A_47] : memref<32x80x128xi32, #tpu.memory_space<hbm>> -> memref<1x1x128xi32, #tpu.memory_space<hbm>>
      %dma_start3A_49 = tpu.memref_squeeze %dma_start3A_48 : memref<1x1x128xi32, #tpu.memory_space<hbm>> -> memref<128xi32, #tpu.memory_space<hbm>>
      %dma_start3A_50 = arith.constant 0 : i32
      %dma_start3A_51 = tpu.memref_slice %arg4[%add3A, %add3A_46, %dma_start3A_50] : memref<32x80x128xi32, #tpu.memory_space<hbm>> -> memref<1x1x128xi32, #tpu.memory_space<hbm>>
      %dma_start3A_52 = tpu.memref_squeeze %dma_start3A_51 : memref<1x1x128xi32, #tpu.memory_space<hbm>> -> memref<128xi32, #tpu.memory_space<hbm>>
      tpu.enqueue_dma source(%dma_start3A_52 : memref<128xi32, #tpu.memory_space<hbm>>) target(%arg10 : memref<128xi32, #tpu.memory_space<vmem>>) target_semaphore(%arg17 : memref<!tpu.dma_semaphore, #tpu.memory_space<semaphore_mem>>)
      %dma_wait3A_53 = arith.constant 0 : i32
      %dma_wait3A_54 = arith.constant 0 : i32
      %dma_wait3A_55 = tpu.memref_slice %arg2[%dma_wait3A_53, %dma_wait3A_54] : memref<10240x128xf32, #tpu.memory_space<hbm>> -> memref<10240x128xf32, #tpu.memory_space<hbm>>
      tpu.wait_indirect_dma semaphore(%arg18 : memref<!tpu.dma_semaphore, #tpu.memory_space<semaphore_mem>>) src(%dma_wait3A_55 : memref<10240x128xf32, #tpu.memory_space<hbm>>) dst(%arg11 : memref<128x128xf32, #tpu.memory_space<vmem>>)
      %add3A_56 = arith.constant 1 : i32
      %add3A_57 = arith.addi %mul3A_36, %add3A_56 : i32
      %dma_wait3A_58 = arith.constant 0 : i32
      %dma_wait3A_59 = tpu.memref_slice %arg3[%add3A, %add3A_57, %dma_wait3A_58] : memref<32x80x128xi32, #tpu.memory_space<hbm>> -> memref<1x1x128xi32, #tpu.memory_space<hbm>>
      %dma_wait3A_60 = tpu.memref_squeeze %dma_wait3A_59 : memref<1x1x128xi32, #tpu.memory_space<hbm>> -> memref<128xi32, #tpu.memory_space<hbm>>
      %dma_wait3A_61 = arith.constant 0 : i32
      %dma_wait3A_62 = tpu.memref_slice %arg3[%add3A, %add3A_57, %dma_wait3A_61] : memref<32x80x128xi32, #tpu.memory_space<hbm>> -> memref<1x1x128xi32, #tpu.memory_space<hbm>>
      %dma_wait3A_63 = tpu.memref_squeeze %dma_wait3A_62 : memref<1x1x128xi32, #tpu.memory_space<hbm>> -> memref<128xi32, #tpu.memory_space<hbm>>
      tpu.wait_dma2 semaphore(%arg15 : memref<!tpu.dma_semaphore, #tpu.memory_space<semaphore_mem>>) src(%dma_wait3A_63 : memref<128xi32, #tpu.memory_space<hbm>>) dst(%arg8 : memref<128xi32, #tpu.memory_space<vmem>>)
      %dma_start3A_64 = arith.constant 0 : i32
      %dma_start3A_65 = arith.constant 0 : i32
      %dma_start3A_66 = tpu.memref_slice %arg2[%dma_start3A_64, %dma_start3A_65] : memref<10240x128xf32, #tpu.memory_space<hbm>> -> memref<10240x128xf32, #tpu.memory_space<hbm>>
      tpu.enqueue_indirect_dma source(%dma_start3A_66 : memref<10240x128xf32, #tpu.memory_space<hbm>>) target(%arg12 : memref<128x128xf32, #tpu.memory_space<vmem>>) offsets(%arg8 : memref<128xi32, #tpu.memory_space<vmem>>) semaphore(%arg19 : memref<!tpu.dma_semaphore, #tpu.memory_space<semaphore_mem>>)
      %dma_wait3A_67 = arith.constant 0 : i32
      %dma_wait3A_68 = tpu.memref_slice %arg4[%add3A, %mul3A_36, %dma_wait3A_67] : memref<32x80x128xi32, #tpu.memory_space<hbm>> -> memref<1x1x128xi32, #tpu.memory_space<hbm>>
      %dma_wait3A_69 = tpu.memref_squeeze %dma_wait3A_68 : memref<1x1x128xi32, #tpu.memory_space<hbm>> -> memref<128xi32, #tpu.memory_space<hbm>>
      %dma_wait3A_70 = arith.constant 0 : i32
      %dma_wait3A_71 = tpu.memref_slice %arg4[%add3A, %mul3A_36, %dma_wait3A_70] : memref<32x80x128xi32, #tpu.memory_space<hbm>> -> memref<1x1x128xi32, #tpu.memory_space<hbm>>
      %dma_wait3A_72 = tpu.memref_squeeze %dma_wait3A_71 : memref<1x1x128xi32, #tpu.memory_space<hbm>> -> memref<128xi32, #tpu.memory_space<hbm>>
      tpu.wait_dma2 semaphore(%arg16 : memref<!tpu.dma_semaphore, #tpu.memory_space<semaphore_mem>>) src(%dma_wait3A_72 : memref<128xi32, #tpu.memory_space<hbm>>) dst(%arg9 : memref<128xi32, #tpu.memory_space<vmem>>)
      "tpu.region"() ({
        %run_scoped3A = tpu.sem_alloc : memref<!tpu.dma_semaphore, #tpu.memory_space<semaphore_mem>>
        %dma_start3A_95 = arith.constant 0 : i32
        %dma_start3A_96 = arith.constant 0 : i32
        %dma_start3A_97 = tpu.memref_slice %arg13[%dma_start3A_95, %dma_start3A_96] : memref<10240x128xf32, #tpu.memory_space<vmem_shared>> -> memref<10240x128xf32, #tpu.memory_space<vmem_shared>>
        tpu.enqueue_indirect_dma source(%arg11 : memref<128x128xf32, #tpu.memory_space<vmem>>) target(%dma_start3A_97 : memref<10240x128xf32, #tpu.memory_space<vmem_shared>>) offsets(%arg9 : memref<128xi32, #tpu.memory_space<vmem>>) semaphore(%run_scoped3A : memref<!tpu.dma_semaphore, #tpu.memory_space<semaphore_mem>>) {add = true}
        %dma_wait3A_98 = arith.constant 0 : i32
        %dma_wait3A_99 = arith.constant 0 : i32
        %dma_wait3A_100 = tpu.memref_slice %arg13[%dma_wait3A_98, %dma_wait3A_99] : memref<10240x128xf32, #tpu.memory_space<vmem_shared>> -> memref<10240x128xf32, #tpu.memory_space<vmem_shared>>
        tpu.wait_indirect_dma semaphore(%run_scoped3A : memref<!tpu.dma_semaphore, #tpu.memory_space<semaphore_mem>>) src(%arg11 : memref<128x128xf32, #tpu.memory_space<vmem>>) dst(%dma_wait3A_100 : memref<10240x128xf32, #tpu.memory_space<vmem_shared>>)
        tpu.yield
      }) : () -> ()
      %add3A_73 = arith.constant 2 : i32
      %add3A_74 = arith.addi %mul3A_36, %add3A_73 : i32
      %lt3A = arith.constant 80 : i32
      %lt3A_75 = arith.cmpi slt, %add3A_74, %lt3A : i32
      %convert_element_type3A = arith.extui %lt3A_75 : i1 to i32
      %cond3A = arith.constant 0 : i32
      %cond3A_76 = arith.cmpi ne, %convert_element_type3A, %cond3A : i32
      scf.if %cond3A_76 {
        %add3A_95 = arith.constant 2 : i32
        %add3A_96 = arith.addi %mul3A_36, %add3A_95 : i32
        %dma_start3A_97 = arith.constant 0 : i32
        %dma_start3A_98 = tpu.memref_slice %arg3[%add3A, %add3A_96, %dma_start3A_97] : memref<32x80x128xi32, #tpu.memory_space<hbm>> -> memref<1x1x128xi32, #tpu.memory_space<hbm>>
        %dma_start3A_99 = tpu.memref_squeeze %dma_start3A_98 : memref<1x1x128xi32, #tpu.memory_space<hbm>> -> memref<128xi32, #tpu.memory_space<hbm>>
        %dma_start3A_100 = arith.constant 0 : i32
        %dma_start3A_101 = tpu.memref_slice %arg3[%add3A, %add3A_96, %dma_start3A_100] : memref<32x80x128xi32, #tpu.memory_space<hbm>> -> memref<1x1x128xi32, #tpu.memory_space<hbm>>
        %dma_start3A_102 = tpu.memref_squeeze %dma_start3A_101 : memref<1x1x128xi32, #tpu.memory_space<hbm>> -> memref<128xi32, #tpu.memory_space<hbm>>
        tpu.enqueue_dma source(%dma_start3A_102 : memref<128xi32, #tpu.memory_space<hbm>>) target(%arg7 : memref<128xi32, #tpu.memory_space<vmem>>) target_semaphore(%arg14 : memref<!tpu.dma_semaphore, #tpu.memory_space<semaphore_mem>>)
        %add3A_103 = arith.constant 2 : i32
        %add3A_104 = arith.addi %mul3A_36, %add3A_103 : i32
        %dma_start3A_105 = arith.constant 0 : i32
        %dma_start3A_106 = tpu.memref_slice %arg4[%add3A, %add3A_104, %dma_start3A_105] : memref<32x80x128xi32, #tpu.memory_space<hbm>> -> memref<1x1x128xi32, #tpu.memory_space<hbm>>
        %dma_start3A_107 = tpu.memref_squeeze %dma_start3A_106 : memref<1x1x128xi32, #tpu.memory_space<hbm>> -> memref<128xi32, #tpu.memory_space<hbm>>
        %dma_start3A_108 = arith.constant 0 : i32
        %dma_start3A_109 = tpu.memref_slice %arg4[%add3A, %add3A_104, %dma_start3A_108] : memref<32x80x128xi32, #tpu.memory_space<hbm>> -> memref<1x1x128xi32, #tpu.memory_space<hbm>>
        %dma_start3A_110 = tpu.memref_squeeze %dma_start3A_109 : memref<1x1x128xi32, #tpu.memory_space<hbm>> -> memref<128xi32, #tpu.memory_space<hbm>>
        tpu.enqueue_dma source(%dma_start3A_110 : memref<128xi32, #tpu.memory_space<hbm>>) target(%arg9 : memref<128xi32, #tpu.memory_space<vmem>>) target_semaphore(%arg16 : memref<!tpu.dma_semaphore, #tpu.memory_space<semaphore_mem>>)
      } else {
      }
      %dma_wait3A_77 = arith.constant 0 : i32
      %dma_wait3A_78 = arith.constant 0 : i32
      %dma_wait3A_79 = tpu.memref_slice %arg2[%dma_wait3A_77, %dma_wait3A_78] : memref<10240x128xf32, #tpu.memory_space<hbm>> -> memref<10240x128xf32, #tpu.memory_space<hbm>>
      tpu.wait_indirect_dma semaphore(%arg19 : memref<!tpu.dma_semaphore, #tpu.memory_space<semaphore_mem>>) src(%dma_wait3A_79 : memref<10240x128xf32, #tpu.memory_space<hbm>>) dst(%arg12 : memref<128x128xf32, #tpu.memory_space<vmem>>)
      %add3A_80 = arith.constant 2 : i32
      %add3A_81 = arith.addi %mul3A_36, %add3A_80 : i32
      %lt3A_82 = arith.constant 80 : i32
      %lt3A_83 = arith.cmpi slt, %add3A_81, %lt3A_82 : i32
      %convert_element_type3A_84 = arith.extui %lt3A_83 : i1 to i32
      %cond3A_85 = arith.constant 0 : i32
      %cond3A_86 = arith.cmpi ne, %convert_element_type3A_84, %cond3A_85 : i32
      scf.if %cond3A_86 {
        %add3A_95 = arith.constant 2 : i32
        %add3A_96 = arith.addi %mul3A_36, %add3A_95 : i32
        %dma_wait3A_97 = arith.constant 0 : i32
        %dma_wait3A_98 = tpu.memref_slice %arg3[%add3A, %add3A_96, %dma_wait3A_97] : memref<32x80x128xi32, #tpu.memory_space<hbm>> -> memref<1x1x128xi32, #tpu.memory_space<hbm>>
        %dma_wait3A_99 = tpu.memref_squeeze %dma_wait3A_98 : memref<1x1x128xi32, #tpu.memory_space<hbm>> -> memref<128xi32, #tpu.memory_space<hbm>>
        %dma_wait3A_100 = arith.constant 0 : i32
        %dma_wait3A_101 = tpu.memref_slice %arg3[%add3A, %add3A_96, %dma_wait3A_100] : memref<32x80x128xi32, #tpu.memory_space<hbm>> -> memref<1x1x128xi32, #tpu.memory_space<hbm>>
        %dma_wait3A_102 = tpu.memref_squeeze %dma_wait3A_101 : memref<1x1x128xi32, #tpu.memory_space<hbm>> -> memref<128xi32, #tpu.memory_space<hbm>>
        tpu.wait_dma2 semaphore(%arg14 : memref<!tpu.dma_semaphore, #tpu.memory_space<semaphore_mem>>) src(%dma_wait3A_102 : memref<128xi32, #tpu.memory_space<hbm>>) dst(%arg7 : memref<128xi32, #tpu.memory_space<vmem>>)
        %dma_start3A_103 = arith.constant 0 : i32
        %dma_start3A_104 = arith.constant 0 : i32
        %dma_start3A_105 = tpu.memref_slice %arg2[%dma_start3A_103, %dma_start3A_104] : memref<10240x128xf32, #tpu.memory_space<hbm>> -> memref<10240x128xf32, #tpu.memory_space<hbm>>
        tpu.enqueue_indirect_dma source(%dma_start3A_105 : memref<10240x128xf32, #tpu.memory_space<hbm>>) target(%arg11 : memref<128x128xf32, #tpu.memory_space<vmem>>) offsets(%arg7 : memref<128xi32, #tpu.memory_space<vmem>>) semaphore(%arg18 : memref<!tpu.dma_semaphore, #tpu.memory_space<semaphore_mem>>)
      } else {
      }
      %add3A_87 = arith.constant 1 : i32
      %add3A_88 = arith.addi %mul3A_36, %add3A_87 : i32
      %dma_wait3A_89 = arith.constant 0 : i32
      %dma_wait3A_90 = tpu.memref_slice %arg4[%add3A, %add3A_88, %dma_wait3A_89] : memref<32x80x128xi32, #tpu.memory_space<hbm>> -> memref<1x1x128xi32, #tpu.memory_space<hbm>>
      %dma_wait3A_91 = tpu.memref_squeeze %dma_wait3A_90 : memref<1x1x128xi32, #tpu.memory_space<hbm>> -> memref<128xi32, #tpu.memory_space<hbm>>
      %dma_wait3A_92 = arith.constant 0 : i32
      %dma_wait3A_93 = tpu.memref_slice %arg4[%add3A, %add3A_88, %dma_wait3A_92] : memref<32x80x128xi32, #tpu.memory_space<hbm>> -> memref<1x1x128xi32, #tpu.memory_space<hbm>>
      %dma_wait3A_94 = tpu.memref_squeeze %dma_wait3A_93 : memref<1x1x128xi32, #tpu.memory_space<hbm>> -> memref<128xi32, #tpu.memory_space<hbm>>
      tpu.wait_dma2 semaphore(%arg17 : memref<!tpu.dma_semaphore, #tpu.memory_space<semaphore_mem>>) src(%dma_wait3A_94 : memref<128xi32, #tpu.memory_space<hbm>>) dst(%arg10 : memref<128xi32, #tpu.memory_space<vmem>>)
      "tpu.region"() ({
        %run_scoped3A = tpu.sem_alloc : memref<!tpu.dma_semaphore, #tpu.memory_space<semaphore_mem>>
        %dma_start3A_95 = arith.constant 0 : i32
        %dma_start3A_96 = arith.constant 0 : i32
        %dma_start3A_97 = tpu.memref_slice %arg13[%dma_start3A_95, %dma_start3A_96] : memref<10240x128xf32, #tpu.memory_space<vmem_shared>> -> memref<10240x128xf32, #tpu.memory_space<vmem_shared>>
        tpu.enqueue_indirect_dma source(%arg12 : memref<128x128xf32, #tpu.memory_space<vmem>>) target(%dma_start3A_97 : memref<10240x128xf32, #tpu.memory_space<vmem_shared>>) offsets(%arg10 : memref<128xi32, #tpu.memory_space<vmem>>) semaphore(%run_scoped3A : memref<!tpu.dma_semaphore, #tpu.memory_space<semaphore_mem>>) {add = true}
        %dma_wait3A_98 = arith.constant 0 : i32
        %dma_wait3A_99 = arith.constant 0 : i32
        %dma_wait3A_100 = tpu.memref_slice %arg13[%dma_wait3A_98, %dma_wait3A_99] : memref<10240x128xf32, #tpu.memory_space<vmem_shared>> -> memref<10240x128xf32, #tpu.memory_space<vmem_shared>>
        tpu.wait_indirect_dma semaphore(%run_scoped3A : memref<!tpu.dma_semaphore, #tpu.memory_space<semaphore_mem>>) src(%arg12 : memref<128x128xf32, #tpu.memory_space<vmem>>) dst(%dma_wait3A_100 : memref<10240x128xf32, #tpu.memory_space<vmem_shared>>)
        tpu.yield
      }) : () -> ()
    }
    %scan3A_28 = arith.constant 40 : i32
    %barrier3A_29 = arith.constant 0 : index
    tpu.barrier barrier_id(%barrier3A_29)
    "tpu.region"() ({
      %run_scoped3A = tpu.sem_alloc : memref<!tpu.dma_semaphore, #tpu.memory_space<semaphore_mem>>
      %dma_start3A_30 = arith.constant 0 : i32
      %dma_start3A_31 = tpu.memref_slice %arg6[%arg0, %mul3A_2, %dma_start3A_30] : memref<2x10240x128xf32, #tpu.memory_space<hbm>> -> memref<1x640x128xf32, #tpu.memory_space<hbm>>
      %dma_start3A_32 = tpu.memref_squeeze %dma_start3A_31 : memref<1x640x128xf32, #tpu.memory_space<hbm>> -> memref<640x128xf32, #tpu.memory_space<hbm>>
      %dma_start3A_33 = arith.constant 0 : i32
      %dma_start3A_34 = tpu.memref_slice %arg13[%mul3A_2, %dma_start3A_33] : memref<10240x128xf32, #tpu.memory_space<vmem_shared>> -> memref<640x128xf32, #tpu.memory_space<vmem_shared>>
      tpu.enqueue_dma source(%dma_start3A_34 : memref<640x128xf32, #tpu.memory_space<vmem_shared>>) target(%dma_start3A_32 : memref<640x128xf32, #tpu.memory_space<hbm>>) target_semaphore(%run_scoped3A : memref<!tpu.dma_semaphore, #tpu.memory_space<semaphore_mem>>)
      %dma_wait3A_35 = arith.constant 0 : i32
      %dma_wait3A_36 = tpu.memref_slice %arg6[%arg0, %mul3A_2, %dma_wait3A_35] : memref<2x10240x128xf32, #tpu.memory_space<hbm>> -> memref<1x640x128xf32, #tpu.memory_space<hbm>>
      %dma_wait3A_37 = tpu.memref_squeeze %dma_wait3A_36 : memref<1x640x128xf32, #tpu.memory_space<hbm>> -> memref<640x128xf32, #tpu.memory_space<hbm>>
      %dma_wait3A_38 = arith.constant 0 : i32
      %dma_wait3A_39 = tpu.memref_slice %arg13[%mul3A_2, %dma_wait3A_38] : memref<10240x128xf32, #tpu.memory_space<vmem_shared>> -> memref<640x128xf32, #tpu.memory_space<vmem_shared>>
      tpu.wait_dma2 semaphore(%run_scoped3A : memref<!tpu.dma_semaphore, #tpu.memory_space<semaphore_mem>>) src(%dma_wait3A_39 : memref<640x128xf32, #tpu.memory_space<vmem_shared>>) dst(%dma_wait3A_37 : memref<640x128xf32, #tpu.memory_space<hbm>>)
      tpu.yield
    }) : () -> ()
    return
  }
}

#map = affine_map<(d0, d1) -> (0, 0, 0)>
#map1 = affine_map<(d0, d1) -> (0, 0)>
module attributes {stable_mosaic.version = 14 : i64} {
  func.func @_sc_degree(%arg0: i32, %arg1: i32, %arg2: memref<32x80x128xi32, #tpu.memory_space<hbm>>, %arg3: memref<128x128xf32, #tpu.memory_space<hbm>>, %arg4: memref<640x128xf32, #tpu.memory_space<hbm>>, %arg5: memref<2x10240x128xf32, #tpu.memory_space<hbm>>, %arg6: memref<128xi32, #tpu.memory_space<vmem>>, %arg7: memref<128xi32, #tpu.memory_space<vmem>>, %arg8: memref<128x128xf32, #tpu.memory_space<vmem>>, %arg9: memref<10240x128xf32, #tpu.memory_space<vmem_shared>>, %arg10: memref<!tpu.dma_semaphore, #tpu.memory_space<semaphore_mem>>, %arg11: memref<!tpu.dma_semaphore, #tpu.memory_space<semaphore_mem>>) attributes {dimension_semantics = [#tpu.dimension_semantics<core_parallel>, #tpu.dimension_semantics<subcore_parallel>], iteration_bounds = array<i64: 2, 16>, scalar_prefetch = 0 : i64, scratch_operands = 6 : i64, tpu.core_type = #tpu.core_type<sc_vector_subcore>, window_params = [{transform_indices = #map}, {transform_indices = #map1}, {transform_indices = #map1}, {transform_indices = #map}]} {
    %mul3A = arith.constant 16 : i32
    %mul3A_0 = arith.muli %arg0, %mul3A : i32
    %add3A = arith.addi %mul3A_0, %arg1 : i32
    %mul3A_1 = arith.constant 640 : i32
    %mul3A_2 = arith.muli %arg1, %mul3A_1 : i32
    "tpu.region"() ({
      %run_scoped3A = tpu.sem_alloc : memref<!tpu.dma_semaphore, #tpu.memory_space<semaphore_mem>>
      %dma_start3A = arith.constant 0 : i32
      %dma_start3A_8 = tpu.memref_slice %arg9[%mul3A_2, %dma_start3A] : memref<10240x128xf32, #tpu.memory_space<vmem_shared>> -> memref<640x128xf32, #tpu.memory_space<vmem_shared>>
      tpu.enqueue_dma source(%arg4 : memref<640x128xf32, #tpu.memory_space<hbm>>) target(%dma_start3A_8 : memref<640x128xf32, #tpu.memory_space<vmem_shared>>) target_semaphore(%run_scoped3A : memref<!tpu.dma_semaphore, #tpu.memory_space<semaphore_mem>>)
      %dma_wait3A = arith.constant 0 : i32
      %dma_wait3A_9 = tpu.memref_slice %arg9[%mul3A_2, %dma_wait3A] : memref<10240x128xf32, #tpu.memory_space<vmem_shared>> -> memref<640x128xf32, #tpu.memory_space<vmem_shared>>
      tpu.wait_dma2 semaphore(%run_scoped3A : memref<!tpu.dma_semaphore, #tpu.memory_space<semaphore_mem>>) src(%arg4 : memref<640x128xf32, #tpu.memory_space<hbm>>) dst(%dma_wait3A_9 : memref<640x128xf32, #tpu.memory_space<vmem_shared>>)
      tpu.yield
    }) : () -> ()
    "tpu.region"() ({
      %run_scoped3A = tpu.sem_alloc : memref<!tpu.dma_semaphore, #tpu.memory_space<semaphore_mem>>
      tpu.enqueue_dma source(%arg3 : memref<128x128xf32, #tpu.memory_space<hbm>>) target(%arg8 : memref<128x128xf32, #tpu.memory_space<vmem>>) target_semaphore(%run_scoped3A : memref<!tpu.dma_semaphore, #tpu.memory_space<semaphore_mem>>)
      tpu.wait_dma2 semaphore(%run_scoped3A : memref<!tpu.dma_semaphore, #tpu.memory_space<semaphore_mem>>) src(%arg3 : memref<128x128xf32, #tpu.memory_space<hbm>>) dst(%arg8 : memref<128x128xf32, #tpu.memory_space<vmem>>)
      tpu.yield
    }) : () -> ()
    %barrier3A = arith.constant 0 : index
    tpu.barrier barrier_id(%barrier3A)
    %scan3A = arith.constant 0 : i32
    %scan3A_3 = arith.constant 80 : i32
    %scan3A_4 = arith.addi %scan3A, %scan3A_3 : i32
    %scan3A_5 = arith.constant 1 : i32
    scf.for %scan3A_8 = %scan3A to %scan3A_4 step %scan3A_5  : i32 {
      %mul3A_9 = arith.constant 1 : i32
      %mul3A_10 = arith.muli %scan3A_8, %mul3A_9 : i32
      %add3A_11 = arith.constant 0 : i32
      %add3A_12 = arith.addi %add3A_11, %mul3A_10 : i32
      "tpu.region"() ({
        %run_scoped3A = tpu.sem_alloc : memref<!tpu.dma_semaphore, #tpu.memory_space<semaphore_mem>>
        %dma_start3A = arith.constant 0 : i32
        %dma_start3A_13 = tpu.memref_slice %arg2[%add3A, %add3A_12, %dma_start3A] : memref<32x80x128xi32, #tpu.memory_space<hbm>> -> memref<1x1x128xi32, #tpu.memory_space<hbm>>
        %dma_start3A_14 = tpu.memref_squeeze %dma_start3A_13 : memref<1x1x128xi32, #tpu.memory_space<hbm>> -> memref<128xi32, #tpu.memory_space<hbm>>
        %dma_start3A_15 = arith.constant 0 : i32
        %dma_start3A_16 = tpu.memref_slice %arg2[%add3A, %add3A_12, %dma_start3A_15] : memref<32x80x128xi32, #tpu.memory_space<hbm>> -> memref<1x1x128xi32, #tpu.memory_space<hbm>>
        %dma_start3A_17 = tpu.memref_squeeze %dma_start3A_16 : memref<1x1x128xi32, #tpu.memory_space<hbm>> -> memref<128xi32, #tpu.memory_space<hbm>>
        tpu.enqueue_dma source(%dma_start3A_17 : memref<128xi32, #tpu.memory_space<hbm>>) target(%arg6 : memref<128xi32, #tpu.memory_space<vmem>>) target_semaphore(%run_scoped3A : memref<!tpu.dma_semaphore, #tpu.memory_space<semaphore_mem>>)
        %dma_wait3A = arith.constant 0 : i32
        %dma_wait3A_18 = tpu.memref_slice %arg2[%add3A, %add3A_12, %dma_wait3A] : memref<32x80x128xi32, #tpu.memory_space<hbm>> -> memref<1x1x128xi32, #tpu.memory_space<hbm>>
        %dma_wait3A_19 = tpu.memref_squeeze %dma_wait3A_18 : memref<1x1x128xi32, #tpu.memory_space<hbm>> -> memref<128xi32, #tpu.memory_space<hbm>>
        %dma_wait3A_20 = arith.constant 0 : i32
        %dma_wait3A_21 = tpu.memref_slice %arg2[%add3A, %add3A_12, %dma_wait3A_20] : memref<32x80x128xi32, #tpu.memory_space<hbm>> -> memref<1x1x128xi32, #tpu.memory_space<hbm>>
        %dma_wait3A_22 = tpu.memref_squeeze %dma_wait3A_21 : memref<1x1x128xi32, #tpu.memory_space<hbm>> -> memref<128xi32, #tpu.memory_space<hbm>>
        tpu.wait_dma2 semaphore(%run_scoped3A : memref<!tpu.dma_semaphore, #tpu.memory_space<semaphore_mem>>) src(%dma_wait3A_22 : memref<128xi32, #tpu.memory_space<hbm>>) dst(%arg6 : memref<128xi32, #tpu.memory_space<vmem>>)
        tpu.yield
      }) : () -> ()
      "tpu.region"() ({
        %run_scoped3A = tpu.sem_alloc : memref<!tpu.dma_semaphore, #tpu.memory_space<semaphore_mem>>
        %dma_start3A = arith.constant 0 : i32
        %dma_start3A_13 = arith.constant 0 : i32
        %dma_start3A_14 = tpu.memref_slice %arg9[%dma_start3A, %dma_start3A_13] : memref<10240x128xf32, #tpu.memory_space<vmem_shared>> -> memref<10240x128xf32, #tpu.memory_space<vmem_shared>>
        tpu.enqueue_indirect_dma source(%arg8 : memref<128x128xf32, #tpu.memory_space<vmem>>) target(%dma_start3A_14 : memref<10240x128xf32, #tpu.memory_space<vmem_shared>>) offsets(%arg6 : memref<128xi32, #tpu.memory_space<vmem>>) semaphore(%run_scoped3A : memref<!tpu.dma_semaphore, #tpu.memory_space<semaphore_mem>>) {add = true}
        %dma_wait3A = arith.constant 0 : i32
        %dma_wait3A_15 = arith.constant 0 : i32
        %dma_wait3A_16 = tpu.memref_slice %arg9[%dma_wait3A, %dma_wait3A_15] : memref<10240x128xf32, #tpu.memory_space<vmem_shared>> -> memref<10240x128xf32, #tpu.memory_space<vmem_shared>>
        tpu.wait_indirect_dma semaphore(%run_scoped3A : memref<!tpu.dma_semaphore, #tpu.memory_space<semaphore_mem>>) src(%arg8 : memref<128x128xf32, #tpu.memory_space<vmem>>) dst(%dma_wait3A_16 : memref<10240x128xf32, #tpu.memory_space<vmem_shared>>)
        tpu.yield
      }) : () -> ()
    }
    %scan3A_6 = arith.constant 80 : i32
    %barrier3A_7 = arith.constant 0 : index
    tpu.barrier barrier_id(%barrier3A_7)
    "tpu.region"() ({
      %run_scoped3A = tpu.sem_alloc : memref<!tpu.dma_semaphore, #tpu.memory_space<semaphore_mem>>
      %dma_start3A = arith.constant 0 : i32
      %dma_start3A_8 = tpu.memref_slice %arg5[%arg0, %mul3A_2, %dma_start3A] : memref<2x10240x128xf32, #tpu.memory_space<hbm>> -> memref<1x640x128xf32, #tpu.memory_space<hbm>>
      %dma_start3A_9 = tpu.memref_squeeze %dma_start3A_8 : memref<1x640x128xf32, #tpu.memory_space<hbm>> -> memref<640x128xf32, #tpu.memory_space<hbm>>
      %dma_start3A_10 = arith.constant 0 : i32
      %dma_start3A_11 = tpu.memref_slice %arg9[%mul3A_2, %dma_start3A_10] : memref<10240x128xf32, #tpu.memory_space<vmem_shared>> -> memref<640x128xf32, #tpu.memory_space<vmem_shared>>
      tpu.enqueue_dma source(%dma_start3A_11 : memref<640x128xf32, #tpu.memory_space<vmem_shared>>) target(%dma_start3A_9 : memref<640x128xf32, #tpu.memory_space<hbm>>) target_semaphore(%run_scoped3A : memref<!tpu.dma_semaphore, #tpu.memory_space<semaphore_mem>>)
      %dma_wait3A = arith.constant 0 : i32
      %dma_wait3A_12 = tpu.memref_slice %arg5[%arg0, %mul3A_2, %dma_wait3A] : memref<2x10240x128xf32, #tpu.memory_space<hbm>> -> memref<1x640x128xf32, #tpu.memory_space<hbm>>
      %dma_wait3A_13 = tpu.memref_squeeze %dma_wait3A_12 : memref<1x640x128xf32, #tpu.memory_space<hbm>> -> memref<640x128xf32, #tpu.memory_space<hbm>>
      %dma_wait3A_14 = arith.constant 0 : i32
      %dma_wait3A_15 = tpu.memref_slice %arg9[%mul3A_2, %dma_wait3A_14] : memref<10240x128xf32, #tpu.memory_space<vmem_shared>> -> memref<640x128xf32, #tpu.memory_space<vmem_shared>>
      tpu.wait_dma2 semaphore(%run_scoped3A : memref<!tpu.dma_semaphore, #tpu.memory_space<semaphore_mem>>) src(%dma_wait3A_15 : memref<640x128xf32, #tpu.memory_space<vmem_shared>>) dst(%dma_wait3A_13 : memref<640x128xf32, #tpu.memory_space<hbm>>)
      tpu.yield
    }) : () -> ()
    return
  }
}

#map = affine_map<(d0, d1) -> (0, 0)>
#map1 = affine_map<(d0, d1) -> (0, 0, 0)>
module attributes {stable_mosaic.version = 14 : i64} {
  func.func @_sc_aggregate(%arg0: i32, %arg1: i32, %arg2: memref<10240x128xf32, #tpu.memory_space<hbm>>, %arg3: memref<32x80x128xi32, #tpu.memory_space<hbm>>, %arg4: memref<32x80x128xi32, #tpu.memory_space<hbm>>, %arg5: memref<640x128xf32, #tpu.memory_space<hbm>>, %arg6: memref<2x10240x128xf32, #tpu.memory_space<hbm>>, %arg7: memref<128xi32, #tpu.memory_space<vmem>>, %arg8: memref<128xi32, #tpu.memory_space<vmem>>, %arg9: memref<128xi32, #tpu.memory_space<vmem>>, %arg10: memref<128xi32, #tpu.memory_space<vmem>>, %arg11: memref<128x128xf32, #tpu.memory_space<vmem>>, %arg12: memref<128x128xf32, #tpu.memory_space<vmem>>, %arg13: memref<10240x128xf32, #tpu.memory_space<vmem_shared>>, %arg14: memref<!tpu.dma_semaphore, #tpu.memory_space<semaphore_mem>>, %arg15: memref<!tpu.dma_semaphore, #tpu.memory_space<semaphore_mem>>, %arg16: memref<!tpu.dma_semaphore, #tpu.memory_space<semaphore_mem>>, %arg17: memref<!tpu.dma_semaphore, #tpu.memory_space<semaphore_mem>>, %arg18: memref<!tpu.dma_semaphore, #tpu.memory_space<semaphore_mem>>, %arg19: memref<!tpu.dma_semaphore, #tpu.memory_space<semaphore_mem>>) attributes {dimension_semantics = [#tpu.dimension_semantics<core_parallel>, #tpu.dimension_semantics<subcore_parallel>], iteration_bounds = array<i64: 2, 16>, scalar_prefetch = 0 : i64, scratch_operands = 13 : i64, tpu.core_type = #tpu.core_type<sc_vector_subcore>, window_params = [{transform_indices = #map}, {transform_indices = #map1}, {transform_indices = #map1}, {transform_indices = #map}, {transform_indices = #map1}]} {
    %mul3A = arith.constant 16 : i32
    %mul3A_0 = arith.muli %arg0, %mul3A : i32
    %add3A = arith.addi %mul3A_0, %arg1 : i32
    %mul3A_1 = arith.constant 640 : i32
    %mul3A_2 = arith.muli %arg1, %mul3A_1 : i32
    "tpu.region"() ({
      %run_scoped3A = tpu.sem_alloc : memref<!tpu.dma_semaphore, #tpu.memory_space<semaphore_mem>>
      %dma_start3A_30 = arith.constant 0 : i32
      %dma_start3A_31 = tpu.memref_slice %arg13[%mul3A_2, %dma_start3A_30] : memref<10240x128xf32, #tpu.memory_space<vmem_shared>> -> memref<640x128xf32, #tpu.memory_space<vmem_shared>>
      tpu.enqueue_dma source(%arg5 : memref<640x128xf32, #tpu.memory_space<hbm>>) target(%dma_start3A_31 : memref<640x128xf32, #tpu.memory_space<vmem_shared>>) target_semaphore(%run_scoped3A : memref<!tpu.dma_semaphore, #tpu.memory_space<semaphore_mem>>)
      %dma_wait3A_32 = arith.constant 0 : i32
      %dma_wait3A_33 = tpu.memref_slice %arg13[%mul3A_2, %dma_wait3A_32] : memref<10240x128xf32, #tpu.memory_space<vmem_shared>> -> memref<640x128xf32, #tpu.memory_space<vmem_shared>>
      tpu.wait_dma2 semaphore(%run_scoped3A : memref<!tpu.dma_semaphore, #tpu.memory_space<semaphore_mem>>) src(%arg5 : memref<640x128xf32, #tpu.memory_space<hbm>>) dst(%dma_wait3A_33 : memref<640x128xf32, #tpu.memory_space<vmem_shared>>)
      tpu.yield
    }) : () -> ()
    %barrier3A = arith.constant 0 : index
    tpu.barrier barrier_id(%barrier3A)
    %dma_start3A = arith.constant 0 : i32
    %dma_start3A_3 = arith.constant 0 : i32
    %dma_start3A_4 = tpu.memref_slice %arg3[%add3A, %dma_start3A, %dma_start3A_3] : memref<32x80x128xi32, #tpu.memory_space<hbm>> -> memref<1x1x128xi32, #tpu.memory_space<hbm>>
    %dma_start3A_5 = tpu.memref_squeeze %dma_start3A_4 : memref<1x1x128xi32, #tpu.memory_space<hbm>> -> memref<128xi32, #tpu.memory_space<hbm>>
    %dma_start3A_6 = arith.constant 0 : i32
    %dma_start3A_7 = tpu.memref_slice %arg3[%add3A, %dma_start3A, %dma_start3A_6] : memref<32x80x128xi32, #tpu.memory_space<hbm>> -> memref<1x1x128xi32, #tpu.memory_space<hbm>>
    %dma_start3A_8 = tpu.memref_squeeze %dma_start3A_7 : memref<1x1x128xi32, #tpu.memory_space<hbm>> -> memref<128xi32, #tpu.memory_space<hbm>>
    tpu.enqueue_dma source(%dma_start3A_8 : memref<128xi32, #tpu.memory_space<hbm>>) target(%arg7 : memref<128xi32, #tpu.memory_space<vmem>>) target_semaphore(%arg14 : memref<!tpu.dma_semaphore, #tpu.memory_space<semaphore_mem>>)
    %dma_start3A_9 = arith.constant 0 : i32
    %dma_start3A_10 = arith.constant 0 : i32
    %dma_start3A_11 = tpu.memref_slice %arg4[%add3A, %dma_start3A_9, %dma_start3A_10] : memref<32x80x128xi32, #tpu.memory_space<hbm>> -> memref<1x1x128xi32, #tpu.memory_space<hbm>>
    %dma_start3A_12 = tpu.memref_squeeze %dma_start3A_11 : memref<1x1x128xi32, #tpu.memory_space<hbm>> -> memref<128xi32, #tpu.memory_space<hbm>>
    %dma_start3A_13 = arith.constant 0 : i32
    %dma_start3A_14 = tpu.memref_slice %arg4[%add3A, %dma_start3A_9, %dma_start3A_13] : memref<32x80x128xi32, #tpu.memory_space<hbm>> -> memref<1x1x128xi32, #tpu.memory_space<hbm>>
    %dma_start3A_15 = tpu.memref_squeeze %dma_start3A_14 : memref<1x1x128xi32, #tpu.memory_space<hbm>> -> memref<128xi32, #tpu.memory_space<hbm>>
    tpu.enqueue_dma source(%dma_start3A_15 : memref<128xi32, #tpu.memory_space<hbm>>) target(%arg9 : memref<128xi32, #tpu.memory_space<vmem>>) target_semaphore(%arg16 : memref<!tpu.dma_semaphore, #tpu.memory_space<semaphore_mem>>)
    %dma_wait3A = arith.constant 0 : i32
    %dma_wait3A_16 = arith.constant 0 : i32
    %dma_wait3A_17 = tpu.memref_slice %arg3[%add3A, %dma_wait3A, %dma_wait3A_16] : memref<32x80x128xi32, #tpu.memory_space<hbm>> -> memref<1x1x128xi32, #tpu.memory_space<hbm>>
    %dma_wait3A_18 = tpu.memref_squeeze %dma_wait3A_17 : memref<1x1x128xi32, #tpu.memory_space<hbm>> -> memref<128xi32, #tpu.memory_space<hbm>>
    %dma_wait3A_19 = arith.constant 0 : i32
    %dma_wait3A_20 = tpu.memref_slice %arg3[%add3A, %dma_wait3A, %dma_wait3A_19] : memref<32x80x128xi32, #tpu.memory_space<hbm>> -> memref<1x1x128xi32, #tpu.memory_space<hbm>>
    %dma_wait3A_21 = tpu.memref_squeeze %dma_wait3A_20 : memref<1x1x128xi32, #tpu.memory_space<hbm>> -> memref<128xi32, #tpu.memory_space<hbm>>
    tpu.wait_dma2 semaphore(%arg14 : memref<!tpu.dma_semaphore, #tpu.memory_space<semaphore_mem>>) src(%dma_wait3A_21 : memref<128xi32, #tpu.memory_space<hbm>>) dst(%arg7 : memref<128xi32, #tpu.memory_space<vmem>>)
    %dma_start3A_22 = arith.constant 0 : i32
    %dma_start3A_23 = arith.constant 0 : i32
    %dma_start3A_24 = tpu.memref_slice %arg2[%dma_start3A_22, %dma_start3A_23] : memref<10240x128xf32, #tpu.memory_space<hbm>> -> memref<10240x128xf32, #tpu.memory_space<hbm>>
    tpu.enqueue_indirect_dma source(%dma_start3A_24 : memref<10240x128xf32, #tpu.memory_space<hbm>>) target(%arg11 : memref<128x128xf32, #tpu.memory_space<vmem>>) offsets(%arg7 : memref<128xi32, #tpu.memory_space<vmem>>) semaphore(%arg18 : memref<!tpu.dma_semaphore, #tpu.memory_space<semaphore_mem>>)
    %scan3A = arith.constant 0 : i32
    %scan3A_25 = arith.constant 40 : i32
    %scan3A_26 = arith.addi %scan3A, %scan3A_25 : i32
    %scan3A_27 = arith.constant 1 : i32
    scf.for %scan3A_30 = %scan3A to %scan3A_26 step %scan3A_27  : i32 {
      %mul3A_31 = arith.constant 1 : i32
      %mul3A_32 = arith.muli %scan3A_30, %mul3A_31 : i32
      %add3A_33 = arith.constant 0 : i32
      %add3A_34 = arith.addi %add3A_33, %mul3A_32 : i32
      %mul3A_35 = arith.constant 2 : i32
      %mul3A_36 = arith.muli %add3A_34, %mul3A_35 : i32
      %add3A_37 = arith.constant 1 : i32
      %add3A_38 = arith.addi %mul3A_36, %add3A_37 : i32
      %dma_start3A_39 = arith.constant 0 : i32
      %dma_start3A_40 = tpu.memref_slice %arg3[%add3A, %add3A_38, %dma_start3A_39] : memref<32x80x128xi32, #tpu.memory_space<hbm>> -> memref<1x1x128xi32, #tpu.memory_space<hbm>>
      %dma_start3A_41 = tpu.memref_squeeze %dma_start3A_40 : memref<1x1x128xi32, #tpu.memory_space<hbm>> -> memref<128xi32, #tpu.memory_space<hbm>>
      %dma_start3A_42 = arith.constant 0 : i32
      %dma_start3A_43 = tpu.memref_slice %arg3[%add3A, %add3A_38, %dma_start3A_42] : memref<32x80x128xi32, #tpu.memory_space<hbm>> -> memref<1x1x128xi32, #tpu.memory_space<hbm>>
      %dma_start3A_44 = tpu.memref_squeeze %dma_start3A_43 : memref<1x1x128xi32, #tpu.memory_space<hbm>> -> memref<128xi32, #tpu.memory_space<hbm>>
      tpu.enqueue_dma source(%dma_start3A_44 : memref<128xi32, #tpu.memory_space<hbm>>) target(%arg8 : memref<128xi32, #tpu.memory_space<vmem>>) target_semaphore(%arg15 : memref<!tpu.dma_semaphore, #tpu.memory_space<semaphore_mem>>)
      %add3A_45 = arith.constant 1 : i32
      %add3A_46 = arith.addi %mul3A_36, %add3A_45 : i32
      %dma_start3A_47 = arith.constant 0 : i32
      %dma_start3A_48 = tpu.memref_slice %arg4[%add3A, %add3A_46, %dma_start3A_47] : memref<32x80x128xi32, #tpu.memory_space<hbm>> -> memref<1x1x128xi32, #tpu.memory_space<hbm>>
      %dma_start3A_49 = tpu.memref_squeeze %dma_start3A_48 : memref<1x1x128xi32, #tpu.memory_space<hbm>> -> memref<128xi32, #tpu.memory_space<hbm>>
      %dma_start3A_50 = arith.constant 0 : i32
      %dma_start3A_51 = tpu.memref_slice %arg4[%add3A, %add3A_46, %dma_start3A_50] : memref<32x80x128xi32, #tpu.memory_space<hbm>> -> memref<1x1x128xi32, #tpu.memory_space<hbm>>
      %dma_start3A_52 = tpu.memref_squeeze %dma_start3A_51 : memref<1x1x128xi32, #tpu.memory_space<hbm>> -> memref<128xi32, #tpu.memory_space<hbm>>
      tpu.enqueue_dma source(%dma_start3A_52 : memref<128xi32, #tpu.memory_space<hbm>>) target(%arg10 : memref<128xi32, #tpu.memory_space<vmem>>) target_semaphore(%arg17 : memref<!tpu.dma_semaphore, #tpu.memory_space<semaphore_mem>>)
      %dma_wait3A_53 = arith.constant 0 : i32
      %dma_wait3A_54 = arith.constant 0 : i32
      %dma_wait3A_55 = tpu.memref_slice %arg2[%dma_wait3A_53, %dma_wait3A_54] : memref<10240x128xf32, #tpu.memory_space<hbm>> -> memref<10240x128xf32, #tpu.memory_space<hbm>>
      tpu.wait_indirect_dma semaphore(%arg18 : memref<!tpu.dma_semaphore, #tpu.memory_space<semaphore_mem>>) src(%dma_wait3A_55 : memref<10240x128xf32, #tpu.memory_space<hbm>>) dst(%arg11 : memref<128x128xf32, #tpu.memory_space<vmem>>)
      %add3A_56 = arith.constant 1 : i32
      %add3A_57 = arith.addi %mul3A_36, %add3A_56 : i32
      %dma_wait3A_58 = arith.constant 0 : i32
      %dma_wait3A_59 = tpu.memref_slice %arg3[%add3A, %add3A_57, %dma_wait3A_58] : memref<32x80x128xi32, #tpu.memory_space<hbm>> -> memref<1x1x128xi32, #tpu.memory_space<hbm>>
      %dma_wait3A_60 = tpu.memref_squeeze %dma_wait3A_59 : memref<1x1x128xi32, #tpu.memory_space<hbm>> -> memref<128xi32, #tpu.memory_space<hbm>>
      %dma_wait3A_61 = arith.constant 0 : i32
      %dma_wait3A_62 = tpu.memref_slice %arg3[%add3A, %add3A_57, %dma_wait3A_61] : memref<32x80x128xi32, #tpu.memory_space<hbm>> -> memref<1x1x128xi32, #tpu.memory_space<hbm>>
      %dma_wait3A_63 = tpu.memref_squeeze %dma_wait3A_62 : memref<1x1x128xi32, #tpu.memory_space<hbm>> -> memref<128xi32, #tpu.memory_space<hbm>>
      tpu.wait_dma2 semaphore(%arg15 : memref<!tpu.dma_semaphore, #tpu.memory_space<semaphore_mem>>) src(%dma_wait3A_63 : memref<128xi32, #tpu.memory_space<hbm>>) dst(%arg8 : memref<128xi32, #tpu.memory_space<vmem>>)
      %dma_start3A_64 = arith.constant 0 : i32
      %dma_start3A_65 = arith.constant 0 : i32
      %dma_start3A_66 = tpu.memref_slice %arg2[%dma_start3A_64, %dma_start3A_65] : memref<10240x128xf32, #tpu.memory_space<hbm>> -> memref<10240x128xf32, #tpu.memory_space<hbm>>
      tpu.enqueue_indirect_dma source(%dma_start3A_66 : memref<10240x128xf32, #tpu.memory_space<hbm>>) target(%arg12 : memref<128x128xf32, #tpu.memory_space<vmem>>) offsets(%arg8 : memref<128xi32, #tpu.memory_space<vmem>>) semaphore(%arg19 : memref<!tpu.dma_semaphore, #tpu.memory_space<semaphore_mem>>)
      %dma_wait3A_67 = arith.constant 0 : i32
      %dma_wait3A_68 = tpu.memref_slice %arg4[%add3A, %mul3A_36, %dma_wait3A_67] : memref<32x80x128xi32, #tpu.memory_space<hbm>> -> memref<1x1x128xi32, #tpu.memory_space<hbm>>
      %dma_wait3A_69 = tpu.memref_squeeze %dma_wait3A_68 : memref<1x1x128xi32, #tpu.memory_space<hbm>> -> memref<128xi32, #tpu.memory_space<hbm>>
      %dma_wait3A_70 = arith.constant 0 : i32
      %dma_wait3A_71 = tpu.memref_slice %arg4[%add3A, %mul3A_36, %dma_wait3A_70] : memref<32x80x128xi32, #tpu.memory_space<hbm>> -> memref<1x1x128xi32, #tpu.memory_space<hbm>>
      %dma_wait3A_72 = tpu.memref_squeeze %dma_wait3A_71 : memref<1x1x128xi32, #tpu.memory_space<hbm>> -> memref<128xi32, #tpu.memory_space<hbm>>
      tpu.wait_dma2 semaphore(%arg16 : memref<!tpu.dma_semaphore, #tpu.memory_space<semaphore_mem>>) src(%dma_wait3A_72 : memref<128xi32, #tpu.memory_space<hbm>>) dst(%arg9 : memref<128xi32, #tpu.memory_space<vmem>>)
      "tpu.region"() ({
        %run_scoped3A = tpu.sem_alloc : memref<!tpu.dma_semaphore, #tpu.memory_space<semaphore_mem>>
        %dma_start3A_95 = arith.constant 0 : i32
        %dma_start3A_96 = arith.constant 0 : i32
        %dma_start3A_97 = tpu.memref_slice %arg13[%dma_start3A_95, %dma_start3A_96] : memref<10240x128xf32, #tpu.memory_space<vmem_shared>> -> memref<10240x128xf32, #tpu.memory_space<vmem_shared>>
        tpu.enqueue_indirect_dma source(%arg11 : memref<128x128xf32, #tpu.memory_space<vmem>>) target(%dma_start3A_97 : memref<10240x128xf32, #tpu.memory_space<vmem_shared>>) offsets(%arg9 : memref<128xi32, #tpu.memory_space<vmem>>) semaphore(%run_scoped3A : memref<!tpu.dma_semaphore, #tpu.memory_space<semaphore_mem>>) {add = true}
        %dma_wait3A_98 = arith.constant 0 : i32
        %dma_wait3A_99 = arith.constant 0 : i32
        %dma_wait3A_100 = tpu.memref_slice %arg13[%dma_wait3A_98, %dma_wait3A_99] : memref<10240x128xf32, #tpu.memory_space<vmem_shared>> -> memref<10240x128xf32, #tpu.memory_space<vmem_shared>>
        tpu.wait_indirect_dma semaphore(%run_scoped3A : memref<!tpu.dma_semaphore, #tpu.memory_space<semaphore_mem>>) src(%arg11 : memref<128x128xf32, #tpu.memory_space<vmem>>) dst(%dma_wait3A_100 : memref<10240x128xf32, #tpu.memory_space<vmem_shared>>)
        tpu.yield
      }) : () -> ()
      %add3A_73 = arith.constant 2 : i32
      %add3A_74 = arith.addi %mul3A_36, %add3A_73 : i32
      %lt3A = arith.constant 80 : i32
      %lt3A_75 = arith.cmpi slt, %add3A_74, %lt3A : i32
      %convert_element_type3A = arith.extui %lt3A_75 : i1 to i32
      %cond3A = arith.constant 0 : i32
      %cond3A_76 = arith.cmpi ne, %convert_element_type3A, %cond3A : i32
      scf.if %cond3A_76 {
        %add3A_95 = arith.constant 2 : i32
        %add3A_96 = arith.addi %mul3A_36, %add3A_95 : i32
        %dma_start3A_97 = arith.constant 0 : i32
        %dma_start3A_98 = tpu.memref_slice %arg3[%add3A, %add3A_96, %dma_start3A_97] : memref<32x80x128xi32, #tpu.memory_space<hbm>> -> memref<1x1x128xi32, #tpu.memory_space<hbm>>
        %dma_start3A_99 = tpu.memref_squeeze %dma_start3A_98 : memref<1x1x128xi32, #tpu.memory_space<hbm>> -> memref<128xi32, #tpu.memory_space<hbm>>
        %dma_start3A_100 = arith.constant 0 : i32
        %dma_start3A_101 = tpu.memref_slice %arg3[%add3A, %add3A_96, %dma_start3A_100] : memref<32x80x128xi32, #tpu.memory_space<hbm>> -> memref<1x1x128xi32, #tpu.memory_space<hbm>>
        %dma_start3A_102 = tpu.memref_squeeze %dma_start3A_101 : memref<1x1x128xi32, #tpu.memory_space<hbm>> -> memref<128xi32, #tpu.memory_space<hbm>>
        tpu.enqueue_dma source(%dma_start3A_102 : memref<128xi32, #tpu.memory_space<hbm>>) target(%arg7 : memref<128xi32, #tpu.memory_space<vmem>>) target_semaphore(%arg14 : memref<!tpu.dma_semaphore, #tpu.memory_space<semaphore_mem>>)
        %add3A_103 = arith.constant 2 : i32
        %add3A_104 = arith.addi %mul3A_36, %add3A_103 : i32
        %dma_start3A_105 = arith.constant 0 : i32
        %dma_start3A_106 = tpu.memref_slice %arg4[%add3A, %add3A_104, %dma_start3A_105] : memref<32x80x128xi32, #tpu.memory_space<hbm>> -> memref<1x1x128xi32, #tpu.memory_space<hbm>>
        %dma_start3A_107 = tpu.memref_squeeze %dma_start3A_106 : memref<1x1x128xi32, #tpu.memory_space<hbm>> -> memref<128xi32, #tpu.memory_space<hbm>>
        %dma_start3A_108 = arith.constant 0 : i32
        %dma_start3A_109 = tpu.memref_slice %arg4[%add3A, %add3A_104, %dma_start3A_108] : memref<32x80x128xi32, #tpu.memory_space<hbm>> -> memref<1x1x128xi32, #tpu.memory_space<hbm>>
        %dma_start3A_110 = tpu.memref_squeeze %dma_start3A_109 : memref<1x1x128xi32, #tpu.memory_space<hbm>> -> memref<128xi32, #tpu.memory_space<hbm>>
        tpu.enqueue_dma source(%dma_start3A_110 : memref<128xi32, #tpu.memory_space<hbm>>) target(%arg9 : memref<128xi32, #tpu.memory_space<vmem>>) target_semaphore(%arg16 : memref<!tpu.dma_semaphore, #tpu.memory_space<semaphore_mem>>)
      } else {
      }
      %dma_wait3A_77 = arith.constant 0 : i32
      %dma_wait3A_78 = arith.constant 0 : i32
      %dma_wait3A_79 = tpu.memref_slice %arg2[%dma_wait3A_77, %dma_wait3A_78] : memref<10240x128xf32, #tpu.memory_space<hbm>> -> memref<10240x128xf32, #tpu.memory_space<hbm>>
      tpu.wait_indirect_dma semaphore(%arg19 : memref<!tpu.dma_semaphore, #tpu.memory_space<semaphore_mem>>) src(%dma_wait3A_79 : memref<10240x128xf32, #tpu.memory_space<hbm>>) dst(%arg12 : memref<128x128xf32, #tpu.memory_space<vmem>>)
      %add3A_80 = arith.constant 2 : i32
      %add3A_81 = arith.addi %mul3A_36, %add3A_80 : i32
      %lt3A_82 = arith.constant 80 : i32
      %lt3A_83 = arith.cmpi slt, %add3A_81, %lt3A_82 : i32
      %convert_element_type3A_84 = arith.extui %lt3A_83 : i1 to i32
      %cond3A_85 = arith.constant 0 : i32
      %cond3A_86 = arith.cmpi ne, %convert_element_type3A_84, %cond3A_85 : i32
      scf.if %cond3A_86 {
        %add3A_95 = arith.constant 2 : i32
        %add3A_96 = arith.addi %mul3A_36, %add3A_95 : i32
        %dma_wait3A_97 = arith.constant 0 : i32
        %dma_wait3A_98 = tpu.memref_slice %arg3[%add3A, %add3A_96, %dma_wait3A_97] : memref<32x80x128xi32, #tpu.memory_space<hbm>> -> memref<1x1x128xi32, #tpu.memory_space<hbm>>
        %dma_wait3A_99 = tpu.memref_squeeze %dma_wait3A_98 : memref<1x1x128xi32, #tpu.memory_space<hbm>> -> memref<128xi32, #tpu.memory_space<hbm>>
        %dma_wait3A_100 = arith.constant 0 : i32
        %dma_wait3A_101 = tpu.memref_slice %arg3[%add3A, %add3A_96, %dma_wait3A_100] : memref<32x80x128xi32, #tpu.memory_space<hbm>> -> memref<1x1x128xi32, #tpu.memory_space<hbm>>
        %dma_wait3A_102 = tpu.memref_squeeze %dma_wait3A_101 : memref<1x1x128xi32, #tpu.memory_space<hbm>> -> memref<128xi32, #tpu.memory_space<hbm>>
        tpu.wait_dma2 semaphore(%arg14 : memref<!tpu.dma_semaphore, #tpu.memory_space<semaphore_mem>>) src(%dma_wait3A_102 : memref<128xi32, #tpu.memory_space<hbm>>) dst(%arg7 : memref<128xi32, #tpu.memory_space<vmem>>)
        %dma_start3A_103 = arith.constant 0 : i32
        %dma_start3A_104 = arith.constant 0 : i32
        %dma_start3A_105 = tpu.memref_slice %arg2[%dma_start3A_103, %dma_start3A_104] : memref<10240x128xf32, #tpu.memory_space<hbm>> -> memref<10240x128xf32, #tpu.memory_space<hbm>>
        tpu.enqueue_indirect_dma source(%dma_start3A_105 : memref<10240x128xf32, #tpu.memory_space<hbm>>) target(%arg11 : memref<128x128xf32, #tpu.memory_space<vmem>>) offsets(%arg7 : memref<128xi32, #tpu.memory_space<vmem>>) semaphore(%arg18 : memref<!tpu.dma_semaphore, #tpu.memory_space<semaphore_mem>>)
      } else {
      }
      %add3A_87 = arith.constant 1 : i32
      %add3A_88 = arith.addi %mul3A_36, %add3A_87 : i32
      %dma_wait3A_89 = arith.constant 0 : i32
      %dma_wait3A_90 = tpu.memref_slice %arg4[%add3A, %add3A_88, %dma_wait3A_89] : memref<32x80x128xi32, #tpu.memory_space<hbm>> -> memref<1x1x128xi32, #tpu.memory_space<hbm>>
      %dma_wait3A_91 = tpu.memref_squeeze %dma_wait3A_90 : memref<1x1x128xi32, #tpu.memory_space<hbm>> -> memref<128xi32, #tpu.memory_space<hbm>>
      %dma_wait3A_92 = arith.constant 0 : i32
      %dma_wait3A_93 = tpu.memref_slice %arg4[%add3A, %add3A_88, %dma_wait3A_92] : memref<32x80x128xi32, #tpu.memory_space<hbm>> -> memref<1x1x128xi32, #tpu.memory_space<hbm>>
      %dma_wait3A_94 = tpu.memref_squeeze %dma_wait3A_93 : memref<1x1x128xi32, #tpu.memory_space<hbm>> -> memref<128xi32, #tpu.memory_space<hbm>>
      tpu.wait_dma2 semaphore(%arg17 : memref<!tpu.dma_semaphore, #tpu.memory_space<semaphore_mem>>) src(%dma_wait3A_94 : memref<128xi32, #tpu.memory_space<hbm>>) dst(%arg10 : memref<128xi32, #tpu.memory_space<vmem>>)
      "tpu.region"() ({
        %run_scoped3A = tpu.sem_alloc : memref<!tpu.dma_semaphore, #tpu.memory_space<semaphore_mem>>
        %dma_start3A_95 = arith.constant 0 : i32
        %dma_start3A_96 = arith.constant 0 : i32
        %dma_start3A_97 = tpu.memref_slice %arg13[%dma_start3A_95, %dma_start3A_96] : memref<10240x128xf32, #tpu.memory_space<vmem_shared>> -> memref<10240x128xf32, #tpu.memory_space<vmem_shared>>
        tpu.enqueue_indirect_dma source(%arg12 : memref<128x128xf32, #tpu.memory_space<vmem>>) target(%dma_start3A_97 : memref<10240x128xf32, #tpu.memory_space<vmem_shared>>) offsets(%arg10 : memref<128xi32, #tpu.memory_space<vmem>>) semaphore(%run_scoped3A : memref<!tpu.dma_semaphore, #tpu.memory_space<semaphore_mem>>) {add = true}
        %dma_wait3A_98 = arith.constant 0 : i32
        %dma_wait3A_99 = arith.constant 0 : i32
        %dma_wait3A_100 = tpu.memref_slice %arg13[%dma_wait3A_98, %dma_wait3A_99] : memref<10240x128xf32, #tpu.memory_space<vmem_shared>> -> memref<10240x128xf32, #tpu.memory_space<vmem_shared>>
        tpu.wait_indirect_dma semaphore(%run_scoped3A : memref<!tpu.dma_semaphore, #tpu.memory_space<semaphore_mem>>) src(%arg12 : memref<128x128xf32, #tpu.memory_space<vmem>>) dst(%dma_wait3A_100 : memref<10240x128xf32, #tpu.memory_space<vmem_shared>>)
        tpu.yield
      }) : () -> ()
    }
    %scan3A_28 = arith.constant 40 : i32
    %barrier3A_29 = arith.constant 0 : index
    tpu.barrier barrier_id(%barrier3A_29)
    "tpu.region"() ({
      %run_scoped3A = tpu.sem_alloc : memref<!tpu.dma_semaphore, #tpu.memory_space<semaphore_mem>>
      %dma_start3A_30 = arith.constant 0 : i32
      %dma_start3A_31 = tpu.memref_slice %arg6[%arg0, %mul3A_2, %dma_start3A_30] : memref<2x10240x128xf32, #tpu.memory_space<hbm>> -> memref<1x640x128xf32, #tpu.memory_space<hbm>>
      %dma_start3A_32 = tpu.memref_squeeze %dma_start3A_31 : memref<1x640x128xf32, #tpu.memory_space<hbm>> -> memref<640x128xf32, #tpu.memory_space<hbm>>
      %dma_start3A_33 = arith.constant 0 : i32
      %dma_start3A_34 = tpu.memref_slice %arg13[%mul3A_2, %dma_start3A_33] : memref<10240x128xf32, #tpu.memory_space<vmem_shared>> -> memref<640x128xf32, #tpu.memory_space<vmem_shared>>
      tpu.enqueue_dma source(%dma_start3A_34 : memref<640x128xf32, #tpu.memory_space<vmem_shared>>) target(%dma_start3A_32 : memref<640x128xf32, #tpu.memory_space<hbm>>) target_semaphore(%run_scoped3A : memref<!tpu.dma_semaphore, #tpu.memory_space<semaphore_mem>>)
      %dma_wait3A_35 = arith.constant 0 : i32
      %dma_wait3A_36 = tpu.memref_slice %arg6[%arg0, %mul3A_2, %dma_wait3A_35] : memref<2x10240x128xf32, #tpu.memory_space<hbm>> -> memref<1x640x128xf32, #tpu.memory_space<hbm>>
      %dma_wait3A_37 = tpu.memref_squeeze %dma_wait3A_36 : memref<1x640x128xf32, #tpu.memory_space<hbm>> -> memref<640x128xf32, #tpu.memory_space<hbm>>
      %dma_wait3A_38 = arith.constant 0 : i32
      %dma_wait3A_39 = tpu.memref_slice %arg13[%mul3A_2, %dma_wait3A_38] : memref<10240x128xf32, #tpu.memory_space<vmem_shared>> -> memref<640x128xf32, #tpu.memory_space<vmem_shared>>
      tpu.wait_dma2 semaphore(%run_scoped3A : memref<!tpu.dma_semaphore, #tpu.memory_space<semaphore_mem>>) src(%dma_wait3A_39 : memref<640x128xf32, #tpu.memory_space<vmem_shared>>) dst(%dma_wait3A_37 : memref<640x128xf32, #tpu.memory_space<hbm>>)
      tpu.yield
    }) : () -> ()
    return
  }
}

#map = affine_map<(d0, d1) -> (0, 0)>
#map1 = affine_map<(d0, d1) -> (0, 0, 0)>
module attributes {stable_mosaic.version = 14 : i64} {
  func.func @_sc_aggregate(%arg0: i32, %arg1: i32, %arg2: memref<10240x128xf32, #tpu.memory_space<hbm>>, %arg3: memref<32x80x128xi32, #tpu.memory_space<hbm>>, %arg4: memref<32x80x128xi32, #tpu.memory_space<hbm>>, %arg5: memref<640x128xf32, #tpu.memory_space<hbm>>, %arg6: memref<2x10240x128xf32, #tpu.memory_space<hbm>>, %arg7: memref<128xi32, #tpu.memory_space<vmem>>, %arg8: memref<128xi32, #tpu.memory_space<vmem>>, %arg9: memref<128xi32, #tpu.memory_space<vmem>>, %arg10: memref<128xi32, #tpu.memory_space<vmem>>, %arg11: memref<128x128xf32, #tpu.memory_space<vmem>>, %arg12: memref<128x128xf32, #tpu.memory_space<vmem>>, %arg13: memref<10240x128xf32, #tpu.memory_space<vmem_shared>>, %arg14: memref<!tpu.dma_semaphore, #tpu.memory_space<semaphore_mem>>, %arg15: memref<!tpu.dma_semaphore, #tpu.memory_space<semaphore_mem>>, %arg16: memref<!tpu.dma_semaphore, #tpu.memory_space<semaphore_mem>>, %arg17: memref<!tpu.dma_semaphore, #tpu.memory_space<semaphore_mem>>, %arg18: memref<!tpu.dma_semaphore, #tpu.memory_space<semaphore_mem>>, %arg19: memref<!tpu.dma_semaphore, #tpu.memory_space<semaphore_mem>>) attributes {dimension_semantics = [#tpu.dimension_semantics<core_parallel>, #tpu.dimension_semantics<subcore_parallel>], iteration_bounds = array<i64: 2, 16>, scalar_prefetch = 0 : i64, scratch_operands = 13 : i64, tpu.core_type = #tpu.core_type<sc_vector_subcore>, window_params = [{transform_indices = #map}, {transform_indices = #map1}, {transform_indices = #map1}, {transform_indices = #map}, {transform_indices = #map1}]} {
    %mul3A = arith.constant 16 : i32
    %mul3A_0 = arith.muli %arg0, %mul3A : i32
    %add3A = arith.addi %mul3A_0, %arg1 : i32
    %mul3A_1 = arith.constant 640 : i32
    %mul3A_2 = arith.muli %arg1, %mul3A_1 : i32
    "tpu.region"() ({
      %run_scoped3A = tpu.sem_alloc : memref<!tpu.dma_semaphore, #tpu.memory_space<semaphore_mem>>
      %dma_start3A_30 = arith.constant 0 : i32
      %dma_start3A_31 = tpu.memref_slice %arg13[%mul3A_2, %dma_start3A_30] : memref<10240x128xf32, #tpu.memory_space<vmem_shared>> -> memref<640x128xf32, #tpu.memory_space<vmem_shared>>
      tpu.enqueue_dma source(%arg5 : memref<640x128xf32, #tpu.memory_space<hbm>>) target(%dma_start3A_31 : memref<640x128xf32, #tpu.memory_space<vmem_shared>>) target_semaphore(%run_scoped3A : memref<!tpu.dma_semaphore, #tpu.memory_space<semaphore_mem>>)
      %dma_wait3A_32 = arith.constant 0 : i32
      %dma_wait3A_33 = tpu.memref_slice %arg13[%mul3A_2, %dma_wait3A_32] : memref<10240x128xf32, #tpu.memory_space<vmem_shared>> -> memref<640x128xf32, #tpu.memory_space<vmem_shared>>
      tpu.wait_dma2 semaphore(%run_scoped3A : memref<!tpu.dma_semaphore, #tpu.memory_space<semaphore_mem>>) src(%arg5 : memref<640x128xf32, #tpu.memory_space<hbm>>) dst(%dma_wait3A_33 : memref<640x128xf32, #tpu.memory_space<vmem_shared>>)
      tpu.yield
    }) : () -> ()
    %barrier3A = arith.constant 0 : index
    tpu.barrier barrier_id(%barrier3A)
    %dma_start3A = arith.constant 0 : i32
    %dma_start3A_3 = arith.constant 0 : i32
    %dma_start3A_4 = tpu.memref_slice %arg3[%add3A, %dma_start3A, %dma_start3A_3] : memref<32x80x128xi32, #tpu.memory_space<hbm>> -> memref<1x1x128xi32, #tpu.memory_space<hbm>>
    %dma_start3A_5 = tpu.memref_squeeze %dma_start3A_4 : memref<1x1x128xi32, #tpu.memory_space<hbm>> -> memref<128xi32, #tpu.memory_space<hbm>>
    %dma_start3A_6 = arith.constant 0 : i32
    %dma_start3A_7 = tpu.memref_slice %arg3[%add3A, %dma_start3A, %dma_start3A_6] : memref<32x80x128xi32, #tpu.memory_space<hbm>> -> memref<1x1x128xi32, #tpu.memory_space<hbm>>
    %dma_start3A_8 = tpu.memref_squeeze %dma_start3A_7 : memref<1x1x128xi32, #tpu.memory_space<hbm>> -> memref<128xi32, #tpu.memory_space<hbm>>
    tpu.enqueue_dma source(%dma_start3A_8 : memref<128xi32, #tpu.memory_space<hbm>>) target(%arg7 : memref<128xi32, #tpu.memory_space<vmem>>) target_semaphore(%arg14 : memref<!tpu.dma_semaphore, #tpu.memory_space<semaphore_mem>>)
    %dma_start3A_9 = arith.constant 0 : i32
    %dma_start3A_10 = arith.constant 0 : i32
    %dma_start3A_11 = tpu.memref_slice %arg4[%add3A, %dma_start3A_9, %dma_start3A_10] : memref<32x80x128xi32, #tpu.memory_space<hbm>> -> memref<1x1x128xi32, #tpu.memory_space<hbm>>
    %dma_start3A_12 = tpu.memref_squeeze %dma_start3A_11 : memref<1x1x128xi32, #tpu.memory_space<hbm>> -> memref<128xi32, #tpu.memory_space<hbm>>
    %dma_start3A_13 = arith.constant 0 : i32
    %dma_start3A_14 = tpu.memref_slice %arg4[%add3A, %dma_start3A_9, %dma_start3A_13] : memref<32x80x128xi32, #tpu.memory_space<hbm>> -> memref<1x1x128xi32, #tpu.memory_space<hbm>>
    %dma_start3A_15 = tpu.memref_squeeze %dma_start3A_14 : memref<1x1x128xi32, #tpu.memory_space<hbm>> -> memref<128xi32, #tpu.memory_space<hbm>>
    tpu.enqueue_dma source(%dma_start3A_15 : memref<128xi32, #tpu.memory_space<hbm>>) target(%arg9 : memref<128xi32, #tpu.memory_space<vmem>>) target_semaphore(%arg16 : memref<!tpu.dma_semaphore, #tpu.memory_space<semaphore_mem>>)
    %dma_wait3A = arith.constant 0 : i32
    %dma_wait3A_16 = arith.constant 0 : i32
    %dma_wait3A_17 = tpu.memref_slice %arg3[%add3A, %dma_wait3A, %dma_wait3A_16] : memref<32x80x128xi32, #tpu.memory_space<hbm>> -> memref<1x1x128xi32, #tpu.memory_space<hbm>>
    %dma_wait3A_18 = tpu.memref_squeeze %dma_wait3A_17 : memref<1x1x128xi32, #tpu.memory_space<hbm>> -> memref<128xi32, #tpu.memory_space<hbm>>
    %dma_wait3A_19 = arith.constant 0 : i32
    %dma_wait3A_20 = tpu.memref_slice %arg3[%add3A, %dma_wait3A, %dma_wait3A_19] : memref<32x80x128xi32, #tpu.memory_space<hbm>> -> memref<1x1x128xi32, #tpu.memory_space<hbm>>
    %dma_wait3A_21 = tpu.memref_squeeze %dma_wait3A_20 : memref<1x1x128xi32, #tpu.memory_space<hbm>> -> memref<128xi32, #tpu.memory_space<hbm>>
    tpu.wait_dma2 semaphore(%arg14 : memref<!tpu.dma_semaphore, #tpu.memory_space<semaphore_mem>>) src(%dma_wait3A_21 : memref<128xi32, #tpu.memory_space<hbm>>) dst(%arg7 : memref<128xi32, #tpu.memory_space<vmem>>)
    %dma_start3A_22 = arith.constant 0 : i32
    %dma_start3A_23 = arith.constant 0 : i32
    %dma_start3A_24 = tpu.memref_slice %arg2[%dma_start3A_22, %dma_start3A_23] : memref<10240x128xf32, #tpu.memory_space<hbm>> -> memref<10240x128xf32, #tpu.memory_space<hbm>>
    tpu.enqueue_indirect_dma source(%dma_start3A_24 : memref<10240x128xf32, #tpu.memory_space<hbm>>) target(%arg11 : memref<128x128xf32, #tpu.memory_space<vmem>>) offsets(%arg7 : memref<128xi32, #tpu.memory_space<vmem>>) semaphore(%arg18 : memref<!tpu.dma_semaphore, #tpu.memory_space<semaphore_mem>>)
    %scan3A = arith.constant 0 : i32
    %scan3A_25 = arith.constant 40 : i32
    %scan3A_26 = arith.addi %scan3A, %scan3A_25 : i32
    %scan3A_27 = arith.constant 1 : i32
    scf.for %scan3A_30 = %scan3A to %scan3A_26 step %scan3A_27  : i32 {
      %mul3A_31 = arith.constant 1 : i32
      %mul3A_32 = arith.muli %scan3A_30, %mul3A_31 : i32
      %add3A_33 = arith.constant 0 : i32
      %add3A_34 = arith.addi %add3A_33, %mul3A_32 : i32
      %mul3A_35 = arith.constant 2 : i32
      %mul3A_36 = arith.muli %add3A_34, %mul3A_35 : i32
      %add3A_37 = arith.constant 1 : i32
      %add3A_38 = arith.addi %mul3A_36, %add3A_37 : i32
      %dma_start3A_39 = arith.constant 0 : i32
      %dma_start3A_40 = tpu.memref_slice %arg3[%add3A, %add3A_38, %dma_start3A_39] : memref<32x80x128xi32, #tpu.memory_space<hbm>> -> memref<1x1x128xi32, #tpu.memory_space<hbm>>
      %dma_start3A_41 = tpu.memref_squeeze %dma_start3A_40 : memref<1x1x128xi32, #tpu.memory_space<hbm>> -> memref<128xi32, #tpu.memory_space<hbm>>
      %dma_start3A_42 = arith.constant 0 : i32
      %dma_start3A_43 = tpu.memref_slice %arg3[%add3A, %add3A_38, %dma_start3A_42] : memref<32x80x128xi32, #tpu.memory_space<hbm>> -> memref<1x1x128xi32, #tpu.memory_space<hbm>>
      %dma_start3A_44 = tpu.memref_squeeze %dma_start3A_43 : memref<1x1x128xi32, #tpu.memory_space<hbm>> -> memref<128xi32, #tpu.memory_space<hbm>>
      tpu.enqueue_dma source(%dma_start3A_44 : memref<128xi32, #tpu.memory_space<hbm>>) target(%arg8 : memref<128xi32, #tpu.memory_space<vmem>>) target_semaphore(%arg15 : memref<!tpu.dma_semaphore, #tpu.memory_space<semaphore_mem>>)
      %add3A_45 = arith.constant 1 : i32
      %add3A_46 = arith.addi %mul3A_36, %add3A_45 : i32
      %dma_start3A_47 = arith.constant 0 : i32
      %dma_start3A_48 = tpu.memref_slice %arg4[%add3A, %add3A_46, %dma_start3A_47] : memref<32x80x128xi32, #tpu.memory_space<hbm>> -> memref<1x1x128xi32, #tpu.memory_space<hbm>>
      %dma_start3A_49 = tpu.memref_squeeze %dma_start3A_48 : memref<1x1x128xi32, #tpu.memory_space<hbm>> -> memref<128xi32, #tpu.memory_space<hbm>>
      %dma_start3A_50 = arith.constant 0 : i32
      %dma_start3A_51 = tpu.memref_slice %arg4[%add3A, %add3A_46, %dma_start3A_50] : memref<32x80x128xi32, #tpu.memory_space<hbm>> -> memref<1x1x128xi32, #tpu.memory_space<hbm>>
      %dma_start3A_52 = tpu.memref_squeeze %dma_start3A_51 : memref<1x1x128xi32, #tpu.memory_space<hbm>> -> memref<128xi32, #tpu.memory_space<hbm>>
      tpu.enqueue_dma source(%dma_start3A_52 : memref<128xi32, #tpu.memory_space<hbm>>) target(%arg10 : memref<128xi32, #tpu.memory_space<vmem>>) target_semaphore(%arg17 : memref<!tpu.dma_semaphore, #tpu.memory_space<semaphore_mem>>)
      %dma_wait3A_53 = arith.constant 0 : i32
      %dma_wait3A_54 = arith.constant 0 : i32
      %dma_wait3A_55 = tpu.memref_slice %arg2[%dma_wait3A_53, %dma_wait3A_54] : memref<10240x128xf32, #tpu.memory_space<hbm>> -> memref<10240x128xf32, #tpu.memory_space<hbm>>
      tpu.wait_indirect_dma semaphore(%arg18 : memref<!tpu.dma_semaphore, #tpu.memory_space<semaphore_mem>>) src(%dma_wait3A_55 : memref<10240x128xf32, #tpu.memory_space<hbm>>) dst(%arg11 : memref<128x128xf32, #tpu.memory_space<vmem>>)
      %add3A_56 = arith.constant 1 : i32
      %add3A_57 = arith.addi %mul3A_36, %add3A_56 : i32
      %dma_wait3A_58 = arith.constant 0 : i32
      %dma_wait3A_59 = tpu.memref_slice %arg3[%add3A, %add3A_57, %dma_wait3A_58] : memref<32x80x128xi32, #tpu.memory_space<hbm>> -> memref<1x1x128xi32, #tpu.memory_space<hbm>>
      %dma_wait3A_60 = tpu.memref_squeeze %dma_wait3A_59 : memref<1x1x128xi32, #tpu.memory_space<hbm>> -> memref<128xi32, #tpu.memory_space<hbm>>
      %dma_wait3A_61 = arith.constant 0 : i32
      %dma_wait3A_62 = tpu.memref_slice %arg3[%add3A, %add3A_57, %dma_wait3A_61] : memref<32x80x128xi32, #tpu.memory_space<hbm>> -> memref<1x1x128xi32, #tpu.memory_space<hbm>>
      %dma_wait3A_63 = tpu.memref_squeeze %dma_wait3A_62 : memref<1x1x128xi32, #tpu.memory_space<hbm>> -> memref<128xi32, #tpu.memory_space<hbm>>
      tpu.wait_dma2 semaphore(%arg15 : memref<!tpu.dma_semaphore, #tpu.memory_space<semaphore_mem>>) src(%dma_wait3A_63 : memref<128xi32, #tpu.memory_space<hbm>>) dst(%arg8 : memref<128xi32, #tpu.memory_space<vmem>>)
      %dma_start3A_64 = arith.constant 0 : i32
      %dma_start3A_65 = arith.constant 0 : i32
      %dma_start3A_66 = tpu.memref_slice %arg2[%dma_start3A_64, %dma_start3A_65] : memref<10240x128xf32, #tpu.memory_space<hbm>> -> memref<10240x128xf32, #tpu.memory_space<hbm>>
      tpu.enqueue_indirect_dma source(%dma_start3A_66 : memref<10240x128xf32, #tpu.memory_space<hbm>>) target(%arg12 : memref<128x128xf32, #tpu.memory_space<vmem>>) offsets(%arg8 : memref<128xi32, #tpu.memory_space<vmem>>) semaphore(%arg19 : memref<!tpu.dma_semaphore, #tpu.memory_space<semaphore_mem>>)
      %dma_wait3A_67 = arith.constant 0 : i32
      %dma_wait3A_68 = tpu.memref_slice %arg4[%add3A, %mul3A_36, %dma_wait3A_67] : memref<32x80x128xi32, #tpu.memory_space<hbm>> -> memref<1x1x128xi32, #tpu.memory_space<hbm>>
      %dma_wait3A_69 = tpu.memref_squeeze %dma_wait3A_68 : memref<1x1x128xi32, #tpu.memory_space<hbm>> -> memref<128xi32, #tpu.memory_space<hbm>>
      %dma_wait3A_70 = arith.constant 0 : i32
      %dma_wait3A_71 = tpu.memref_slice %arg4[%add3A, %mul3A_36, %dma_wait3A_70] : memref<32x80x128xi32, #tpu.memory_space<hbm>> -> memref<1x1x128xi32, #tpu.memory_space<hbm>>
      %dma_wait3A_72 = tpu.memref_squeeze %dma_wait3A_71 : memref<1x1x128xi32, #tpu.memory_space<hbm>> -> memref<128xi32, #tpu.memory_space<hbm>>
      tpu.wait_dma2 semaphore(%arg16 : memref<!tpu.dma_semaphore, #tpu.memory_space<semaphore_mem>>) src(%dma_wait3A_72 : memref<128xi32, #tpu.memory_space<hbm>>) dst(%arg9 : memref<128xi32, #tpu.memory_space<vmem>>)
      "tpu.region"() ({
        %run_scoped3A = tpu.sem_alloc : memref<!tpu.dma_semaphore, #tpu.memory_space<semaphore_mem>>
        %dma_start3A_95 = arith.constant 0 : i32
        %dma_start3A_96 = arith.constant 0 : i32
        %dma_start3A_97 = tpu.memref_slice %arg13[%dma_start3A_95, %dma_start3A_96] : memref<10240x128xf32, #tpu.memory_space<vmem_shared>> -> memref<10240x128xf32, #tpu.memory_space<vmem_shared>>
        tpu.enqueue_indirect_dma source(%arg11 : memref<128x128xf32, #tpu.memory_space<vmem>>) target(%dma_start3A_97 : memref<10240x128xf32, #tpu.memory_space<vmem_shared>>) offsets(%arg9 : memref<128xi32, #tpu.memory_space<vmem>>) semaphore(%run_scoped3A : memref<!tpu.dma_semaphore, #tpu.memory_space<semaphore_mem>>) {add = true}
        %dma_wait3A_98 = arith.constant 0 : i32
        %dma_wait3A_99 = arith.constant 0 : i32
        %dma_wait3A_100 = tpu.memref_slice %arg13[%dma_wait3A_98, %dma_wait3A_99] : memref<10240x128xf32, #tpu.memory_space<vmem_shared>> -> memref<10240x128xf32, #tpu.memory_space<vmem_shared>>
        tpu.wait_indirect_dma semaphore(%run_scoped3A : memref<!tpu.dma_semaphore, #tpu.memory_space<semaphore_mem>>) src(%arg11 : memref<128x128xf32, #tpu.memory_space<vmem>>) dst(%dma_wait3A_100 : memref<10240x128xf32, #tpu.memory_space<vmem_shared>>)
        tpu.yield
      }) : () -> ()
      %add3A_73 = arith.constant 2 : i32
      %add3A_74 = arith.addi %mul3A_36, %add3A_73 : i32
      %lt3A = arith.constant 80 : i32
      %lt3A_75 = arith.cmpi slt, %add3A_74, %lt3A : i32
      %convert_element_type3A = arith.extui %lt3A_75 : i1 to i32
      %cond3A = arith.constant 0 : i32
      %cond3A_76 = arith.cmpi ne, %convert_element_type3A, %cond3A : i32
      scf.if %cond3A_76 {
        %add3A_95 = arith.constant 2 : i32
        %add3A_96 = arith.addi %mul3A_36, %add3A_95 : i32
        %dma_start3A_97 = arith.constant 0 : i32
        %dma_start3A_98 = tpu.memref_slice %arg3[%add3A, %add3A_96, %dma_start3A_97] : memref<32x80x128xi32, #tpu.memory_space<hbm>> -> memref<1x1x128xi32, #tpu.memory_space<hbm>>
        %dma_start3A_99 = tpu.memref_squeeze %dma_start3A_98 : memref<1x1x128xi32, #tpu.memory_space<hbm>> -> memref<128xi32, #tpu.memory_space<hbm>>
        %dma_start3A_100 = arith.constant 0 : i32
        %dma_start3A_101 = tpu.memref_slice %arg3[%add3A, %add3A_96, %dma_start3A_100] : memref<32x80x128xi32, #tpu.memory_space<hbm>> -> memref<1x1x128xi32, #tpu.memory_space<hbm>>
        %dma_start3A_102 = tpu.memref_squeeze %dma_start3A_101 : memref<1x1x128xi32, #tpu.memory_space<hbm>> -> memref<128xi32, #tpu.memory_space<hbm>>
        tpu.enqueue_dma source(%dma_start3A_102 : memref<128xi32, #tpu.memory_space<hbm>>) target(%arg7 : memref<128xi32, #tpu.memory_space<vmem>>) target_semaphore(%arg14 : memref<!tpu.dma_semaphore, #tpu.memory_space<semaphore_mem>>)
        %add3A_103 = arith.constant 2 : i32
        %add3A_104 = arith.addi %mul3A_36, %add3A_103 : i32
        %dma_start3A_105 = arith.constant 0 : i32
        %dma_start3A_106 = tpu.memref_slice %arg4[%add3A, %add3A_104, %dma_start3A_105] : memref<32x80x128xi32, #tpu.memory_space<hbm>> -> memref<1x1x128xi32, #tpu.memory_space<hbm>>
        %dma_start3A_107 = tpu.memref_squeeze %dma_start3A_106 : memref<1x1x128xi32, #tpu.memory_space<hbm>> -> memref<128xi32, #tpu.memory_space<hbm>>
        %dma_start3A_108 = arith.constant 0 : i32
        %dma_start3A_109 = tpu.memref_slice %arg4[%add3A, %add3A_104, %dma_start3A_108] : memref<32x80x128xi32, #tpu.memory_space<hbm>> -> memref<1x1x128xi32, #tpu.memory_space<hbm>>
        %dma_start3A_110 = tpu.memref_squeeze %dma_start3A_109 : memref<1x1x128xi32, #tpu.memory_space<hbm>> -> memref<128xi32, #tpu.memory_space<hbm>>
        tpu.enqueue_dma source(%dma_start3A_110 : memref<128xi32, #tpu.memory_space<hbm>>) target(%arg9 : memref<128xi32, #tpu.memory_space<vmem>>) target_semaphore(%arg16 : memref<!tpu.dma_semaphore, #tpu.memory_space<semaphore_mem>>)
      } else {
      }
      %dma_wait3A_77 = arith.constant 0 : i32
      %dma_wait3A_78 = arith.constant 0 : i32
      %dma_wait3A_79 = tpu.memref_slice %arg2[%dma_wait3A_77, %dma_wait3A_78] : memref<10240x128xf32, #tpu.memory_space<hbm>> -> memref<10240x128xf32, #tpu.memory_space<hbm>>
      tpu.wait_indirect_dma semaphore(%arg19 : memref<!tpu.dma_semaphore, #tpu.memory_space<semaphore_mem>>) src(%dma_wait3A_79 : memref<10240x128xf32, #tpu.memory_space<hbm>>) dst(%arg12 : memref<128x128xf32, #tpu.memory_space<vmem>>)
      %add3A_80 = arith.constant 2 : i32
      %add3A_81 = arith.addi %mul3A_36, %add3A_80 : i32
      %lt3A_82 = arith.constant 80 : i32
      %lt3A_83 = arith.cmpi slt, %add3A_81, %lt3A_82 : i32
      %convert_element_type3A_84 = arith.extui %lt3A_83 : i1 to i32
      %cond3A_85 = arith.constant 0 : i32
      %cond3A_86 = arith.cmpi ne, %convert_element_type3A_84, %cond3A_85 : i32
      scf.if %cond3A_86 {
        %add3A_95 = arith.constant 2 : i32
        %add3A_96 = arith.addi %mul3A_36, %add3A_95 : i32
        %dma_wait3A_97 = arith.constant 0 : i32
        %dma_wait3A_98 = tpu.memref_slice %arg3[%add3A, %add3A_96, %dma_wait3A_97] : memref<32x80x128xi32, #tpu.memory_space<hbm>> -> memref<1x1x128xi32, #tpu.memory_space<hbm>>
        %dma_wait3A_99 = tpu.memref_squeeze %dma_wait3A_98 : memref<1x1x128xi32, #tpu.memory_space<hbm>> -> memref<128xi32, #tpu.memory_space<hbm>>
        %dma_wait3A_100 = arith.constant 0 : i32
        %dma_wait3A_101 = tpu.memref_slice %arg3[%add3A, %add3A_96, %dma_wait3A_100] : memref<32x80x128xi32, #tpu.memory_space<hbm>> -> memref<1x1x128xi32, #tpu.memory_space<hbm>>
        %dma_wait3A_102 = tpu.memref_squeeze %dma_wait3A_101 : memref<1x1x128xi32, #tpu.memory_space<hbm>> -> memref<128xi32, #tpu.memory_space<hbm>>
        tpu.wait_dma2 semaphore(%arg14 : memref<!tpu.dma_semaphore, #tpu.memory_space<semaphore_mem>>) src(%dma_wait3A_102 : memref<128xi32, #tpu.memory_space<hbm>>) dst(%arg7 : memref<128xi32, #tpu.memory_space<vmem>>)
        %dma_start3A_103 = arith.constant 0 : i32
        %dma_start3A_104 = arith.constant 0 : i32
        %dma_start3A_105 = tpu.memref_slice %arg2[%dma_start3A_103, %dma_start3A_104] : memref<10240x128xf32, #tpu.memory_space<hbm>> -> memref<10240x128xf32, #tpu.memory_space<hbm>>
        tpu.enqueue_indirect_dma source(%dma_start3A_105 : memref<10240x128xf32, #tpu.memory_space<hbm>>) target(%arg11 : memref<128x128xf32, #tpu.memory_space<vmem>>) offsets(%arg7 : memref<128xi32, #tpu.memory_space<vmem>>) semaphore(%arg18 : memref<!tpu.dma_semaphore, #tpu.memory_space<semaphore_mem>>)
      } else {
      }
      %add3A_87 = arith.constant 1 : i32
      %add3A_88 = arith.addi %mul3A_36, %add3A_87 : i32
      %dma_wait3A_89 = arith.constant 0 : i32
      %dma_wait3A_90 = tpu.memref_slice %arg4[%add3A, %add3A_88, %dma_wait3A_89] : memref<32x80x128xi32, #tpu.memory_space<hbm>> -> memref<1x1x128xi32, #tpu.memory_space<hbm>>
      %dma_wait3A_91 = tpu.memref_squeeze %dma_wait3A_90 : memref<1x1x128xi32, #tpu.memory_space<hbm>> -> memref<128xi32, #tpu.memory_space<hbm>>
      %dma_wait3A_92 = arith.constant 0 : i32
      %dma_wait3A_93 = tpu.memref_slice %arg4[%add3A, %add3A_88, %dma_wait3A_92] : memref<32x80x128xi32, #tpu.memory_space<hbm>> -> memref<1x1x128xi32, #tpu.memory_space<hbm>>
      %dma_wait3A_94 = tpu.memref_squeeze %dma_wait3A_93 : memref<1x1x128xi32, #tpu.memory_space<hbm>> -> memref<128xi32, #tpu.memory_space<hbm>>
      tpu.wait_dma2 semaphore(%arg17 : memref<!tpu.dma_semaphore, #tpu.memory_space<semaphore_mem>>) src(%dma_wait3A_94 : memref<128xi32, #tpu.memory_space<hbm>>) dst(%arg10 : memref<128xi32, #tpu.memory_space<vmem>>)
      "tpu.region"() ({
        %run_scoped3A = tpu.sem_alloc : memref<!tpu.dma_semaphore, #tpu.memory_space<semaphore_mem>>
        %dma_start3A_95 = arith.constant 0 : i32
        %dma_start3A_96 = arith.constant 0 : i32
        %dma_start3A_97 = tpu.memref_slice %arg13[%dma_start3A_95, %dma_start3A_96] : memref<10240x128xf32, #tpu.memory_space<vmem_shared>> -> memref<10240x128xf32, #tpu.memory_space<vmem_shared>>
        tpu.enqueue_indirect_dma source(%arg12 : memref<128x128xf32, #tpu.memory_space<vmem>>) target(%dma_start3A_97 : memref<10240x128xf32, #tpu.memory_space<vmem_shared>>) offsets(%arg10 : memref<128xi32, #tpu.memory_space<vmem>>) semaphore(%run_scoped3A : memref<!tpu.dma_semaphore, #tpu.memory_space<semaphore_mem>>) {add = true}
        %dma_wait3A_98 = arith.constant 0 : i32
        %dma_wait3A_99 = arith.constant 0 : i32
        %dma_wait3A_100 = tpu.memref_slice %arg13[%dma_wait3A_98, %dma_wait3A_99] : memref<10240x128xf32, #tpu.memory_space<vmem_shared>> -> memref<10240x128xf32, #tpu.memory_space<vmem_shared>>
        tpu.wait_indirect_dma semaphore(%run_scoped3A : memref<!tpu.dma_semaphore, #tpu.memory_space<semaphore_mem>>) src(%arg12 : memref<128x128xf32, #tpu.memory_space<vmem>>) dst(%dma_wait3A_100 : memref<10240x128xf32, #tpu.memory_space<vmem_shared>>)
        tpu.yield
      }) : () -> ()
    }
    %scan3A_28 = arith.constant 40 : i32
    %barrier3A_29 = arith.constant 0 : index
    tpu.barrier barrier_id(%barrier3A_29)
    "tpu.region"() ({
      %run_scoped3A = tpu.sem_alloc : memref<!tpu.dma_semaphore, #tpu.memory_space<semaphore_mem>>
      %dma_start3A_30 = arith.constant 0 : i32
      %dma_start3A_31 = tpu.memref_slice %arg6[%arg0, %mul3A_2, %dma_start3A_30] : memref<2x10240x128xf32, #tpu.memory_space<hbm>> -> memref<1x640x128xf32, #tpu.memory_space<hbm>>
      %dma_start3A_32 = tpu.memref_squeeze %dma_start3A_31 : memref<1x640x128xf32, #tpu.memory_space<hbm>> -> memref<640x128xf32, #tpu.memory_space<hbm>>
      %dma_start3A_33 = arith.constant 0 : i32
      %dma_start3A_34 = tpu.memref_slice %arg13[%mul3A_2, %dma_start3A_33] : memref<10240x128xf32, #tpu.memory_space<vmem_shared>> -> memref<640x128xf32, #tpu.memory_space<vmem_shared>>
      tpu.enqueue_dma source(%dma_start3A_34 : memref<640x128xf32, #tpu.memory_space<vmem_shared>>) target(%dma_start3A_32 : memref<640x128xf32, #tpu.memory_space<hbm>>) target_semaphore(%run_scoped3A : memref<!tpu.dma_semaphore, #tpu.memory_space<semaphore_mem>>)
      %dma_wait3A_35 = arith.constant 0 : i32
      %dma_wait3A_36 = tpu.memref_slice %arg6[%arg0, %mul3A_2, %dma_wait3A_35] : memref<2x10240x128xf32, #tpu.memory_space<hbm>> -> memref<1x640x128xf32, #tpu.memory_space<hbm>>
      %dma_wait3A_37 = tpu.memref_squeeze %dma_wait3A_36 : memref<1x640x128xf32, #tpu.memory_space<hbm>> -> memref<640x128xf32, #tpu.memory_space<hbm>>
      %dma_wait3A_38 = arith.constant 0 : i32
      %dma_wait3A_39 = tpu.memref_slice %arg13[%mul3A_2, %dma_wait3A_38] : memref<10240x128xf32, #tpu.memory_space<vmem_shared>> -> memref<640x128xf32, #tpu.memory_space<vmem_shared>>
      tpu.wait_dma2 semaphore(%run_scoped3A : memref<!tpu.dma_semaphore, #tpu.memory_space<semaphore_mem>>) src(%dma_wait3A_39 : memref<640x128xf32, #tpu.memory_space<vmem_shared>>) dst(%dma_wait3A_37 : memref<640x128xf32, #tpu.memory_space<hbm>>)
      tpu.yield
    }) : () -> ()
    return
  }
}

#map = affine_map<(d0, d1) -> (0, 0)>
#map1 = affine_map<(d0, d1) -> (0, 0, 0)>
module attributes {stable_mosaic.version = 14 : i64} {
  func.func @_sc_aggregate(%arg0: i32, %arg1: i32, %arg2: memref<10240x128xf32, #tpu.memory_space<hbm>>, %arg3: memref<32x80x128xi32, #tpu.memory_space<hbm>>, %arg4: memref<32x80x128xi32, #tpu.memory_space<hbm>>, %arg5: memref<640x128xf32, #tpu.memory_space<hbm>>, %arg6: memref<2x10240x128xf32, #tpu.memory_space<hbm>>, %arg7: memref<128xi32, #tpu.memory_space<vmem>>, %arg8: memref<128xi32, #tpu.memory_space<vmem>>, %arg9: memref<128xi32, #tpu.memory_space<vmem>>, %arg10: memref<128xi32, #tpu.memory_space<vmem>>, %arg11: memref<128x128xf32, #tpu.memory_space<vmem>>, %arg12: memref<128x128xf32, #tpu.memory_space<vmem>>, %arg13: memref<10240x128xf32, #tpu.memory_space<vmem_shared>>, %arg14: memref<!tpu.dma_semaphore, #tpu.memory_space<semaphore_mem>>, %arg15: memref<!tpu.dma_semaphore, #tpu.memory_space<semaphore_mem>>, %arg16: memref<!tpu.dma_semaphore, #tpu.memory_space<semaphore_mem>>, %arg17: memref<!tpu.dma_semaphore, #tpu.memory_space<semaphore_mem>>, %arg18: memref<!tpu.dma_semaphore, #tpu.memory_space<semaphore_mem>>, %arg19: memref<!tpu.dma_semaphore, #tpu.memory_space<semaphore_mem>>) attributes {dimension_semantics = [#tpu.dimension_semantics<core_parallel>, #tpu.dimension_semantics<subcore_parallel>], iteration_bounds = array<i64: 2, 16>, scalar_prefetch = 0 : i64, scratch_operands = 13 : i64, tpu.core_type = #tpu.core_type<sc_vector_subcore>, window_params = [{transform_indices = #map}, {transform_indices = #map1}, {transform_indices = #map1}, {transform_indices = #map}, {transform_indices = #map1}]} {
    %mul3A = arith.constant 16 : i32
    %mul3A_0 = arith.muli %arg0, %mul3A : i32
    %add3A = arith.addi %mul3A_0, %arg1 : i32
    %mul3A_1 = arith.constant 640 : i32
    %mul3A_2 = arith.muli %arg1, %mul3A_1 : i32
    "tpu.region"() ({
      %run_scoped3A = tpu.sem_alloc : memref<!tpu.dma_semaphore, #tpu.memory_space<semaphore_mem>>
      %dma_start3A_30 = arith.constant 0 : i32
      %dma_start3A_31 = tpu.memref_slice %arg13[%mul3A_2, %dma_start3A_30] : memref<10240x128xf32, #tpu.memory_space<vmem_shared>> -> memref<640x128xf32, #tpu.memory_space<vmem_shared>>
      tpu.enqueue_dma source(%arg5 : memref<640x128xf32, #tpu.memory_space<hbm>>) target(%dma_start3A_31 : memref<640x128xf32, #tpu.memory_space<vmem_shared>>) target_semaphore(%run_scoped3A : memref<!tpu.dma_semaphore, #tpu.memory_space<semaphore_mem>>)
      %dma_wait3A_32 = arith.constant 0 : i32
      %dma_wait3A_33 = tpu.memref_slice %arg13[%mul3A_2, %dma_wait3A_32] : memref<10240x128xf32, #tpu.memory_space<vmem_shared>> -> memref<640x128xf32, #tpu.memory_space<vmem_shared>>
      tpu.wait_dma2 semaphore(%run_scoped3A : memref<!tpu.dma_semaphore, #tpu.memory_space<semaphore_mem>>) src(%arg5 : memref<640x128xf32, #tpu.memory_space<hbm>>) dst(%dma_wait3A_33 : memref<640x128xf32, #tpu.memory_space<vmem_shared>>)
      tpu.yield
    }) : () -> ()
    %barrier3A = arith.constant 0 : index
    tpu.barrier barrier_id(%barrier3A)
    %dma_start3A = arith.constant 0 : i32
    %dma_start3A_3 = arith.constant 0 : i32
    %dma_start3A_4 = tpu.memref_slice %arg3[%add3A, %dma_start3A, %dma_start3A_3] : memref<32x80x128xi32, #tpu.memory_space<hbm>> -> memref<1x1x128xi32, #tpu.memory_space<hbm>>
    %dma_start3A_5 = tpu.memref_squeeze %dma_start3A_4 : memref<1x1x128xi32, #tpu.memory_space<hbm>> -> memref<128xi32, #tpu.memory_space<hbm>>
    %dma_start3A_6 = arith.constant 0 : i32
    %dma_start3A_7 = tpu.memref_slice %arg3[%add3A, %dma_start3A, %dma_start3A_6] : memref<32x80x128xi32, #tpu.memory_space<hbm>> -> memref<1x1x128xi32, #tpu.memory_space<hbm>>
    %dma_start3A_8 = tpu.memref_squeeze %dma_start3A_7 : memref<1x1x128xi32, #tpu.memory_space<hbm>> -> memref<128xi32, #tpu.memory_space<hbm>>
    tpu.enqueue_dma source(%dma_start3A_8 : memref<128xi32, #tpu.memory_space<hbm>>) target(%arg7 : memref<128xi32, #tpu.memory_space<vmem>>) target_semaphore(%arg14 : memref<!tpu.dma_semaphore, #tpu.memory_space<semaphore_mem>>)
    %dma_start3A_9 = arith.constant 0 : i32
    %dma_start3A_10 = arith.constant 0 : i32
    %dma_start3A_11 = tpu.memref_slice %arg4[%add3A, %dma_start3A_9, %dma_start3A_10] : memref<32x80x128xi32, #tpu.memory_space<hbm>> -> memref<1x1x128xi32, #tpu.memory_space<hbm>>
    %dma_start3A_12 = tpu.memref_squeeze %dma_start3A_11 : memref<1x1x128xi32, #tpu.memory_space<hbm>> -> memref<128xi32, #tpu.memory_space<hbm>>
    %dma_start3A_13 = arith.constant 0 : i32
    %dma_start3A_14 = tpu.memref_slice %arg4[%add3A, %dma_start3A_9, %dma_start3A_13] : memref<32x80x128xi32, #tpu.memory_space<hbm>> -> memref<1x1x128xi32, #tpu.memory_space<hbm>>
    %dma_start3A_15 = tpu.memref_squeeze %dma_start3A_14 : memref<1x1x128xi32, #tpu.memory_space<hbm>> -> memref<128xi32, #tpu.memory_space<hbm>>
    tpu.enqueue_dma source(%dma_start3A_15 : memref<128xi32, #tpu.memory_space<hbm>>) target(%arg9 : memref<128xi32, #tpu.memory_space<vmem>>) target_semaphore(%arg16 : memref<!tpu.dma_semaphore, #tpu.memory_space<semaphore_mem>>)
    %dma_wait3A = arith.constant 0 : i32
    %dma_wait3A_16 = arith.constant 0 : i32
    %dma_wait3A_17 = tpu.memref_slice %arg3[%add3A, %dma_wait3A, %dma_wait3A_16] : memref<32x80x128xi32, #tpu.memory_space<hbm>> -> memref<1x1x128xi32, #tpu.memory_space<hbm>>
    %dma_wait3A_18 = tpu.memref_squeeze %dma_wait3A_17 : memref<1x1x128xi32, #tpu.memory_space<hbm>> -> memref<128xi32, #tpu.memory_space<hbm>>
    %dma_wait3A_19 = arith.constant 0 : i32
    %dma_wait3A_20 = tpu.memref_slice %arg3[%add3A, %dma_wait3A, %dma_wait3A_19] : memref<32x80x128xi32, #tpu.memory_space<hbm>> -> memref<1x1x128xi32, #tpu.memory_space<hbm>>
    %dma_wait3A_21 = tpu.memref_squeeze %dma_wait3A_20 : memref<1x1x128xi32, #tpu.memory_space<hbm>> -> memref<128xi32, #tpu.memory_space<hbm>>
    tpu.wait_dma2 semaphore(%arg14 : memref<!tpu.dma_semaphore, #tpu.memory_space<semaphore_mem>>) src(%dma_wait3A_21 : memref<128xi32, #tpu.memory_space<hbm>>) dst(%arg7 : memref<128xi32, #tpu.memory_space<vmem>>)
    %dma_start3A_22 = arith.constant 0 : i32
    %dma_start3A_23 = arith.constant 0 : i32
    %dma_start3A_24 = tpu.memref_slice %arg2[%dma_start3A_22, %dma_start3A_23] : memref<10240x128xf32, #tpu.memory_space<hbm>> -> memref<10240x128xf32, #tpu.memory_space<hbm>>
    tpu.enqueue_indirect_dma source(%dma_start3A_24 : memref<10240x128xf32, #tpu.memory_space<hbm>>) target(%arg11 : memref<128x128xf32, #tpu.memory_space<vmem>>) offsets(%arg7 : memref<128xi32, #tpu.memory_space<vmem>>) semaphore(%arg18 : memref<!tpu.dma_semaphore, #tpu.memory_space<semaphore_mem>>)
    %scan3A = arith.constant 0 : i32
    %scan3A_25 = arith.constant 40 : i32
    %scan3A_26 = arith.addi %scan3A, %scan3A_25 : i32
    %scan3A_27 = arith.constant 1 : i32
    scf.for %scan3A_30 = %scan3A to %scan3A_26 step %scan3A_27  : i32 {
      %mul3A_31 = arith.constant 1 : i32
      %mul3A_32 = arith.muli %scan3A_30, %mul3A_31 : i32
      %add3A_33 = arith.constant 0 : i32
      %add3A_34 = arith.addi %add3A_33, %mul3A_32 : i32
      %mul3A_35 = arith.constant 2 : i32
      %mul3A_36 = arith.muli %add3A_34, %mul3A_35 : i32
      %add3A_37 = arith.constant 1 : i32
      %add3A_38 = arith.addi %mul3A_36, %add3A_37 : i32
      %dma_start3A_39 = arith.constant 0 : i32
      %dma_start3A_40 = tpu.memref_slice %arg3[%add3A, %add3A_38, %dma_start3A_39] : memref<32x80x128xi32, #tpu.memory_space<hbm>> -> memref<1x1x128xi32, #tpu.memory_space<hbm>>
      %dma_start3A_41 = tpu.memref_squeeze %dma_start3A_40 : memref<1x1x128xi32, #tpu.memory_space<hbm>> -> memref<128xi32, #tpu.memory_space<hbm>>
      %dma_start3A_42 = arith.constant 0 : i32
      %dma_start3A_43 = tpu.memref_slice %arg3[%add3A, %add3A_38, %dma_start3A_42] : memref<32x80x128xi32, #tpu.memory_space<hbm>> -> memref<1x1x128xi32, #tpu.memory_space<hbm>>
      %dma_start3A_44 = tpu.memref_squeeze %dma_start3A_43 : memref<1x1x128xi32, #tpu.memory_space<hbm>> -> memref<128xi32, #tpu.memory_space<hbm>>
      tpu.enqueue_dma source(%dma_start3A_44 : memref<128xi32, #tpu.memory_space<hbm>>) target(%arg8 : memref<128xi32, #tpu.memory_space<vmem>>) target_semaphore(%arg15 : memref<!tpu.dma_semaphore, #tpu.memory_space<semaphore_mem>>)
      %add3A_45 = arith.constant 1 : i32
      %add3A_46 = arith.addi %mul3A_36, %add3A_45 : i32
      %dma_start3A_47 = arith.constant 0 : i32
      %dma_start3A_48 = tpu.memref_slice %arg4[%add3A, %add3A_46, %dma_start3A_47] : memref<32x80x128xi32, #tpu.memory_space<hbm>> -> memref<1x1x128xi32, #tpu.memory_space<hbm>>
      %dma_start3A_49 = tpu.memref_squeeze %dma_start3A_48 : memref<1x1x128xi32, #tpu.memory_space<hbm>> -> memref<128xi32, #tpu.memory_space<hbm>>
      %dma_start3A_50 = arith.constant 0 : i32
      %dma_start3A_51 = tpu.memref_slice %arg4[%add3A, %add3A_46, %dma_start3A_50] : memref<32x80x128xi32, #tpu.memory_space<hbm>> -> memref<1x1x128xi32, #tpu.memory_space<hbm>>
      %dma_start3A_52 = tpu.memref_squeeze %dma_start3A_51 : memref<1x1x128xi32, #tpu.memory_space<hbm>> -> memref<128xi32, #tpu.memory_space<hbm>>
      tpu.enqueue_dma source(%dma_start3A_52 : memref<128xi32, #tpu.memory_space<hbm>>) target(%arg10 : memref<128xi32, #tpu.memory_space<vmem>>) target_semaphore(%arg17 : memref<!tpu.dma_semaphore, #tpu.memory_space<semaphore_mem>>)
      %dma_wait3A_53 = arith.constant 0 : i32
      %dma_wait3A_54 = arith.constant 0 : i32
      %dma_wait3A_55 = tpu.memref_slice %arg2[%dma_wait3A_53, %dma_wait3A_54] : memref<10240x128xf32, #tpu.memory_space<hbm>> -> memref<10240x128xf32, #tpu.memory_space<hbm>>
      tpu.wait_indirect_dma semaphore(%arg18 : memref<!tpu.dma_semaphore, #tpu.memory_space<semaphore_mem>>) src(%dma_wait3A_55 : memref<10240x128xf32, #tpu.memory_space<hbm>>) dst(%arg11 : memref<128x128xf32, #tpu.memory_space<vmem>>)
      %add3A_56 = arith.constant 1 : i32
      %add3A_57 = arith.addi %mul3A_36, %add3A_56 : i32
      %dma_wait3A_58 = arith.constant 0 : i32
      %dma_wait3A_59 = tpu.memref_slice %arg3[%add3A, %add3A_57, %dma_wait3A_58] : memref<32x80x128xi32, #tpu.memory_space<hbm>> -> memref<1x1x128xi32, #tpu.memory_space<hbm>>
      %dma_wait3A_60 = tpu.memref_squeeze %dma_wait3A_59 : memref<1x1x128xi32, #tpu.memory_space<hbm>> -> memref<128xi32, #tpu.memory_space<hbm>>
      %dma_wait3A_61 = arith.constant 0 : i32
      %dma_wait3A_62 = tpu.memref_slice %arg3[%add3A, %add3A_57, %dma_wait3A_61] : memref<32x80x128xi32, #tpu.memory_space<hbm>> -> memref<1x1x128xi32, #tpu.memory_space<hbm>>
      %dma_wait3A_63 = tpu.memref_squeeze %dma_wait3A_62 : memref<1x1x128xi32, #tpu.memory_space<hbm>> -> memref<128xi32, #tpu.memory_space<hbm>>
      tpu.wait_dma2 semaphore(%arg15 : memref<!tpu.dma_semaphore, #tpu.memory_space<semaphore_mem>>) src(%dma_wait3A_63 : memref<128xi32, #tpu.memory_space<hbm>>) dst(%arg8 : memref<128xi32, #tpu.memory_space<vmem>>)
      %dma_start3A_64 = arith.constant 0 : i32
      %dma_start3A_65 = arith.constant 0 : i32
      %dma_start3A_66 = tpu.memref_slice %arg2[%dma_start3A_64, %dma_start3A_65] : memref<10240x128xf32, #tpu.memory_space<hbm>> -> memref<10240x128xf32, #tpu.memory_space<hbm>>
      tpu.enqueue_indirect_dma source(%dma_start3A_66 : memref<10240x128xf32, #tpu.memory_space<hbm>>) target(%arg12 : memref<128x128xf32, #tpu.memory_space<vmem>>) offsets(%arg8 : memref<128xi32, #tpu.memory_space<vmem>>) semaphore(%arg19 : memref<!tpu.dma_semaphore, #tpu.memory_space<semaphore_mem>>)
      %dma_wait3A_67 = arith.constant 0 : i32
      %dma_wait3A_68 = tpu.memref_slice %arg4[%add3A, %mul3A_36, %dma_wait3A_67] : memref<32x80x128xi32, #tpu.memory_space<hbm>> -> memref<1x1x128xi32, #tpu.memory_space<hbm>>
      %dma_wait3A_69 = tpu.memref_squeeze %dma_wait3A_68 : memref<1x1x128xi32, #tpu.memory_space<hbm>> -> memref<128xi32, #tpu.memory_space<hbm>>
      %dma_wait3A_70 = arith.constant 0 : i32
      %dma_wait3A_71 = tpu.memref_slice %arg4[%add3A, %mul3A_36, %dma_wait3A_70] : memref<32x80x128xi32, #tpu.memory_space<hbm>> -> memref<1x1x128xi32, #tpu.memory_space<hbm>>
      %dma_wait3A_72 = tpu.memref_squeeze %dma_wait3A_71 : memref<1x1x128xi32, #tpu.memory_space<hbm>> -> memref<128xi32, #tpu.memory_space<hbm>>
      tpu.wait_dma2 semaphore(%arg16 : memref<!tpu.dma_semaphore, #tpu.memory_space<semaphore_mem>>) src(%dma_wait3A_72 : memref<128xi32, #tpu.memory_space<hbm>>) dst(%arg9 : memref<128xi32, #tpu.memory_space<vmem>>)
      "tpu.region"() ({
        %run_scoped3A = tpu.sem_alloc : memref<!tpu.dma_semaphore, #tpu.memory_space<semaphore_mem>>
        %dma_start3A_95 = arith.constant 0 : i32
        %dma_start3A_96 = arith.constant 0 : i32
        %dma_start3A_97 = tpu.memref_slice %arg13[%dma_start3A_95, %dma_start3A_96] : memref<10240x128xf32, #tpu.memory_space<vmem_shared>> -> memref<10240x128xf32, #tpu.memory_space<vmem_shared>>
        tpu.enqueue_indirect_dma source(%arg11 : memref<128x128xf32, #tpu.memory_space<vmem>>) target(%dma_start3A_97 : memref<10240x128xf32, #tpu.memory_space<vmem_shared>>) offsets(%arg9 : memref<128xi32, #tpu.memory_space<vmem>>) semaphore(%run_scoped3A : memref<!tpu.dma_semaphore, #tpu.memory_space<semaphore_mem>>) {add = true}
        %dma_wait3A_98 = arith.constant 0 : i32
        %dma_wait3A_99 = arith.constant 0 : i32
        %dma_wait3A_100 = tpu.memref_slice %arg13[%dma_wait3A_98, %dma_wait3A_99] : memref<10240x128xf32, #tpu.memory_space<vmem_shared>> -> memref<10240x128xf32, #tpu.memory_space<vmem_shared>>
        tpu.wait_indirect_dma semaphore(%run_scoped3A : memref<!tpu.dma_semaphore, #tpu.memory_space<semaphore_mem>>) src(%arg11 : memref<128x128xf32, #tpu.memory_space<vmem>>) dst(%dma_wait3A_100 : memref<10240x128xf32, #tpu.memory_space<vmem_shared>>)
        tpu.yield
      }) : () -> ()
      %add3A_73 = arith.constant 2 : i32
      %add3A_74 = arith.addi %mul3A_36, %add3A_73 : i32
      %lt3A = arith.constant 80 : i32
      %lt3A_75 = arith.cmpi slt, %add3A_74, %lt3A : i32
      %convert_element_type3A = arith.extui %lt3A_75 : i1 to i32
      %cond3A = arith.constant 0 : i32
      %cond3A_76 = arith.cmpi ne, %convert_element_type3A, %cond3A : i32
      scf.if %cond3A_76 {
        %add3A_95 = arith.constant 2 : i32
        %add3A_96 = arith.addi %mul3A_36, %add3A_95 : i32
        %dma_start3A_97 = arith.constant 0 : i32
        %dma_start3A_98 = tpu.memref_slice %arg3[%add3A, %add3A_96, %dma_start3A_97] : memref<32x80x128xi32, #tpu.memory_space<hbm>> -> memref<1x1x128xi32, #tpu.memory_space<hbm>>
        %dma_start3A_99 = tpu.memref_squeeze %dma_start3A_98 : memref<1x1x128xi32, #tpu.memory_space<hbm>> -> memref<128xi32, #tpu.memory_space<hbm>>
        %dma_start3A_100 = arith.constant 0 : i32
        %dma_start3A_101 = tpu.memref_slice %arg3[%add3A, %add3A_96, %dma_start3A_100] : memref<32x80x128xi32, #tpu.memory_space<hbm>> -> memref<1x1x128xi32, #tpu.memory_space<hbm>>
        %dma_start3A_102 = tpu.memref_squeeze %dma_start3A_101 : memref<1x1x128xi32, #tpu.memory_space<hbm>> -> memref<128xi32, #tpu.memory_space<hbm>>
        tpu.enqueue_dma source(%dma_start3A_102 : memref<128xi32, #tpu.memory_space<hbm>>) target(%arg7 : memref<128xi32, #tpu.memory_space<vmem>>) target_semaphore(%arg14 : memref<!tpu.dma_semaphore, #tpu.memory_space<semaphore_mem>>)
        %add3A_103 = arith.constant 2 : i32
        %add3A_104 = arith.addi %mul3A_36, %add3A_103 : i32
        %dma_start3A_105 = arith.constant 0 : i32
        %dma_start3A_106 = tpu.memref_slice %arg4[%add3A, %add3A_104, %dma_start3A_105] : memref<32x80x128xi32, #tpu.memory_space<hbm>> -> memref<1x1x128xi32, #tpu.memory_space<hbm>>
        %dma_start3A_107 = tpu.memref_squeeze %dma_start3A_106 : memref<1x1x128xi32, #tpu.memory_space<hbm>> -> memref<128xi32, #tpu.memory_space<hbm>>
        %dma_start3A_108 = arith.constant 0 : i32
        %dma_start3A_109 = tpu.memref_slice %arg4[%add3A, %add3A_104, %dma_start3A_108] : memref<32x80x128xi32, #tpu.memory_space<hbm>> -> memref<1x1x128xi32, #tpu.memory_space<hbm>>
        %dma_start3A_110 = tpu.memref_squeeze %dma_start3A_109 : memref<1x1x128xi32, #tpu.memory_space<hbm>> -> memref<128xi32, #tpu.memory_space<hbm>>
        tpu.enqueue_dma source(%dma_start3A_110 : memref<128xi32, #tpu.memory_space<hbm>>) target(%arg9 : memref<128xi32, #tpu.memory_space<vmem>>) target_semaphore(%arg16 : memref<!tpu.dma_semaphore, #tpu.memory_space<semaphore_mem>>)
      } else {
      }
      %dma_wait3A_77 = arith.constant 0 : i32
      %dma_wait3A_78 = arith.constant 0 : i32
      %dma_wait3A_79 = tpu.memref_slice %arg2[%dma_wait3A_77, %dma_wait3A_78] : memref<10240x128xf32, #tpu.memory_space<hbm>> -> memref<10240x128xf32, #tpu.memory_space<hbm>>
      tpu.wait_indirect_dma semaphore(%arg19 : memref<!tpu.dma_semaphore, #tpu.memory_space<semaphore_mem>>) src(%dma_wait3A_79 : memref<10240x128xf32, #tpu.memory_space<hbm>>) dst(%arg12 : memref<128x128xf32, #tpu.memory_space<vmem>>)
      %add3A_80 = arith.constant 2 : i32
      %add3A_81 = arith.addi %mul3A_36, %add3A_80 : i32
      %lt3A_82 = arith.constant 80 : i32
      %lt3A_83 = arith.cmpi slt, %add3A_81, %lt3A_82 : i32
      %convert_element_type3A_84 = arith.extui %lt3A_83 : i1 to i32
      %cond3A_85 = arith.constant 0 : i32
      %cond3A_86 = arith.cmpi ne, %convert_element_type3A_84, %cond3A_85 : i32
      scf.if %cond3A_86 {
        %add3A_95 = arith.constant 2 : i32
        %add3A_96 = arith.addi %mul3A_36, %add3A_95 : i32
        %dma_wait3A_97 = arith.constant 0 : i32
        %dma_wait3A_98 = tpu.memref_slice %arg3[%add3A, %add3A_96, %dma_wait3A_97] : memref<32x80x128xi32, #tpu.memory_space<hbm>> -> memref<1x1x128xi32, #tpu.memory_space<hbm>>
        %dma_wait3A_99 = tpu.memref_squeeze %dma_wait3A_98 : memref<1x1x128xi32, #tpu.memory_space<hbm>> -> memref<128xi32, #tpu.memory_space<hbm>>
        %dma_wait3A_100 = arith.constant 0 : i32
        %dma_wait3A_101 = tpu.memref_slice %arg3[%add3A, %add3A_96, %dma_wait3A_100] : memref<32x80x128xi32, #tpu.memory_space<hbm>> -> memref<1x1x128xi32, #tpu.memory_space<hbm>>
        %dma_wait3A_102 = tpu.memref_squeeze %dma_wait3A_101 : memref<1x1x128xi32, #tpu.memory_space<hbm>> -> memref<128xi32, #tpu.memory_space<hbm>>
        tpu.wait_dma2 semaphore(%arg14 : memref<!tpu.dma_semaphore, #tpu.memory_space<semaphore_mem>>) src(%dma_wait3A_102 : memref<128xi32, #tpu.memory_space<hbm>>) dst(%arg7 : memref<128xi32, #tpu.memory_space<vmem>>)
        %dma_start3A_103 = arith.constant 0 : i32
        %dma_start3A_104 = arith.constant 0 : i32
        %dma_start3A_105 = tpu.memref_slice %arg2[%dma_start3A_103, %dma_start3A_104] : memref<10240x128xf32, #tpu.memory_space<hbm>> -> memref<10240x128xf32, #tpu.memory_space<hbm>>
        tpu.enqueue_indirect_dma source(%dma_start3A_105 : memref<10240x128xf32, #tpu.memory_space<hbm>>) target(%arg11 : memref<128x128xf32, #tpu.memory_space<vmem>>) offsets(%arg7 : memref<128xi32, #tpu.memory_space<vmem>>) semaphore(%arg18 : memref<!tpu.dma_semaphore, #tpu.memory_space<semaphore_mem>>)
      } else {
      }
      %add3A_87 = arith.constant 1 : i32
      %add3A_88 = arith.addi %mul3A_36, %add3A_87 : i32
      %dma_wait3A_89 = arith.constant 0 : i32
      %dma_wait3A_90 = tpu.memref_slice %arg4[%add3A, %add3A_88, %dma_wait3A_89] : memref<32x80x128xi32, #tpu.memory_space<hbm>> -> memref<1x1x128xi32, #tpu.memory_space<hbm>>
      %dma_wait3A_91 = tpu.memref_squeeze %dma_wait3A_90 : memref<1x1x128xi32, #tpu.memory_space<hbm>> -> memref<128xi32, #tpu.memory_space<hbm>>
      %dma_wait3A_92 = arith.constant 0 : i32
      %dma_wait3A_93 = tpu.memref_slice %arg4[%add3A, %add3A_88, %dma_wait3A_92] : memref<32x80x128xi32, #tpu.memory_space<hbm>> -> memref<1x1x128xi32, #tpu.memory_space<hbm>>
      %dma_wait3A_94 = tpu.memref_squeeze %dma_wait3A_93 : memref<1x1x128xi32, #tpu.memory_space<hbm>> -> memref<128xi32, #tpu.memory_space<hbm>>
      tpu.wait_dma2 semaphore(%arg17 : memref<!tpu.dma_semaphore, #tpu.memory_space<semaphore_mem>>) src(%dma_wait3A_94 : memref<128xi32, #tpu.memory_space<hbm>>) dst(%arg10 : memref<128xi32, #tpu.memory_space<vmem>>)
      "tpu.region"() ({
        %run_scoped3A = tpu.sem_alloc : memref<!tpu.dma_semaphore, #tpu.memory_space<semaphore_mem>>
        %dma_start3A_95 = arith.constant 0 : i32
        %dma_start3A_96 = arith.constant 0 : i32
        %dma_start3A_97 = tpu.memref_slice %arg13[%dma_start3A_95, %dma_start3A_96] : memref<10240x128xf32, #tpu.memory_space<vmem_shared>> -> memref<10240x128xf32, #tpu.memory_space<vmem_shared>>
        tpu.enqueue_indirect_dma source(%arg12 : memref<128x128xf32, #tpu.memory_space<vmem>>) target(%dma_start3A_97 : memref<10240x128xf32, #tpu.memory_space<vmem_shared>>) offsets(%arg10 : memref<128xi32, #tpu.memory_space<vmem>>) semaphore(%run_scoped3A : memref<!tpu.dma_semaphore, #tpu.memory_space<semaphore_mem>>) {add = true}
        %dma_wait3A_98 = arith.constant 0 : i32
        %dma_wait3A_99 = arith.constant 0 : i32
        %dma_wait3A_100 = tpu.memref_slice %arg13[%dma_wait3A_98, %dma_wait3A_99] : memref<10240x128xf32, #tpu.memory_space<vmem_shared>> -> memref<10240x128xf32, #tpu.memory_space<vmem_shared>>
        tpu.wait_indirect_dma semaphore(%run_scoped3A : memref<!tpu.dma_semaphore, #tpu.memory_space<semaphore_mem>>) src(%arg12 : memref<128x128xf32, #tpu.memory_space<vmem>>) dst(%dma_wait3A_100 : memref<10240x128xf32, #tpu.memory_space<vmem_shared>>)
        tpu.yield
      }) : () -> ()
    }
    %scan3A_28 = arith.constant 40 : i32
    %barrier3A_29 = arith.constant 0 : index
    tpu.barrier barrier_id(%barrier3A_29)
    "tpu.region"() ({
      %run_scoped3A = tpu.sem_alloc : memref<!tpu.dma_semaphore, #tpu.memory_space<semaphore_mem>>
      %dma_start3A_30 = arith.constant 0 : i32
      %dma_start3A_31 = tpu.memref_slice %arg6[%arg0, %mul3A_2, %dma_start3A_30] : memref<2x10240x128xf32, #tpu.memory_space<hbm>> -> memref<1x640x128xf32, #tpu.memory_space<hbm>>
      %dma_start3A_32 = tpu.memref_squeeze %dma_start3A_31 : memref<1x640x128xf32, #tpu.memory_space<hbm>> -> memref<640x128xf32, #tpu.memory_space<hbm>>
      %dma_start3A_33 = arith.constant 0 : i32
      %dma_start3A_34 = tpu.memref_slice %arg13[%mul3A_2, %dma_start3A_33] : memref<10240x128xf32, #tpu.memory_space<vmem_shared>> -> memref<640x128xf32, #tpu.memory_space<vmem_shared>>
      tpu.enqueue_dma source(%dma_start3A_34 : memref<640x128xf32, #tpu.memory_space<vmem_shared>>) target(%dma_start3A_32 : memref<640x128xf32, #tpu.memory_space<hbm>>) target_semaphore(%run_scoped3A : memref<!tpu.dma_semaphore, #tpu.memory_space<semaphore_mem>>)
      %dma_wait3A_35 = arith.constant 0 : i32
      %dma_wait3A_36 = tpu.memref_slice %arg6[%arg0, %mul3A_2, %dma_wait3A_35] : memref<2x10240x128xf32, #tpu.memory_space<hbm>> -> memref<1x640x128xf32, #tpu.memory_space<hbm>>
      %dma_wait3A_37 = tpu.memref_squeeze %dma_wait3A_36 : memref<1x640x128xf32, #tpu.memory_space<hbm>> -> memref<640x128xf32, #tpu.memory_space<hbm>>
      %dma_wait3A_38 = arith.constant 0 : i32
      %dma_wait3A_39 = tpu.memref_slice %arg13[%mul3A_2, %dma_wait3A_38] : memref<10240x128xf32, #tpu.memory_space<vmem_shared>> -> memref<640x128xf32, #tpu.memory_space<vmem_shared>>
      tpu.wait_dma2 semaphore(%run_scoped3A : memref<!tpu.dma_semaphore, #tpu.memory_space<semaphore_mem>>) src(%dma_wait3A_39 : memref<640x128xf32, #tpu.memory_space<vmem_shared>>) dst(%dma_wait3A_37 : memref<640x128xf32, #tpu.memory_space<hbm>>)
      tpu.yield
    }) : () -> ()
    return
  }
}

module attributes {stable_mosaic.version = 14 : i64} {
  func.func @_tc_first_body(%arg0: i32, %arg1: memref<2x512x128xf32, #tpu.memory_space<vmem>>, %arg2: memref<512x128xf32, #tpu.memory_space<vmem>>, %arg3: memref<128x128xf32, #tpu.memory_space<vmem>>, %arg4: memref<512x128xf32, #tpu.memory_space<vmem>>, %arg5: memref<512x16xf32, #tpu.memory_space<vmem>>) attributes {dimension_semantics = [#tpu.dimension_semantics<arbitrary>], iteration_bounds = array<i64: 20>, scalar_prefetch = 0 : i64, scratch_operands = 0 : i64, tpu.core_type = #tpu.core_type<tc>, window_params = [{transform_indices = @transform_0, window_bounds = array<i64: 2, 512, 128>}, {transform_indices = @transform_1, window_bounds = array<i64: 512, 128>}, {pipeline_mode = #tpu.pipeline_mode<synchronous>, transform_indices = @transform_2, window_bounds = array<i64: 128, 128>}, {transform_indices = @transform_3, window_bounds = array<i64: 512, 128>}, {transform_indices = @transform_4, window_bounds = array<i64: 512, 16>}]} {
    %get3A = arith.constant 0 : index
    %get3A_0 = arith.constant 0 : index
    %get3A_1 = arith.constant 0 : index
    %get3A_2 = vector.load %arg1[%get3A, %get3A_0, %get3A_1] : memref<2x512x128xf32, #tpu.memory_space<vmem>>, vector<1x512x128xf32>
    %get3A_3 = vector.shape_cast %get3A_2 : vector<1x512x128xf32> to vector<512x128xf32>
    %get3A_4 = arith.constant 1 : index
    %get3A_5 = arith.constant 0 : index
    %get3A_6 = arith.constant 0 : index
    %get3A_7 = vector.load %arg1[%get3A_4, %get3A_5, %get3A_6] : memref<2x512x128xf32, #tpu.memory_space<vmem>>, vector<1x512x128xf32>
    %get3A_8 = vector.shape_cast %get3A_7 : vector<1x512x128xf32> to vector<512x128xf32>
    %add3A = arith.addf %get3A_3, %get3A_8 : vector<512x128xf32>
    %add3A_9 = arith.constant 1.000000e+00 : f32
    %add3A_10 = vector.broadcast %add3A_9 : f32 to vector<512x128xf32>
    %add3A_11 = arith.addf %add3A, %add3A_10 : vector<512x128xf32>
    %rsqrt3A = math.rsqrt %add3A_11 : vector<512x128xf32>
    %get3A_12 = arith.constant 0 : index
    %get3A_13 = arith.constant 0 : index
    %get3A_14 = vector.load %arg2[%get3A_12, %get3A_13] : memref<512x128xf32, #tpu.memory_space<vmem>>, vector<512x128xf32>
    %get3A_15 = arith.constant 0 : index
    %get3A_16 = arith.constant 0 : index
    %get3A_17 = vector.load %arg3[%get3A_15, %get3A_16] : memref<128x128xf32, #tpu.memory_space<vmem>>, vector<128x128xf32>
    %dot_general3A = arith.constant dense<0.000000e+00> : vector<512x128xf32>
    %dot_general3A_18 = tpu.matmul %get3A_14, %get3A_17, %dot_general3A {dimension_numbers = #tpu.dot_dimension_numbers<[1], [0], [0], [1], [0, 0, 1, 1], [], []>, transpose_lhs_hint = false} : vector<512x128xf32>, vector<128x128xf32>, vector<512x128xf32> -> vector<512x128xf32>
    %slice3A = vector.extract_strided_slice %rsqrt3A {offsets = [0, 0], sizes = [512, 1], strides = [1, 1]} : vector<512x128xf32> to vector<512x1xf32>
    %mul3A = vector.broadcast %slice3A : vector<512x1xf32> to vector<512x128xf32>
    %mul3A_19 = arith.mulf %dot_general3A_18, %mul3A : vector<512x128xf32>
    %swap3A = arith.constant 0 : index
    %swap3A_20 = arith.constant 0 : index
    %swap3A_21 = vector.load %arg4[%swap3A, %swap3A_20] : memref<512x128xf32, #tpu.memory_space<vmem>>, vector<512x128xf32>
    tpu.vector_store %arg4[%swap3A, %swap3A_20], %mul3A_19 {strides = array<i32>} : memref<512x128xf32, #tpu.memory_space<vmem>>, vector<512x128xf32>,
    %slice3A_22 = vector.extract_strided_slice %rsqrt3A {offsets = [0, 0], sizes = [512, 16], strides = [1, 1]} : vector<512x128xf32> to vector<512x16xf32>
    %swap3A_23 = arith.constant 0 : index
    %swap3A_24 = arith.constant 0 : index
    %swap3A_25 = vector.load %arg5[%swap3A_23, %swap3A_24] : memref<512x16xf32, #tpu.memory_space<vmem>>, vector<512x16xf32>
    tpu.vector_store %arg5[%swap3A_23, %swap3A_24], %slice3A_22 {strides = array<i32>} : memref<512x16xf32, #tpu.memory_space<vmem>>, vector<512x16xf32>,
    return
  }
  func.func @transform_0(%arg0: i32) -> (i32, i32, i32) {
    %c0_i32 = arith.constant 0 : i32
    %c0_i32_0 = arith.constant 0 : i32
    %c0_i32_1 = arith.constant 0 : i32
    return %c0_i32, %arg0, %c0_i32_0 : i32, i32, i32
  }
  func.func @transform_1(%arg0: i32) -> (i32, i32) {
    %c0_i32 = arith.constant 0 : i32
    %c0_i32_0 = arith.constant 0 : i32
    return %arg0, %c0_i32 : i32, i32
  }
  func.func @transform_2(%arg0: i32) -> (i32, i32) {
    %c0_i32 = arith.constant 0 : i32
    %c0_i32_0 = arith.constant 0 : i32
    %c0_i32_1 = arith.constant 0 : i32
    return %c0_i32, %c0_i32_0 : i32, i32
  }
  func.func @transform_3(%arg0: i32) -> (i32, i32) {
    %c0_i32 = arith.constant 0 : i32
    %c0_i32_0 = arith.constant 0 : i32
    return %arg0, %c0_i32 : i32, i32
  }
  func.func @transform_4(%arg0: i32) -> (i32, i32) {
    %c0_i32 = arith.constant 0 : i32
    %c0_i32_0 = arith.constant 0 : i32
    return %arg0, %c0_i32 : i32, i32
  }
}

module attributes {stable_mosaic.version = 14 : i64} {
  func.func @_tc_out_body(%arg0: i32, %arg1: memref<2x512x128xf32, #tpu.memory_space<vmem>>, %arg2: memref<512x128xf32, #tpu.memory_space<vmem>>, %arg3: memref<512x16xf32, #tpu.memory_space<vmem>>, %arg4: memref<1x128xf32, #tpu.memory_space<vmem>>, %arg5: memref<128x16xf32, #tpu.memory_space<vmem>>, %arg6: memref<1x16xf32, #tpu.memory_space<vmem>>, %arg7: memref<512x16xf32, #tpu.memory_space<vmem>>) attributes {dimension_semantics = [#tpu.dimension_semantics<arbitrary>], iteration_bounds = array<i64: 20>, scalar_prefetch = 0 : i64, scratch_operands = 0 : i64, tpu.core_type = #tpu.core_type<tc>, window_params = [{transform_indices = @transform_0, window_bounds = array<i64: 2, 512, 128>}, {transform_indices = @transform_1, window_bounds = array<i64: 512, 128>}, {transform_indices = @transform_2, window_bounds = array<i64: 512, 16>}, {pipeline_mode = #tpu.pipeline_mode<synchronous>, transform_indices = @transform_3, window_bounds = array<i64: 1, 128>}, {pipeline_mode = #tpu.pipeline_mode<synchronous>, transform_indices = @transform_4, window_bounds = array<i64: 128, 16>}, {pipeline_mode = #tpu.pipeline_mode<synchronous>, transform_indices = @transform_5, window_bounds = array<i64: 1, 16>}, {transform_indices = @transform_6, window_bounds = array<i64: 512, 16>}]} {
    %get3A = arith.constant 0 : index
    %get3A_0 = arith.constant 0 : index
    %get3A_1 = vector.load %arg3[%get3A, %get3A_0] : memref<512x16xf32, #tpu.memory_space<vmem>>, vector<512x1xf32>
    %get3A_2 = arith.constant 0 : index
    %get3A_3 = arith.constant 0 : index
    %get3A_4 = arith.constant 0 : index
    %get3A_5 = vector.load %arg1[%get3A_2, %get3A_3, %get3A_4] : memref<2x512x128xf32, #tpu.memory_space<vmem>>, vector<1x512x128xf32>
    %get3A_6 = vector.shape_cast %get3A_5 : vector<1x512x128xf32> to vector<512x128xf32>
    %get3A_7 = arith.constant 1 : index
    %get3A_8 = arith.constant 0 : index
    %get3A_9 = arith.constant 0 : index
    %get3A_10 = vector.load %arg1[%get3A_7, %get3A_8, %get3A_9] : memref<2x512x128xf32, #tpu.memory_space<vmem>>, vector<1x512x128xf32>
    %get3A_11 = vector.shape_cast %get3A_10 : vector<1x512x128xf32> to vector<512x128xf32>
    %add3A = arith.addf %get3A_6, %get3A_11 : vector<512x128xf32>
    %get3A_12 = arith.constant 0 : index
    %get3A_13 = arith.constant 0 : index
    %get3A_14 = vector.load %arg2[%get3A_12, %get3A_13] : memref<512x128xf32, #tpu.memory_space<vmem>>, vector<512x128xf32>
    %add3A_15 = arith.addf %add3A, %get3A_14 : vector<512x128xf32>
    %mul3A = vector.broadcast %get3A_1 : vector<512x1xf32> to vector<512x128xf32>
    %mul3A_16 = arith.mulf %add3A_15, %mul3A : vector<512x128xf32>
    %get3A_17 = arith.constant 0 : index
    %get3A_18 = arith.constant 0 : index
    %get3A_19 = vector.load %arg4[%get3A_17, %get3A_18] : memref<1x128xf32, #tpu.memory_space<vmem>>, vector<1x128xf32>
    %add3A_20 = vector.broadcast %get3A_19 : vector<1x128xf32> to vector<512x128xf32>
    %add3A_21 = arith.addf %mul3A_16, %add3A_20 : vector<512x128xf32>
    %max3A = arith.constant 0.000000e+00 : f32
    %max3A_22 = vector.broadcast %max3A : f32 to vector<512x128xf32>
    %max3A_23 = arith.maximumf %add3A_21, %max3A_22 : vector<512x128xf32>
    %get3A_24 = arith.constant 0 : index
    %get3A_25 = arith.constant 0 : index
    %get3A_26 = vector.load %arg5[%get3A_24, %get3A_25] : memref<128x16xf32, #tpu.memory_space<vmem>>, vector<128x16xf32>
    %dot_general3A = arith.constant dense<0.000000e+00> : vector<512x16xf32>
    %dot_general3A_27 = tpu.matmul %max3A_23, %get3A_26, %dot_general3A {dimension_numbers = #tpu.dot_dimension_numbers<[1], [0], [0], [1], [0, 0, 1, 1], [], []>, transpose_lhs_hint = false} : vector<512x128xf32>, vector<128x16xf32>, vector<512x16xf32> -> vector<512x16xf32>
    %get3A_28 = arith.constant 0 : index
    %get3A_29 = arith.constant 0 : index
    %get3A_30 = vector.load %arg6[%get3A_28, %get3A_29] : memref<1x16xf32, #tpu.memory_space<vmem>>, vector<1x16xf32>
    %add3A_31 = vector.broadcast %get3A_30 : vector<1x16xf32> to vector<512x16xf32>
    %add3A_32 = arith.addf %dot_general3A_27, %add3A_31 : vector<512x16xf32>
    %reduce_max3A = arith.constant dense<0xFF800000> : vector<512xf32>
    %reduce_max3A_33 = vector.multi_reduction <maximumf>, %add3A_32, %reduce_max3A [1] : vector<512x16xf32> to vector<512xf32>
    %broadcast_in_dim3A = vector.shape_cast %reduce_max3A_33 : vector<512xf32> to vector<512x1xf32>
    %sub3A = vector.broadcast %broadcast_in_dim3A : vector<512x1xf32> to vector<512x16xf32>
    %sub3A_34 = arith.subf %add3A_32, %sub3A : vector<512x16xf32>
    %exp3A = math.exp %sub3A_34 : vector<512x16xf32>
    %reduce_sum3A = arith.constant dense<0.000000e+00> : vector<512xf32>
    %reduce_sum3A_35 = vector.multi_reduction <add>, %exp3A, %reduce_sum3A [1] : vector<512x16xf32> to vector<512xf32>
    %broadcast_in_dim3A_36 = vector.shape_cast %reduce_sum3A_35 : vector<512xf32> to vector<512x1xf32>
    %div3A = vector.broadcast %broadcast_in_dim3A_36 : vector<512x1xf32> to vector<512x16xf32>
    %div3A_37 = arith.divf %exp3A, %div3A : vector<512x16xf32>
    %swap3A = arith.constant 0 : index
    %swap3A_38 = arith.constant 0 : index
    %swap3A_39 = vector.load %arg7[%swap3A, %swap3A_38] : memref<512x16xf32, #tpu.memory_space<vmem>>, vector<512x16xf32>
    tpu.vector_store %arg7[%swap3A, %swap3A_38], %div3A_37 {strides = array<i32>} : memref<512x16xf32, #tpu.memory_space<vmem>>, vector<512x16xf32>,
    return
  }
  func.func @transform_0(%arg0: i32) -> (i32, i32, i32) {
    %c0_i32 = arith.constant 0 : i32
    %c0_i32_0 = arith.constant 0 : i32
    %c0_i32_1 = arith.constant 0 : i32
    return %c0_i32, %arg0, %c0_i32_0 : i32, i32, i32
  }
  func.func @transform_1(%arg0: i32) -> (i32, i32) {
    %c0_i32 = arith.constant 0 : i32
    %c0_i32_0 = arith.constant 0 : i32
    return %arg0, %c0_i32 : i32, i32
  }
  func.func @transform_2(%arg0: i32) -> (i32, i32) {
    %c0_i32 = arith.constant 0 : i32
    %c0_i32_0 = arith.constant 0 : i32
    return %arg0, %c0_i32 : i32, i32
  }
  func.func @transform_3(%arg0: i32) -> (i32, i32) {
    %c0_i32 = arith.constant 0 : i32
    %c0_i32_0 = arith.constant 0 : i32
    %c0_i32_1 = arith.constant 0 : i32
    return %c0_i32, %c0_i32_0 : i32, i32
  }
  func.func @transform_4(%arg0: i32) -> (i32, i32) {
    %c0_i32 = arith.constant 0 : i32
    %c0_i32_0 = arith.constant 0 : i32
    %c0_i32_1 = arith.constant 0 : i32
    return %c0_i32, %c0_i32_0 : i32, i32
  }
  func.func @transform_5(%arg0: i32) -> (i32, i32) {
    %c0_i32 = arith.constant 0 : i32
    %c0_i32_0 = arith.constant 0 : i32
    %c0_i32_1 = arith.constant 0 : i32
    return %c0_i32, %c0_i32_0 : i32, i32
  }
  func.func @transform_6(%arg0: i32) -> (i32, i32) {
    %c0_i32 = arith.constant 0 : i32
    %c0_i32_0 = arith.constant 0 : i32
    return %arg0, %c0_i32 : i32, i32
  }
}

module attributes {stable_mosaic.version = 14 : i64} {
  func.func @_tc_mid_body(%arg0: i32, %arg1: memref<2x512x128xf32, #tpu.memory_space<vmem>>, %arg2: memref<512x128xf32, #tpu.memory_space<vmem>>, %arg3: memref<512x16xf32, #tpu.memory_space<vmem>>, %arg4: memref<1x128xf32, #tpu.memory_space<vmem>>, %arg5: memref<128x128xf32, #tpu.memory_space<vmem>>, %arg6: memref<512x128xf32, #tpu.memory_space<vmem>>) attributes {dimension_semantics = [#tpu.dimension_semantics<arbitrary>], iteration_bounds = array<i64: 20>, scalar_prefetch = 0 : i64, scratch_operands = 0 : i64, tpu.core_type = #tpu.core_type<tc>, window_params = [{transform_indices = @transform_0, window_bounds = array<i64: 2, 512, 128>}, {transform_indices = @transform_1, window_bounds = array<i64: 512, 128>}, {transform_indices = @transform_2, window_bounds = array<i64: 512, 16>}, {pipeline_mode = #tpu.pipeline_mode<synchronous>, transform_indices = @transform_3, window_bounds = array<i64: 1, 128>}, {pipeline_mode = #tpu.pipeline_mode<synchronous>, transform_indices = @transform_4, window_bounds = array<i64: 128, 128>}, {transform_indices = @transform_5, window_bounds = array<i64: 512, 128>}]} {
    %get3A = arith.constant 0 : index
    %get3A_0 = arith.constant 0 : index
    %get3A_1 = vector.load %arg3[%get3A, %get3A_0] : memref<512x16xf32, #tpu.memory_space<vmem>>, vector<512x1xf32>
    %get3A_2 = arith.constant 0 : index
    %get3A_3 = arith.constant 0 : index
    %get3A_4 = arith.constant 0 : index
    %get3A_5 = vector.load %arg1[%get3A_2, %get3A_3, %get3A_4] : memref<2x512x128xf32, #tpu.memory_space<vmem>>, vector<1x512x128xf32>
    %get3A_6 = vector.shape_cast %get3A_5 : vector<1x512x128xf32> to vector<512x128xf32>
    %get3A_7 = arith.constant 1 : index
    %get3A_8 = arith.constant 0 : index
    %get3A_9 = arith.constant 0 : index
    %get3A_10 = vector.load %arg1[%get3A_7, %get3A_8, %get3A_9] : memref<2x512x128xf32, #tpu.memory_space<vmem>>, vector<1x512x128xf32>
    %get3A_11 = vector.shape_cast %get3A_10 : vector<1x512x128xf32> to vector<512x128xf32>
    %add3A = arith.addf %get3A_6, %get3A_11 : vector<512x128xf32>
    %get3A_12 = arith.constant 0 : index
    %get3A_13 = arith.constant 0 : index
    %get3A_14 = vector.load %arg2[%get3A_12, %get3A_13] : memref<512x128xf32, #tpu.memory_space<vmem>>, vector<512x128xf32>
    %add3A_15 = arith.addf %add3A, %get3A_14 : vector<512x128xf32>
    %mul3A = vector.broadcast %get3A_1 : vector<512x1xf32> to vector<512x128xf32>
    %mul3A_16 = arith.mulf %add3A_15, %mul3A : vector<512x128xf32>
    %get3A_17 = arith.constant 0 : index
    %get3A_18 = arith.constant 0 : index
    %get3A_19 = vector.load %arg4[%get3A_17, %get3A_18] : memref<1x128xf32, #tpu.memory_space<vmem>>, vector<1x128xf32>
    %add3A_20 = vector.broadcast %get3A_19 : vector<1x128xf32> to vector<512x128xf32>
    %add3A_21 = arith.addf %mul3A_16, %add3A_20 : vector<512x128xf32>
    %max3A = arith.constant 0.000000e+00 : f32
    %max3A_22 = vector.broadcast %max3A : f32 to vector<512x128xf32>
    %max3A_23 = arith.maximumf %add3A_21, %max3A_22 : vector<512x128xf32>
    %get3A_24 = arith.constant 0 : index
    %get3A_25 = arith.constant 0 : index
    %get3A_26 = vector.load %arg5[%get3A_24, %get3A_25] : memref<128x128xf32, #tpu.memory_space<vmem>>, vector<128x128xf32>
    %dot_general3A = arith.constant dense<0.000000e+00> : vector<512x128xf32>
    %dot_general3A_27 = tpu.matmul %max3A_23, %get3A_26, %dot_general3A {dimension_numbers = #tpu.dot_dimension_numbers<[1], [0], [0], [1], [0, 0, 1, 1], [], []>, transpose_lhs_hint = false} : vector<512x128xf32>, vector<128x128xf32>, vector<512x128xf32> -> vector<512x128xf32>
    %mul3A_28 = vector.broadcast %get3A_1 : vector<512x1xf32> to vector<512x128xf32>
    %mul3A_29 = arith.mulf %dot_general3A_27, %mul3A_28 : vector<512x128xf32>
    %swap3A = arith.constant 0 : index
    %swap3A_30 = arith.constant 0 : index
    %swap3A_31 = vector.load %arg6[%swap3A, %swap3A_30] : memref<512x128xf32, #tpu.memory_space<vmem>>, vector<512x128xf32>
    tpu.vector_store %arg6[%swap3A, %swap3A_30], %mul3A_29 {strides = array<i32>} : memref<512x128xf32, #tpu.memory_space<vmem>>, vector<512x128xf32>,
    return
  }
  func.func @transform_0(%arg0: i32) -> (i32, i32, i32) {
    %c0_i32 = arith.constant 0 : i32
    %c0_i32_0 = arith.constant 0 : i32
    %c0_i32_1 = arith.constant 0 : i32
    return %c0_i32, %arg0, %c0_i32_0 : i32, i32, i32
  }
  func.func @transform_1(%arg0: i32) -> (i32, i32) {
    %c0_i32 = arith.constant 0 : i32
    %c0_i32_0 = arith.constant 0 : i32
    return %arg0, %c0_i32 : i32, i32
  }
  func.func @transform_2(%arg0: i32) -> (i32, i32) {
    %c0_i32 = arith.constant 0 : i32
    %c0_i32_0 = arith.constant 0 : i32
    return %arg0, %c0_i32 : i32, i32
  }
  func.func @transform_3(%arg0: i32) -> (i32, i32) {
    %c0_i32 = arith.constant 0 : i32
    %c0_i32_0 = arith.constant 0 : i32
    %c0_i32_1 = arith.constant 0 : i32
    return %c0_i32, %c0_i32_0 : i32, i32
  }
  func.func @transform_4(%arg0: i32) -> (i32, i32) {
    %c0_i32 = arith.constant 0 : i32
    %c0_i32_0 = arith.constant 0 : i32
    %c0_i32_1 = arith.constant 0 : i32
    return %c0_i32, %c0_i32_0 : i32, i32
  }
  func.func @transform_5(%arg0: i32) -> (i32, i32) {
    %c0_i32 = arith.constant 0 : i32
    %c0_i32_0 = arith.constant 0 : i32
    return %arg0, %c0_i32 : i32, i32
  }
}

</mosaic_0001>

<sc_bundles>
// kernel: kernel.12.cloned.1.call-start
scs
__scs_entry_jumppad:
0x0: {  	(pc) =	sbr.rel $0x88, $3  }
0x1: {  	(tag) =	ssettag $0x0;
	lr =	simm.s32 $0x1  }
0x2: {  	[smem:$0x3F95] =	sst lr;
	_ =	strace $0xD0000000  }
0x3: {  	_ = 	snop  }
0x4: {  	_ = 	snop  }
0x5: {  	_ = 	snop  }
0x6: {  	_ = 	snop  }
0x7: {  	_ = 	snop  }
__scs_overlays_trampoline_lowered:
0x8: {  	[smem:$0x3FA4] =	sst s0  }
0x9: {  	[smem:$0x3FA5] =	sst s1  }
0xa: {  	[smem:$0x3FA6] =	sst s2  }
0xb: {  	[smem:$0x3FA7] =	sst s3  }
0xc: {  	[smem:$0x3FA8] =	sst s4  }
0xd: {  	[smem:$0x3FA9] =	sst s5  }
0xe: {  	[smem:$0x3FAA] =	sst s6  }
0xf: {  	[smem:$0x3FAB] =	sst s7  }
0x10: {  	[smem:$0x3FAC] =	sst s8  }
0x11: {  	[smem:$0x3FAD] =	sst s9;
	s0 =	simm.s32 @!p0 $0x0  }
0x12: {  	s1 =	sld [smem:$0x3F93];
	s0 =	simm.s32 @p0 $0x1  }
0x13: {  	[smem:$0x3FAE] =	sst s0;
	s0 =	simm.s32 @!p1 $0x0  }
0x14: {  	s2 =	sld [smem:$0x3F92];
	s0 =	simm.s32 @p1 $0x1  }
0x15: {  	[smem:$0x3FAF] =	sst s0;
	s0 =	simm.s32 @!p2 $0x0  }
0x16: {  	s3 =	sld [smem:$0x3FDB];
	s0 =	simm.s32 @p2 $0x1  }
0x17: {  	s4 =	simm.s32 $0x1BF5;
	[smem:$0x3FB1] =	sst s0  }
0x18: {  	s0 =	sld [smem:$0x3F94];
	_ =	swait.ge [sflag:s4], $0x0  }
0x19: {  	s7 =	sld [smem:$0x3F95]  }
0x1a: {  	s8 =	sadd.s32 $0xFFFFE003, lr  }
0x1b: {  	s9 =	sadd.s32 $0xFFFFFEF7, lr;
	s5 =	simm.s32 $0xFFFFFFFF;
	p2 =	slt.u32 s8, $0xFFFFF086  }
0x1c: {  	p1 =	slt.u32 s9, $0xF7A;
	s5 =	simm.s32 @!p2 $0x0  }
0x1d: {  	s5 =	simm.s32 @p1 $0x1;
	p0 =	seq.s32 s7, s2  }
0x1e: {  	s7 =	smul.u32 @!p0 $0xF7A, s2;
	p2 =	seq.s32 @!p0 s5, $0x0  }
0x1f: {  	s9 =	smul.u32 $0xF7A, s1;
	s8 =	simm.s32 @!p0 $0x1BF5;
	p2 =	por !p2, p0  }
0x20: {  	[sflag:s8] =	ssyncset.s32 @!p0 $0xFFFFF086;
	s6 =	sadd.s32 @!p0 s3, s7;
	s7 =	simm.s32 @!p0 $0x108  }
0x21: {  	s3 =	sadd.s32 s3, s9;
	s6 =	sadd.s32 @!p0 $0x88, s6;
	s7 =	simm.s32 @p2 $0x1082  }
0x22: {  	[simem:s7], [sflag:s8] =	dma.local @!p0 [hbm:s6], $0xF7A  }
0x23: {  	s9 =	sor.u32 $0xD0000000, s2;
	s6 =	simm.s32 $0x108;
	_ =	swait.ge @!p0 [sflag:s8], $0x0  }
0x24: {  	s3 =	sadd.s32 $0x88, s3;
	s6 =	simm.s32 @!p1 $0x1082;
	[sflag:s4] =	ssyncset.s32 $0xFFFFF086  }
0x25: {  	[simem:s6], [sflag:s4] =	dma.local [hbm:s3], $0xF7A  }
0x26: {  	[smem:$0x3F95] =	sst s1;
	(tag) =	ssettag s2;
	_ =	strace s9  }
0x27: {  	s1 =	sld [smem:$0x3FA5]  }
0x28: {  	s2 =	sld [smem:$0x3FA6]  }
0x29: {  	s4 =	sld [smem:$0x3FA8]  }
0x2a: {  	p0 =	seq.s32 s5, $0x0;
	s5 =	sld [smem:$0x3FA9]  }
0x2b: {  	s6 =	sld [smem:$0x3FAA]  }
0x2c: {  	s7 =	sld [smem:$0x3FAB]  }
0x2d: {  	s3 =	simm.s32 $0x108;
	s8 =	sld [smem:$0x3FAC]  }
0x2e: {  	s3 =	simm.s32 @!p0 $0x1082;
	s9 =	sld [smem:$0x3FAD]  }
0x2f: {  	lr =	sadd.s32 s0, s3;
	s0 =	sld [smem:$0x3FA4]  }
0x30: {  	s3 =	sld [smem:$0x3FA7]  }
0x31: {  	[smem:$0x3FB0] =	sst s10  }
0x32: {  	s10 =	sld [smem:$0x3FAE];
	_ =	sdelay $0x3  }
0x33: {  	p0 =	seq.s32 s10, $0x1;
	s10 =	sld [smem:$0x3FB0];
	_ =	sdelay $0x3  }
0x34: {  	[smem:$0x3FB0] =	sst s10  }
0x35: {  	s10 =	sld [smem:$0x3FAF];
	_ =	sdelay $0x3  }
0x36: {  	p1 =	seq.s32 s10, $0x1;
	s10 =	sld [smem:$0x3FB0];
	_ =	sdelay $0x3  }
0x37: {  	[smem:$0x3FB0] =	sst s10  }
0x38: {  	s10 =	sld [smem:$0x3FB1]  }
0x39: {  	_ = 	snop;
	(pc) =	sbr.ind lr, $3  }
0x3a: {  	_ = 	snop  }
0x3b: {  	_ = 	snop  }
0x3c: {  	p2 =	seq.s32 s10, $0x1;
	s10 =	sld [smem:$0x3FB0]  }
0x3d: {  	_ =	shalt  }
0x3e: {  	_ =	shalt  }
0x3f: {  	_ =	shalt  }
0x40: {  	_ =	shalt  }
0x41: {  	_ =	shalt  }
0x42: {  	_ =	shalt  }
0x43: {  	_ =	shalt  }
0x44: {  	_ =	shalt  }
0x45: {  	_ =	shalt  }
0x46: {  	_ =	shalt  }
0x47: {  	_ =	shalt  }
0x48: {  	_ =	shalt  }
0x49: {  	_ =	shalt  }
0x4a: {  	_ =	shalt  }
0x4b: {  	_ =	shalt  }
0x4c: {  	_ =	shalt  }
0x4d: {  	_ =	shalt  }
0x4e: {  	_ =	shalt  }
0x4f: {  	_ =	shalt  }
0x50: {  	_ =	shalt  }
0x51: {  	_ =	shalt  }
0x52: {  	_ =	shalt  }
0x53: {  	_ =	shalt  }
0x54: {  	_ =	shalt  }
0x55: {  	_ =	shalt  }
0x56: {  	_ =	shalt  }
0x57: {  	_ =	shalt  }
0x58: {  	_ =	shalt  }
0x59: {  	_ =	shalt  }
0x5a: {  	_ =	shalt  }
0x5b: {  	_ =	shalt  }
0x5c: {  	_ =	shalt  }
0x5d: {  	_ =	shalt  }
0x5e: {  	_ =	shalt  }
0x5f: {  	_ =	shalt  }
0x60: {  	_ =	shalt  }
0x61: {  	_ =	shalt  }
0x62: {  	_ =	shalt  }
0x63: {  	_ =	shalt  }
0x64: {  	_ =	shalt  }
0x65: {  	_ =	shalt  }
0x66: {  	_ =	shalt  }
0x67: {  	_ =	shalt  }
0x68: {  	_ =	shalt  }
0x69: {  	_ =	shalt  }
0x6a: {  	_ =	shalt  }
0x6b: {  	_ =	shalt  }
0x6c: {  	_ =	shalt  }
0x6d: {  	_ =	shalt  }
0x6e: {  	_ =	shalt  }
0x6f: {  	_ =	shalt  }
0x70: {  	_ =	shalt  }
0x71: {  	_ =	shalt  }
0x72: {  	_ =	shalt  }
0x73: {  	_ =	shalt  }
0x74: {  	_ =	shalt  }
0x75: {  	_ =	shalt  }
0x76: {  	_ =	shalt  }
0x77: {  	_ =	shalt  }
0x78: {  	_ =	shalt  }
0x79: {  	_ =	shalt  }
0x7a: {  	_ =	shalt  }
0x7b: {  	_ =	shalt  }
0x7c: {  	_ =	shalt  }
0x7d: {  	_ =	shalt  }
0x7e: {  	_ =	shalt  }
0x7f: {  	_ =	shalt  }
0x80: {  	_ =	shalt  }
0x81: {  	_ =	shalt  }
0x82: {  	_ =	shalt  }
0x83: {  	_ =	shalt  }
0x84: {  	_ =	shalt  }
0x85: {  	_ =	shalt  }
0x86: {  	_ =	shalt  }
0x87: {  	_ =	shalt  }
.Lfunc_end0:
.L_simem_size_0:
called_computation_lowered:
.L_overlay_start_0:
0x88: {  	s2 =	sld [smem:$0x3FD9]  }
0x89: {  	s3 =	sld [smem:$0x3FFE];
	_ =	sdelay $0x1  }
0x8a: {  	s1 =	srdreg.scid  }
0x8b: {  	s0 =	sand.u32 $0x1, s1  }
0x8c: {  	s17 =	sshll.u32 s0, $0xA;
	s2 =	sadd.s32 s3, s2  }
0x8d: {  	s2 =	sadd.s32 s2, s17  }
0x8e: {  	[smem:$0x3FBC] =	sst s2  }
0x8f: {  	_ = 	snop  }
0x90: {  	s2 =	sld [smem:$0x3FD0];
	(tm) =	ssettm $0x1  }
0x91: {  	s18 =	sld [smem:$0x3FFB];
	_ =	sdelay $0x3  }
0x92: {  	_ =	strace s18  }
0x93: {  	s3 =	sld [smem:$0x3FFC];
	_ =	sdelay $0x3  }
0x94: {  	_ =	strace s3  }
0x95: {  	s3 =	sld [smem:$0x3FFD];
	_ =	sdelay $0x3  }
0x96: {  	_ =	strace s3  }
0x97: {  	_ =	strace $0x8FFFFFFF  }
0x98: {  	s19 =	sld [smem:$0x3FDB];
	_ =	sdelay $0x1  }
0x99: {  	s4 =	simm.s32 $_scs_section_size  }
0x9a: {  	s5 =	simm.s32 $_size__tile_overlayer_lowered;
	s6 =	simm.s32 $_tile_overlayer_lowered  }
0x9b: {  	s22 =	simm.s32 $0x1BFF;
	s21 =	sshll.u32 s6, $0x1;
	s3 =	sadd.s32 s4, s19  }
0x9c: {  	s7 =	simm.s32 $0x0;
	s20 =	sshll.u32 s5, $0x1;
	s5 =	sadd.s32 s21, s3  }
0x9d: {  	[timem:s7], [sflag:s22] =	dma.local [hbm:s5], s20  }
0x9e: {  	_ =	swait.ge [sflag:s22], s20  }
0x9f: {  	s4 =	ssub.s32 $0x0, s20;
	[sflag:s22] =	ssyncset.done $0x0  }
0xa0: {  	[sflag:s22] =	ssyncadd.s32 s4;
	_ =	sdelay $0x1  }
0xa1: {  	s23 =	simm.s32 $0x1B8B  }
0xa2: {  	_ =	swait.ge [sflag:s23], $0x1  }
0xa3: {  	[sflag:s23] =	ssyncset.done $0x0  }
0xa4: {  	s25 =	simm.s32 $0x1B8E;
	s24 =	sld [smem:$0x3FFE];
	[sflag:s23] =	ssyncadd.s32 $0xFFFFFFFF  }
0xa5: {  	s26 =	simm.s32 $execute0_lowered;
	[smem:$0x3FD2] =	sst s25  }
0xa6: {  	s5 =	sshll.u32 s26, $0x1;
	_ =	strace $0x80000046;
	[dreg:$0x1] =	wrdreg $0xFFFFFFFF  }
0xa7: {  	s28 =	simm.s32 $_size_execute0_lowered;
	s3 =	sadd.s32 s3, s5;
	[dreg:$0x0] =	wrdreg $0x0  }
0xa8: {  	s5 =	sshll.u32 s28, $0x1;
	[dreg:$0x2] =	wrdreg s3  }
0xa9: {  	[dreg:$0x3] =	wrdreg s5  }
0xaa: {  	[dreg:$0x4] =	wrdreg $0xC0  }
0xab: {  	_ =	task [dreg:s7], $0x5FFFF  }
0xac: {  	[dreg:$0x1] =	wrdreg $0xFFFFFFFF  }
0xad: {  	[dreg:$0x0] =	wrdreg $0x60  }
0xae: {  	[dreg:$0x2] =	wrdreg s24  }
0xaf: {  	[dreg:$0x3] =	wrdreg s2  }
0xb0: {  	[dreg:$0x4] =	wrdreg $0x40800  }
0xb1: {  	[dreg:$0x5] =	wrdreg $0x9  }
0xb2: {  	_ =	task.clear_ibuf [dreg:s7], $0x6FFFF;
	_ =	strace $0x90000046  }
0xb3: {  	s29 =	simm.s32 $0x9;
	_ =	strace $0x80000048  }
0xb4: {  	_ =	swait.ge [sflag:s29], $0x1  }
0xb5: {  	[sflag:s29] =	ssyncadd.s32 $0xFFFFFFFF  }
0xb6: {  	_ =	strace $0x90000048  }
0xb7: {  	_ =	sfence  }
0xb8: {  	s30 =	sld [smem:$0x0];
	_ =	sdelay $0x2  }
0xb9: {  	s31 =	sshll.u32 s1, $0xD;
	s1 =	sshrl.u32 s1, $0x2  }
0xba: {  	s3 =	sand.u32 $0x4000, s31;
	s1 =	sadd.s32 s1, s30  }
0xbb: {  	s0 =	sor.u32 s3, s0;
	s1 =	sshll.u32 s1, $0x11  }
0xbc: {  	s0 =	sor.u32 s1, s0  }
0xbd: {  	s0 =	sadd.s32 $0x8F2B, s0  }
0xbe: {  	[sflag:s0] =	ssyncadd.remote.s32 $0x1  }
0xbf: {  	_ =	sfence.sel $0xFFFF  }
0xc0: {  	[dreg:$0x0] =	wrdreg $0xFFFFFFFF;
	(pc) =	sbr.abs _section_cstart, $3  }
0xc1: {  	[dreg:$0x1] =	wrdreg $0xFFFFFFFF  }
0xc2: {  	_ =	task.clear_ibuf [dreg:s7], $0x2FFFF;
	_ =	strace $0x9FFFFFFF  }
0xc3: {  	(tm) =	ssettm $0x7FFFFFFF  }
tec
execute0_lowered:
.L_overlay_start_1:
0x0: {  	(tag) =	ssettag $0x1  }
0x1: {  	s7 =	rddreg [dreg:$0x0]  }
0x2: {  	s1 =	rddreg [dreg:$0x1]  }
0x3: {  	s2 =	rddreg [dreg:$0x2];
	s3 =	srdreg.scid  }
0x4: {  	s0 =	rddreg [dreg:$0x3];
	s4 =	simm.s32 $0x0;
	s13 =	simm.s32 $0x80  }
0x5: {  	s14 =	simm.s32 $0x0;
	s8 =	sand.u32 $0x1, s3;
	s3 =	stileid.u32  }
0x6: {  	[smem:$0x7FF] =	sst s4;
	s5 =	sadd.s32 $0xE200, s7;
	s9 =	smul.u32 $0x140000, s8  }
0x7: {  	s6 =	sadd.s32 $0x18200, s7;
	s10 =	smul.u32 $0x14000, s3;
	_ =	strace $0x80000047  }
0x8: {  	s28 =	ssub.s32 $0x2, s8;
	s12 =	smul.u32 $0x50000, s3;
	s29 =	sshll.u32 s8, $0x4  }
0x9: {  	s31 =	sshll.u32 s3, $0x6;
	s11 =	sshrl.u32 s28, $0x1;
	s8 =	sor.u32 s3, s29  }
0xa: {  	s9 =	sadd.s32 s10, s9;
	s10 =	ssub.s32 s28, s11;
	s30 =	sshrl.u32 s12, $0x2  }
0xb: {  	s8 =	smul.u32 $0x2800, s8;
	s9 =	sshrl.u32 s9, $0x3;
	s12 =	sadd.s32 s30, s2  }
0xc: {  	s10 =	smax.u32 s10, $0x1;
	s9 =	sadd.s32 s9, s7;
	s7 =	sor.u32 $0x1C01, s31  }
0xd: {  	s11 =	sshrl.u32 s12, $0x3;
	s12 =	simm.s32 $0x1;
	s9 =	sadd.s32 $0x18A00, s9  }
.LBB2_1:
0xe: {  	[spmem:s11], [sflag:s7] =	dma.local [hbm:s1], $0x2800  }
0xf: {  	_ =	swait.ge [sflag:s12], $0x2800  }
0x10: {  	[sflag:s12] =	ssyncset.done $0x0  }
0x11: {  	s15 =	sand.u32 $0x3C00, s4;
	[sflag:s12] =	ssyncadd.s32 $0xFFFFD800  }
0x12: {  	[tilespmem:s13], [sflag:$0x1] =	stream.linear.gather [hbm4b:s6+s4], $0x4000, $0x38;
	[tilespmem:$0x18080] =	vst v63  }
0x13: {  	s16 =	sand.u32 $0x380, s4;
	s15 =	sadd.s32 s8, s15;
	_ =	swait.ge [sflag:s12], $0x4000  }
0x14: {  	s15 =	sor.u32 s16, s15;
	[sflag:s12] =	ssyncset.done $0x0  }
0x15: {  	s15 =	sshrl.u32 s15, $0x3;
	[sflag:s12] =	ssyncadd.s32 $0xFFFFC000  }
0x16: {  	s15 =	sadd.s32 s5, s15;
	[bflag:$0x0] =	sbarrier.arrive $0xFFFF  }
0x17: {  	[tilespmem:s4], [sflag:$0x1] =	stream.linear.gather [hbm4b:s15+s4], $0x80, $0x38;
	[tilespmem:$0x18080] =	vst v63  }
0x18: {  	_ =	swait.ge [sflag:s12], $0x80  }
0x19: {  	s30 =	simm.s32 $0x80;
	[sflag:s12] =	ssyncset.done $0x0  }
0x1a: {  	s31 =	sand.u32 $0x3C00, s30;
	[sflag:s12] =	ssyncadd.s32 $0xFFFFFF80  }
0x1b: {  	[spmem:s2] =	stream.indirect.scatter.add.f32 [tilespmem:s13], [sflag:$0x1], $0x80, s4, s13, $0xb8;
	[tilespmem:$0x18080] =	vst v63  }
0x1c: {  	s17 =	sand.u32 $0x380, s30;
	s16 =	sadd.s32 s8, s31;
	_ =	swait.ge [sflag:s12], $0x4000  }
0x1d: {  	s16 =	sor.u32 s17, s16;
	s15 =	simm.s32 $0x100;
	[sflag:s12] =	ssyncset.done $0x0  }
.LBB2_2:
0x1e: {  	s16 =	sshrl.u32 s16, $0x3  }
0x1f: {  	[sflag:s12] =	ssyncadd.s32 $0xFFFFC000;
	s17 =	smov.u32 s15;
	s18 =	sadd.s32 $0x80, s15  }
0x20: {  	p0 =	sne.s32 s15, $0x2780;
	s15 =	sadd.s32 s5, s16  }
0x21: {  	[tilespmem:s4], [sflag:$0x1] =	stream.linear.gather [hbm4b:s15+s4], $0x80, $0x38;
	[tilespmem:$0x18080] =	vst v63  }
0x22: {  	_ =	swait.ge [sflag:s12], $0x80  }
.Ltmp0:
0x23: {  	[sflag:s12] =	ssyncset.done $0x0;
	(pc) =	sbr.rel @p0 .LBB2_2-.Ltmp0, $4  }
0x24: {  	s15 =	sand.u32 $0x3C00, s17;
	[sflag:s12] =	ssyncadd.s32 $0xFFFFFF80  }
0x25: {  	[spmem:s2] =	stream.indirect.scatter.add.f32 [tilespmem:s13], [sflag:$0x1], $0x80, s4, s13, $0xb8;
	[tilespmem:$0x18080] =	vst v63  }
0x26: {  	s16 =	sand.u32 $0x380, s17;
	s15 =	sadd.s32 s8, s15;
	_ =	swait.ge [sflag:s12], $0x4000  }
0x27: {  	s16 =	sor.u32 s16, s15;
	s15 =	smov.u32 s18;
	[sflag:s12] =	ssyncset.done $0x0  }
0x28: {  	s15 =	sshrl.u32 s16, $0x3  }
0x29: {  	[sflag:s12] =	ssyncadd.s32 $0xFFFFC000;
	s15 =	sadd.s32 s5, s15  }
0x2a: {  	[tilespmem:s4], [sflag:$0x1] =	stream.linear.gather [hbm4b:s15+s4], $0x80, $0x38;
	[tilespmem:$0x18080] =	vst v63  }
0x2b: {  	_ =	swait.ge [sflag:s12], $0x80  }
0x2c: {  	[sflag:s12] =	ssyncset.done $0x0  }
0x2d: {  	[sflag:s12] =	ssyncadd.s32 $0xFFFFFF80  }
0x2e: {  	[spmem:s2] =	stream.indirect.scatter.add.f32 [tilespmem:s13], [sflag:$0x1], $0x80, s4, s13, $0xb8;
	[tilespmem:$0x18080] =	vst v63  }
0x2f: {  	_ =	swait.ge [sflag:s12], $0x4000  }
0x30: {  	s14 =	sadd.s32 $0x1, s14;
	[sflag:s12] =	ssyncset.done $0x0  }
0x31: {  	p0 =	sne.s32 s14, s10;
	[sflag:s12] =	ssyncadd.s32 $0xFFFFC000  }
.Ltmp1:
0x32: {  	[bflag:$0x0] =	sbarrier.arrive $0xFFFF;
	(pc) =	sbr.rel @p0 .LBB2_1-.Ltmp1, $4  }
0x33: {  	[hbm:s9], [sflag:s7] =	dma.local [spmem:s11], $0x2800  }
0x34: {  	_ =	swait.ge [sflag:s12], $0x2800  }
0x35: {  	[sflag:s12] =	ssyncset.done $0x0  }
0x36: {  	[sflag:s12] =	ssyncadd.s32 $0xFFFFD800  }
0x37: {  	_ =	sfence.sel $0x180000  }
0x38: {  	[bflag:$0x0] =	sbarrier.arrive $0xFFFF  }
0x39: {  	p0 =	sne.s32 s3, $0x0;
	_ =	strace $0x90000047  }
0x3a: {  	s0 =	sadd.s32 @!p0 $0x100000, s0;
	[bflag:$0x2] =	sbarrier.arrive $0xFFFF  }
0x3b: {  	[sflag:s0] =	ssyncadd.tile.s32 @!p0 $0x1;
	_ =	shalt  }
.Lfunc_end2:
_tile_overlayer_lowered:
.L_overlay_start_2:
0x3c: {  	(tag) =	ssettag $0x2  }
0x3d: {  	s0 =	rddreg [dreg:$0x0];
	s2 =	stileid.u32  }
0x3e: {  	s1 =	rddreg [dreg:$0x1];
	p0 =	sne.s32 s2, $0x0  }
0x3f: {  	s3 =	rddreg [dreg:$0x2];
	[bflag:$0x3] =	sbarrier.arrive $0xFFFF;
	s2 =	simm.s32 @!p0 $0x1C01  }
0x40: {  	[timem:s3], [sflag:s2] =	dma.local @!p0 [hbm:s0], s1  }
0x41: {  	s0 =	simm.s32 @!p0 $0x1  }
0x42: {  	_ =	swait.ge @!p0 [sflag:s0], s1  }
0x43: {  	s1 =	ssub.s32 @!p0 $0x0, s1;
	[sflag:s0] =	ssyncset.done @!p0 $0x0  }
0x44: {  	[sflag:s0] =	ssyncadd.s32 @!p0 s1  }
0x45: {  	[bflag:$0x3] =	sbarrier.arrive $0xFFFF  }
0x46: {  	_ =	shalt  }

// kernel: kernel.15.cloned.1.call-start
scs
__scs_entry_jumppad:
0x0: {  	(pc) =	sbr.rel $0x88, $3  }
0x1: {  	(tag) =	ssettag $0x0;
	lr =	simm.s32 $0x1  }
0x2: {  	[smem:$0x3F95] =	sst lr;
	_ =	strace $0xD0000000  }
0x3: {  	_ = 	snop  }
0x4: {  	_ = 	snop  }
0x5: {  	_ = 	snop  }
0x6: {  	_ = 	snop  }
0x7: {  	_ = 	snop  }
__scs_overlays_trampoline_lowered:
0x8: {  	[smem:$0x3FA4] =	sst s0  }
0x9: {  	[smem:$0x3FA5] =	sst s1  }
0xa: {  	[smem:$0x3FA6] =	sst s2  }
0xb: {  	[smem:$0x3FA7] =	sst s3  }
0xc: {  	[smem:$0x3FA8] =	sst s4  }
0xd: {  	[smem:$0x3FA9] =	sst s5  }
0xe: {  	[smem:$0x3FAA] =	sst s6  }
0xf: {  	[smem:$0x3FAB] =	sst s7  }
0x10: {  	[smem:$0x3FAC] =	sst s8  }
0x11: {  	[smem:$0x3FAD] =	sst s9;
	s0 =	simm.s32 @!p0 $0x0  }
0x12: {  	s1 =	sld [smem:$0x3F93];
	s0 =	simm.s32 @p0 $0x1  }
0x13: {  	[smem:$0x3FAE] =	sst s0;
	s0 =	simm.s32 @!p1 $0x0  }
0x14: {  	s2 =	sld [smem:$0x3F92];
	s0 =	simm.s32 @p1 $0x1  }
0x15: {  	[smem:$0x3FAF] =	sst s0;
	s0 =	simm.s32 @!p2 $0x0  }
0x16: {  	s3 =	sld [smem:$0x3FDB];
	s0 =	simm.s32 @p2 $0x1  }
0x17: {  	s4 =	simm.s32 $0x1BF5;
	[smem:$0x3FB1] =	sst s0  }
0x18: {  	s0 =	sld [smem:$0x3F94];
	_ =	swait.ge [sflag:s4], $0x0  }
0x19: {  	s7 =	sld [smem:$0x3F95]  }
0x1a: {  	s8 =	sadd.s32 $0xFFFFE003, lr  }
0x1b: {  	s9 =	sadd.s32 $0xFFFFFEF7, lr;
	s5 =	simm.s32 $0xFFFFFFFF;
	p2 =	slt.u32 s8, $0xFFFFF086  }
0x1c: {  	p1 =	slt.u32 s9, $0xF7A;
	s5 =	simm.s32 @!p2 $0x0  }
0x1d: {  	s5 =	simm.s32 @p1 $0x1;
	p0 =	seq.s32 s7, s2  }
0x1e: {  	s7 =	smul.u32 @!p0 $0xF7A, s2;
	p2 =	seq.s32 @!p0 s5, $0x0  }
0x1f: {  	s9 =	smul.u32 $0xF7A, s1;
	s8 =	simm.s32 @!p0 $0x1BF5;
	p2 =	por !p2, p0  }
0x20: {  	[sflag:s8] =	ssyncset.s32 @!p0 $0xFFFFF086;
	s6 =	sadd.s32 @!p0 s3, s7;
	s7 =	simm.s32 @!p0 $0x108  }
0x21: {  	s3 =	sadd.s32 s3, s9;
	s6 =	sadd.s32 @!p0 $0x88, s6;
	s7 =	simm.s32 @p2 $0x1082  }
0x22: {  	[simem:s7], [sflag:s8] =	dma.local @!p0 [hbm:s6], $0xF7A  }
0x23: {  	s9 =	sor.u32 $0xD0000000, s2;
	s6 =	simm.s32 $0x108;
	_ =	swait.ge @!p0 [sflag:s8], $0x0  }
0x24: {  	s3 =	sadd.s32 $0x88, s3;
	s6 =	simm.s32 @!p1 $0x1082;
	[sflag:s4] =	ssyncset.s32 $0xFFFFF086  }
0x25: {  	[simem:s6], [sflag:s4] =	dma.local [hbm:s3], $0xF7A  }
0x26: {  	[smem:$0x3F95] =	sst s1;
	(tag) =	ssettag s2;
	_ =	strace s9  }
0x27: {  	s1 =	sld [smem:$0x3FA5]  }
0x28: {  	s2 =	sld [smem:$0x3FA6]  }
0x29: {  	s4 =	sld [smem:$0x3FA8]  }
0x2a: {  	p0 =	seq.s32 s5, $0x0;
	s5 =	sld [smem:$0x3FA9]  }
0x2b: {  	s6 =	sld [smem:$0x3FAA]  }
0x2c: {  	s7 =	sld [smem:$0x3FAB]  }
0x2d: {  	s3 =	simm.s32 $0x108;
	s8 =	sld [smem:$0x3FAC]  }
0x2e: {  	s3 =	simm.s32 @!p0 $0x1082;
	s9 =	sld [smem:$0x3FAD]  }
0x2f: {  	lr =	sadd.s32 s0, s3;
	s0 =	sld [smem:$0x3FA4]  }
0x30: {  	s3 =	sld [smem:$0x3FA7]  }
0x31: {  	[smem:$0x3FB0] =	sst s10  }
0x32: {  	s10 =	sld [smem:$0x3FAE];
	_ =	sdelay $0x3  }
0x33: {  	p0 =	seq.s32 s10, $0x1;
	s10 =	sld [smem:$0x3FB0];
	_ =	sdelay $0x3  }
0x34: {  	[smem:$0x3FB0] =	sst s10  }
0x35: {  	s10 =	sld [smem:$0x3FAF];
	_ =	sdelay $0x3  }
0x36: {  	p1 =	seq.s32 s10, $0x1;
	s10 =	sld [smem:$0x3FB0];
	_ =	sdelay $0x3  }
0x37: {  	[smem:$0x3FB0] =	sst s10  }
0x38: {  	s10 =	sld [smem:$0x3FB1]  }
0x39: {  	_ = 	snop;
	(pc) =	sbr.ind lr, $3  }
0x3a: {  	_ = 	snop  }
0x3b: {  	_ = 	snop  }
0x3c: {  	p2 =	seq.s32 s10, $0x1;
	s10 =	sld [smem:$0x3FB0]  }
0x3d: {  	_ =	shalt  }
0x3e: {  	_ =	shalt  }
0x3f: {  	_ =	shalt  }
0x40: {  	_ =	shalt  }
0x41: {  	_ =	shalt  }
0x42: {  	_ =	shalt  }
0x43: {  	_ =	shalt  }
0x44: {  	_ =	shalt  }
0x45: {  	_ =	shalt  }
0x46: {  	_ =	shalt  }
0x47: {  	_ =	shalt  }
0x48: {  	_ =	shalt  }
0x49: {  	_ =	shalt  }
0x4a: {  	_ =	shalt  }
0x4b: {  	_ =	shalt  }
0x4c: {  	_ =	shalt  }
0x4d: {  	_ =	shalt  }
0x4e: {  	_ =	shalt  }
0x4f: {  	_ =	shalt  }
0x50: {  	_ =	shalt  }
0x51: {  	_ =	shalt  }
0x52: {  	_ =	shalt  }
0x53: {  	_ =	shalt  }
0x54: {  	_ =	shalt  }
0x55: {  	_ =	shalt  }
0x56: {  	_ =	shalt  }
0x57: {  	_ =	shalt  }
0x58: {  	_ =	shalt  }
0x59: {  	_ =	shalt  }
0x5a: {  	_ =	shalt  }
0x5b: {  	_ =	shalt  }
0x5c: {  	_ =	shalt  }
0x5d: {  	_ =	shalt  }
0x5e: {  	_ =	shalt  }
0x5f: {  	_ =	shalt  }
0x60: {  	_ =	shalt  }
0x61: {  	_ =	shalt  }
0x62: {  	_ =	shalt  }
0x63: {  	_ =	shalt  }
0x64: {  	_ =	shalt  }
0x65: {  	_ =	shalt  }
0x66: {  	_ =	shalt  }
0x67: {  	_ =	shalt  }
0x68: {  	_ =	shalt  }
0x69: {  	_ =	shalt  }
0x6a: {  	_ =	shalt  }
0x6b: {  	_ =	shalt  }
0x6c: {  	_ =	shalt  }
0x6d: {  	_ =	shalt  }
0x6e: {  	_ =	shalt  }
0x6f: {  	_ =	shalt  }
0x70: {  	_ =	shalt  }
0x71: {  	_ =	shalt  }
0x72: {  	_ =	shalt  }
0x73: {  	_ =	shalt  }
0x74: {  	_ =	shalt  }
0x75: {  	_ =	shalt  }
0x76: {  	_ =	shalt  }
0x77: {  	_ =	shalt  }
0x78: {  	_ =	shalt  }
0x79: {  	_ =	shalt  }
0x7a: {  	_ =	shalt  }
0x7b: {  	_ =	shalt  }
0x7c: {  	_ =	shalt  }
0x7d: {  	_ =	shalt  }
0x7e: {  	_ =	shalt  }
0x7f: {  	_ =	shalt  }
0x80: {  	_ =	shalt  }
0x81: {  	_ =	shalt  }
0x82: {  	_ =	shalt  }
0x83: {  	_ =	shalt  }
0x84: {  	_ =	shalt  }
0x85: {  	_ =	shalt  }
0x86: {  	_ =	shalt  }
0x87: {  	_ =	shalt  }
.Lfunc_end0:
.L_simem_size_0:
called_computation.1_lowered:
.L_overlay_start_0:
0x88: {  	s2 =	sld [smem:$0x3FD9]  }
0x89: {  	s3 =	sld [smem:$0x3FFE];
	_ =	sdelay $0x1  }
0x8a: {  	s1 =	srdreg.scid  }
0x8b: {  	s0 =	sand.u32 $0x1, s1  }
0x8c: {  	s17 =	sshll.u32 s0, $0xA;
	s2 =	sadd.s32 s3, s2  }
0x8d: {  	s2 =	sadd.s32 s2, s17  }
0x8e: {  	[smem:$0x3FBC] =	sst s2  }
0x8f: {  	_ = 	snop  }
0x90: {  	s2 =	sld [smem:$0x3FD0];
	(tm) =	ssettm $0x1  }
0x91: {  	s18 =	sld [smem:$0x3FFB];
	_ =	sdelay $0x3  }
0x92: {  	_ =	strace s18  }
0x93: {  	s3 =	sld [smem:$0x3FFC];
	_ =	sdelay $0x3  }
0x94: {  	_ =	strace s3  }
0x95: {  	s3 =	sld [smem:$0x3FFD];
	_ =	sdelay $0x3  }
0x96: {  	_ =	strace s3  }
0x97: {  	_ =	strace $0x8FFFFFFF  }
0x98: {  	s19 =	sld [smem:$0x3FDB];
	_ =	sdelay $0x1  }
0x99: {  	s4 =	simm.s32 $_scs_section_size  }
0x9a: {  	s5 =	simm.s32 $_size__tile_overlayer_lowered;
	s6 =	simm.s32 $_tile_overlayer_lowered  }
0x9b: {  	s22 =	simm.s32 $0x1BFF;
	s21 =	sshll.u32 s6, $0x1;
	s3 =	sadd.s32 s4, s19  }
0x9c: {  	s7 =	simm.s32 $0x0;
	s20 =	sshll.u32 s5, $0x1;
	s5 =	sadd.s32 s21, s3  }
0x9d: {  	[timem:s7], [sflag:s22] =	dma.local [hbm:s5], s20  }
0x9e: {  	_ =	swait.ge [sflag:s22], s20  }
0x9f: {  	s4 =	ssub.s32 $0x0, s20;
	[sflag:s22] =	ssyncset.done $0x0  }
0xa0: {  	[sflag:s22] =	ssyncadd.s32 s4;
	_ =	sdelay $0x1  }
0xa1: {  	s23 =	simm.s32 $0x1B8B  }
0xa2: {  	_ =	swait.ge [sflag:s23], $0x1  }
0xa3: {  	[sflag:s23] =	ssyncset.done $0x0  }
0xa4: {  	s25 =	simm.s32 $0x1B8E;
	s24 =	sld [smem:$0x3FFE];
	[sflag:s23] =	ssyncadd.s32 $0xFFFFFFFF  }
0xa5: {  	s26 =	simm.s32 $execute0_lowered;
	[smem:$0x3FD2] =	sst s25  }
0xa6: {  	s5 =	sshll.u32 s26, $0x1;
	_ =	strace $0x80000049;
	[dreg:$0x1] =	wrdreg $0xFFFFFFFF  }
0xa7: {  	s28 =	simm.s32 $_size_execute0_lowered;
	s3 =	sadd.s32 s3, s5;
	[dreg:$0x0] =	wrdreg $0x0  }
0xa8: {  	s5 =	sshll.u32 s28, $0x1;
	[dreg:$0x2] =	wrdreg s3  }
0xa9: {  	[dreg:$0x3] =	wrdreg s5  }
0xaa: {  	[dreg:$0x4] =	wrdreg $0xC0  }
0xab: {  	_ =	task [dreg:s7], $0x5FFFF  }
0xac: {  	[dreg:$0x1] =	wrdreg $0xFFFFFFFF  }
0xad: {  	[dreg:$0x0] =	wrdreg $0x60  }
0xae: {  	[dreg:$0x2] =	wrdreg s24  }
0xaf: {  	[dreg:$0x3] =	wrdreg s2  }
0xb0: {  	[dreg:$0x4] =	wrdreg $0x82000  }
0xb1: {  	[dreg:$0x5] =	wrdreg $0x9  }
0xb2: {  	_ =	task.clear_ibuf [dreg:s7], $0x6FFFF;
	_ =	strace $0x90000049  }
0xb3: {  	s29 =	simm.s32 $0x9;
	_ =	strace $0x8000004B  }
0xb4: {  	_ =	swait.ge [sflag:s29], $0x1  }
0xb5: {  	[sflag:s29] =	ssyncadd.s32 $0xFFFFFFFF  }
0xb6: {  	_ =	strace $0x9000004B  }
0xb7: {  	_ =	sfence  }
0xb8: {  	s30 =	sld [smem:$0x0];
	_ =	sdelay $0x2  }
0xb9: {  	s31 =	sshll.u32 s1, $0xD;
	s1 =	sshrl.u32 s1, $0x2  }
0xba: {  	s3 =	sand.u32 $0x4000, s31;
	s1 =	sadd.s32 s1, s30  }
0xbb: {  	s0 =	sor.u32 s3, s0;
	s1 =	sshll.u32 s1, $0x11  }
0xbc: {  	s0 =	sor.u32 s1, s0  }
0xbd: {  	s0 =	sadd.s32 $0x8F2B, s0  }
0xbe: {  	[sflag:s0] =	ssyncadd.remote.s32 $0x1  }
0xbf: {  	_ =	sfence.sel $0xFFFF  }
0xc0: {  	[dreg:$0x0] =	wrdreg $0xFFFFFFFF;
	(pc) =	sbr.abs _section_cstart, $3  }
0xc1: {  	[dreg:$0x1] =	wrdreg $0xFFFFFFFF  }
0xc2: {  	_ =	task.clear_ibuf [dreg:s7], $0x2FFFF;
	_ =	strace $0x9FFFFFFF  }
0xc3: {  	(tm) =	ssettm $0x7FFFFFFF  }
tec
execute0_lowered:
.L_overlay_start_1:
0x0: {  	(tag) =	ssettag $0x1  }
0x1: {  	s0 =	rddreg [dreg:$0x0]  }
0x2: {  	s2 =	rddreg [dreg:$0x2]  }
0x3: {  	s3 =	srdreg.scid;
	s4 =	simm.s32 $0x0;
	s1 =	stileid.u32  }
0x4: {  	s17 =	simm.s32 $0x7;
	s18 =	simm.s32 $0x1;
	s19 =	simm.s32 $0x80  }
0x5: {  	s20 =	simm.s32 $0x200;
	s21 =	simm.s32 $0x180;
	s22 =	simm.s32 $0x5  }
0x6: {  	s23 =	simm.s32 $0x2;
	s24 =	simm.s32 $0x4200;
	s28 =	simm.s32 $0x6  }
0x7: {  	s29 =	simm.s32 $0x4;
	s30 =	simm.s32 $0x0;
	s8 =	smul.u32 $0x14000, s1  }
0x8: {  	s3 =	sand.u32 $0x1, s3;
	[smem:$0x7FF] =	sst s4;
	s10 =	smul.u32 $0x50000, s1  }
0x9: {  	s5 =	sadd.s32 $0x18200, s0;
	s6 =	sadd.s32 $0x4200, s0;
	s7 =	smul.u32 $0x140000, s3  }
0xa: {  	s26 =	sshll.u32 s1, $0x6;
	_ =	strace $0x8000004A;
	s9 =	sshll.u32 s3, $0x4  }
0xb: {  	s3 =	ssub.s32 $0x2, s3;
	s9 =	sor.u32 s1, s9;
	s8 =	sadd.s32 s8, s7  }
0xc: {  	s11 =	sshrl.u32 s3, $0x1;
	s25 =	sshrl.u32 s10, $0x2;
	s8 =	sshrl.u32 s8, $0x3  }
0xd: {  	s7 =	sadd.s32 $0xE200, s0;
	s0 =	sadd.s32 s8, s0;
	s8 =	smul.u32 $0x2800, s9  }
0xe: {  	s3 =	ssub.s32 s3, s11;
	s16 =	sadd.s32 s25, s2;
	s25 =	simm.s32 $0x3  }
0xf: {  	s13 =	smax.u32 s3, $0x1;
	s16 =	sshrl.u32 s16, $0x3;
	s12 =	sshrl.u32 s8, $0x3  }
0x10: {  	s9 =	sor.u32 $0x1C07, s26;
	s26 =	simm.s32 $0x100;
	s31 =	sadd.s32 s6, s12  }
0x11: {  	s11 =	sadd.s32 s7, s12;
	s15 =	sadd.s32 $0x4F0, s12;
	s12 =	sadd.s32 $0x40200, s0  }
0x12: {  	[dreg:$0x4] =	wrdreg s31;
	s14 =	sadd.s32 s6, s15;
	s15 =	sadd.s32 s7, s15  }
.LBB2_1:
0x13: {  	s0 =	rddreg [dreg:$0x1]  }
0x14: {  	[spmem:s16], [sflag:s9] =	dma.local [hbm:s0], $0x2800  }
0x15: {  	_ =	swait.ge [sflag:s17], $0x2800  }
0x16: {  	[sflag:s17] =	ssyncset.done $0x0  }
0x17: {  	[sflag:s17] =	ssyncadd.s32 $0xFFFFD800  }
0x18: {  	[bflag:$0x0] =	sbarrier.arrive $0xFFFF  }
0x19: {  	s10 =	simm.s32 $0x0;
	s3 =	rddreg [dreg:$0x4]  }
0x1a: {  	[tilespmem:s4], [sflag:$0x1] =	stream.linear.gather [hbm4b:s3+s4], $0x80, $0x38;
	[tilespmem:$0x1C200] =	vst v63  }
0x1b: {  	s3 =	sand.u32 $0x3C00, s10  }
0x1c: {  	s0 =	sand.u32 $0x300, s10;
	s3 =	sadd.s32 s8, s3  }
0x1d: {  	[tilespmem:s26], [sflag:$0x3] =	stream.linear.gather [hbm4b:s11+s4], $0x80, $0x38;
	[tilespmem:$0x1C200] =	vst v63  }
0x1e: {  	s0 =	sor.u32 s3, s0;
	_ =	swait.ge [sflag:s18], $0x80  }
0x1f: {  	s0 =	sor.u32 $0x80, s0;
	[sflag:s18] =	ssyncset.done $0x0  }
0x20: {  	s0 =	sshrl.u32 s0, $0x3;
	[sflag:s18] =	ssyncadd.s32 $0xFFFFFF80  }
0x21: {  	[tilespmem:s20], [sflag:$0x5] =	stream.indirect.gather [hbm4b:s5+s19], $0x80, s4, s19, $0xb8;
	[tilespmem:$0x1C200] =	vst v63  }
0x22: {  	s1 =	sadd.s32 s6, s0  }
0x23: {  	[tilespmem:s19], [sflag:$0x2] =	stream.linear.gather [hbm4b:s1+s4], $0x80, $0x38;
	[tilespmem:$0x1C200] =	vst v63  }
0x24: {  	s0 =	sadd.s32 s7, s0  }
0x25: {  	[tilespmem:s21], [sflag:$0x4] =	stream.linear.gather [hbm4b:s0+s4], $0x80, $0x38;
	[tilespmem:$0x1C200] =	vst v63  }
0x26: {  	_ =	swait.ge [sflag:s22], $0x4000  }
0x27: {  	[sflag:s22] =	ssyncset.done $0x0  }
0x28: {  	[sflag:s22] =	ssyncadd.s32 $0xFFFFC000  }
0x29: {  	_ =	swait.ge [sflag:s23], $0x80  }
0x2a: {  	[sflag:s23] =	ssyncset.done $0x0  }
0x2b: {  	[sflag:s23] =	ssyncadd.s32 $0xFFFFFF80  }
0x2c: {  	[tilespmem:s24], [sflag:$0x6] =	stream.indirect.gather [hbm4b:s5+s19], $0x80, s19, s19, $0xb8;
	[tilespmem:$0x1C200] =	vst v63  }
0x2d: {  	_ =	swait.ge [sflag:s25], $0x80  }
0x2e: {  	s10 =	sand.u32 $0x7C00, s26;
	[sflag:s25] =	ssyncset.done $0x0  }
0x2f: {  	s1 =	sand.u32 $0x300, s26;
	s0 =	sadd.s32 s8, s10;
	[sflag:s25] =	ssyncadd.s32 $0xFFFFFF80  }
0x30: {  	[spmem:s2] =	stream.indirect.scatter.add.f32 [tilespmem:s20], [sflag:$0x7], $0x80, s26, s19, $0xb8;
	[tilespmem:$0x1C200] =	vst v63  }
0x31: {  	s0 =	sor.u32 s1, s0;
	_ =	swait.ge [sflag:s17], $0x4000  }
0x32: {  	s0 =	sshrl.u32 s0, $0x3;
	[sflag:s17] =	ssyncset.done $0x0  }
0x33: {  	s10 =	sadd.s32 s6, s0;
	[sflag:s17] =	ssyncadd.s32 $0xFFFFC000  }
0x34: {  	[tilespmem:s4], [sflag:$0x1] =	stream.linear.gather [hbm4b:s10+s4], $0x80, $0x38;
	[tilespmem:$0x1C200] =	vst v63  }
0x35: {  	s0 =	sadd.s32 s7, s0  }
0x36: {  	[tilespmem:s26], [sflag:$0x3] =	stream.linear.gather [hbm4b:s0+s4], $0x80, $0x38;
	[tilespmem:$0x1C200] =	vst v63  }
0x37: {  	_ =	swait.ge [sflag:s28], $0x4000  }
0x38: {  	[sflag:s28] =	ssyncset.done $0x0  }
0x39: {  	[sflag:s28] =	ssyncadd.s32 $0xFFFFC000  }
0x3a: {  	s1 =	simm.s32 $0x100;
	_ =	swait.ge [sflag:s18], $0x80  }
0x3b: {  	s31 =	simm.s32 $0x200;
	s10 =	sand.u32 $0x3C00, s1;
	[sflag:s18] =	ssyncset.done $0x0  }
0x3c: {  	s3 =	sadd.s32 s8, s10;
	s0 =	sand.u32 $0x300, s1;
	[sflag:s18] =	ssyncadd.s32 $0xFFFFFF80  }
0x3d: {  	[tilespmem:s20], [sflag:$0x5] =	stream.indirect.gather [hbm4b:s5+s19], $0x80, s4, s19, $0xb8;
	[tilespmem:$0x1C200] =	vst v63  }
0x3e: {  	s3 =	sor.u32 s3, s0;
	s0 =	simm.s32 $0x300;
	_ =	swait.ge [sflag:s29], $0x80  }
.LBB2_2:
0x3f: {  	p0 =	sne.s32 s0, $0x2700  }
0x40: {  	[sflag:s29] =	ssyncset.done $0x0;
	s1 =	smov.u32 s0;
	s0 =	sadd.s32 $0x100, s0  }
0x41: {  	[sflag:s29] =	ssyncadd.s32 $0xFFFFFF80  }
0x42: {  	[spmem:s2] =	stream.indirect.scatter.add.f32 [tilespmem:s24], [sflag:$0x7], $0x80, s21, s19, $0xb8;
	[tilespmem:$0x1C200] =	vst v63  }
0x43: {  	s3 =	sor.u32 $0x80, s3;
	_ =	swait.ge [sflag:s17], $0x4000  }
0x44: {  	s3 =	sshrl.u32 s3, $0x3;
	[sflag:s17] =	ssyncset.done $0x0  }
0x45: {  	s10 =	sadd.s32 s6, s3;
	[sflag:s17] =	ssyncadd.s32 $0xFFFFC000  }
0x46: {  	[tilespmem:s19], [sflag:$0x2] =	stream.linear.gather [hbm4b:s10+s4], $0x80, $0x38;
	[tilespmem:$0x1C200] =	vst v63  }
0x47: {  	s3 =	sadd.s32 s7, s3  }
0x48: {  	[tilespmem:s21], [sflag:$0x4] =	stream.linear.gather [hbm4b:s3+s4], $0x80, $0x38;
	[tilespmem:$0x1C200] =	vst v63  }
0x49: {  	_ =	swait.ge [sflag:s22], $0x4000  }
0x4a: {  	[sflag:s22] =	ssyncset.done $0x0  }
0x4b: {  	[sflag:s22] =	ssyncadd.s32 $0xFFFFC000  }
0x4c: {  	_ =	swait.ge [sflag:s23], $0x80  }
0x4d: {  	[sflag:s23] =	ssyncset.done $0x0  }
0x4e: {  	[sflag:s23] =	ssyncadd.s32 $0xFFFFFF80  }
0x4f: {  	[tilespmem:s24], [sflag:$0x6] =	stream.indirect.gather [hbm4b:s5+s19], $0x80, s19, s19, $0xb8;
	[tilespmem:$0x1C200] =	vst v63  }
0x50: {  	_ =	swait.ge [sflag:s25], $0x80  }
0x51: {  	[sflag:s25] =	ssyncset.done $0x0  }
0x52: {  	s10 =	sand.u32 $0x300, s31;
	s3 =	sand.u32 $0x7C00, s31;
	[sflag:s25] =	ssyncadd.s32 $0xFFFFFF80  }
0x53: {  	[spmem:s2] =	stream.indirect.scatter.add.f32 [tilespmem:s20], [sflag:$0x7], $0x80, s26, s19, $0xb8;
	[tilespmem:$0x1C200] =	vst v63  }
0x54: {  	s31 =	smov.u32 s1;
	s3 =	sadd.s32 s8, s3;
	_ =	swait.ge [sflag:s17], $0x4000  }
0x55: {  	s1 =	sor.u32 s10, s3;
	[sflag:s17] =	ssyncset.done $0x0  }
0x56: {  	s1 =	sshrl.u32 s1, $0x3;
	[sflag:s17] =	ssyncadd.s32 $0xFFFFC000  }
0x57: {  	s3 =	sadd.s32 s6, s1;
	s1 =	sadd.s32 s7, s1  }
0x58: {  	[tilespmem:s4], [sflag:$0x1] =	stream.linear.gather [hbm4b:s3+s4], $0x80, $0x38;
	[tilespmem:$0x1C200] =	vst v63  }
0x59: {  	_ = 	snop  }
0x5a: {  	[tilespmem:s26], [sflag:$0x3] =	stream.linear.gather [hbm4b:s1+s4], $0x80, $0x38;
	[tilespmem:$0x1C200] =	vst v63  }
0x5b: {  	_ =	swait.ge [sflag:s28], $0x4000  }
0x5c: {  	[sflag:s28] =	ssyncset.done $0x0  }
0x5d: {  	[sflag:s28] =	ssyncadd.s32 $0xFFFFC000  }
.Ltmp0:
0x5e: {  	s1 =	sadd.s32 $0xFFFFFF00, s31;
	_ =	swait.ge [sflag:s18], $0x80;
	(pc) =	sbr.rel @p0 .LBB2_2-.Ltmp0, $4  }
0x5f: {  	s3 =	sand.u32 $0x3C00, s1;
	[sflag:s18] =	ssyncset.done $0x0  }
0x60: {  	s1 =	sand.u32 $0x300, s1;
	s3 =	sadd.s32 s8, s3;
	[sflag:s18] =	ssyncadd.s32 $0xFFFFFF80  }
0x61: {  	[tilespmem:s20], [sflag:$0x5] =	stream.indirect.gather [hbm4b:s5+s19], $0x80, s4, s19, $0xb8;
	[tilespmem:$0x1C200] =	vst v63  }
0x62: {  	s3 =	sor.u32 s3, s1;
	_ =	swait.ge [sflag:s29], $0x80  }
0x63: {  	[sflag:s29] =	ssyncset.done $0x0  }
0x64: {  	[sflag:s29] =	ssyncadd.s32 $0xFFFFFF80  }
0x65: {  	[spmem:s2] =	stream.indirect.scatter.add.f32 [tilespmem:s24], [sflag:$0x7], $0x80, s21, s19, $0xb8;
	[tilespmem:$0x1C200] =	vst v63  }
0x66: {  	s0 =	sor.u32 $0x80, s3;
	_ =	swait.ge [sflag:s17], $0x4000  }
0x67: {  	s0 =	sshrl.u32 s0, $0x3;
	[sflag:s17] =	ssyncset.done $0x0  }
0x68: {  	s1 =	sadd.s32 s6, s0;
	[sflag:s17] =	ssyncadd.s32 $0xFFFFC000  }
0x69: {  	[tilespmem:s19], [sflag:$0x2] =	stream.linear.gather [hbm4b:s1+s4], $0x80, $0x38;
	[tilespmem:$0x1C200] =	vst v63  }
0x6a: {  	s0 =	sadd.s32 s7, s0  }
0x6b: {  	[tilespmem:s21], [sflag:$0x4] =	stream.linear.gather [hbm4b:s0+s4], $0x80, $0x38;
	[tilespmem:$0x1C200] =	vst v63  }
0x6c: {  	_ =	swait.ge [sflag:s22], $0x4000  }
0x6d: {  	[sflag:s22] =	ssyncset.done $0x0  }
0x6e: {  	[sflag:s22] =	ssyncadd.s32 $0xFFFFC000  }
0x6f: {  	_ =	swait.ge [sflag:s23], $0x80  }
0x70: {  	[sflag:s23] =	ssyncset.done $0x0  }
0x71: {  	[sflag:s23] =	ssyncadd.s32 $0xFFFFFF80  }
0x72: {  	[tilespmem:s24], [sflag:$0x6] =	stream.indirect.gather [hbm4b:s5+s19], $0x80, s19, s19, $0xb8;
	[tilespmem:$0x1C200] =	vst v63  }
0x73: {  	_ =	swait.ge [sflag:s25], $0x80  }
0x74: {  	s3 =	sand.u32 $0x7C00, s31;
	[sflag:s25] =	ssyncset.done $0x0  }
0x75: {  	s10 =	sand.u32 $0x300, s31;
	s0 =	sadd.s32 s8, s3;
	[sflag:s25] =	ssyncadd.s32 $0xFFFFFF80  }
0x76: {  	[spmem:s2] =	stream.indirect.scatter.add.f32 [tilespmem:s20], [sflag:$0x7], $0x80, s26, s19, $0xb8;
	[tilespmem:$0x1C200] =	vst v63  }
0x77: {  	s0 =	sor.u32 s10, s0;
	_ =	swait.ge [sflag:s17], $0x4000  }
0x78: {  	s0 =	sshrl.u32 s0, $0x3;
	[sflag:s17] =	ssyncset.done $0x0  }
0x79: {  	s31 =	sadd.s32 s6, s0;
	[sflag:s17] =	ssyncadd.s32 $0xFFFFC000  }
0x7a: {  	[tilespmem:s4], [sflag:$0x1] =	stream.linear.gather [hbm4b:s31+s4], $0x80, $0x38;
	[tilespmem:$0x1C200] =	vst v63  }
0x7b: {  	s0 =	sadd.s32 s7, s0  }
0x7c: {  	[tilespmem:s26], [sflag:$0x3] =	stream.linear.gather [hbm4b:s0+s4], $0x80, $0x38;
	[tilespmem:$0x1C200] =	vst v63  }
0x7d: {  	_ =	swait.ge [sflag:s28], $0x4000  }
0x7e: {  	[sflag:s28] =	ssyncset.done $0x0  }
0x7f: {  	[sflag:s28] =	ssyncadd.s32 $0xFFFFC000  }
0x80: {  	_ =	swait.ge [sflag:s18], $0x80  }
0x81: {  	[sflag:s18] =	ssyncset.done $0x0  }
0x82: {  	[sflag:s18] =	ssyncadd.s32 $0xFFFFFF80  }
0x83: {  	[tilespmem:s20], [sflag:$0x5] =	stream.indirect.gather [hbm4b:s5+s19], $0x80, s4, s19, $0xb8;
	[tilespmem:$0x1C200] =	vst v63  }
0x84: {  	_ =	swait.ge [sflag:s29], $0x80  }
0x85: {  	[sflag:s29] =	ssyncset.done $0x0  }
0x86: {  	[sflag:s29] =	ssyncadd.s32 $0xFFFFFF80  }
0x87: {  	[spmem:s2] =	stream.indirect.scatter.add.f32 [tilespmem:s24], [sflag:$0x7], $0x80, s21, s19, $0xb8;
	[tilespmem:$0x1C200] =	vst v63  }
0x88: {  	_ =	swait.ge [sflag:s17], $0x4000  }
0x89: {  	[sflag:s17] =	ssyncset.done $0x0  }
0x8a: {  	[sflag:s17] =	ssyncadd.s32 $0xFFFFC000  }
0x8b: {  	[tilespmem:s19], [sflag:$0x2] =	stream.linear.gather [hbm4b:s14+s4], $0x80, $0x38;
	[tilespmem:$0x1C200] =	vst v63  }
0x8c: {  	_ = 	snop  }
0x8d: {  	[tilespmem:s21], [sflag:$0x4] =	stream.linear.gather [hbm4b:s15+s4], $0x80, $0x38;
	[tilespmem:$0x1C200] =	vst v63  }
0x8e: {  	_ =	swait.ge [sflag:s22], $0x4000  }
0x8f: {  	[sflag:s22] =	ssyncset.done $0x0  }
0x90: {  	[sflag:s22] =	ssyncadd.s32 $0xFFFFC000  }
0x91: {  	_ =	swait.ge [sflag:s23], $0x80  }
0x92: {  	[sflag:s23] =	ssyncset.done $0x0  }
0x93: {  	[sflag:s23] =	ssyncadd.s32 $0xFFFFFF80  }
0x94: {  	[tilespmem:s24], [sflag:$0x6] =	stream.indirect.gather [hbm4b:s5+s19], $0x80, s19, s19, $0xb8;
	[tilespmem:$0x1C200] =	vst v63  }
0x95: {  	_ =	swait.ge [sflag:s25], $0x80  }
0x96: {  	[sflag:s25] =	ssyncset.done $0x0  }
0x97: {  	[sflag:s25] =	ssyncadd.s32 $0xFFFFFF80  }
0x98: {  	[spmem:s2] =	stream.indirect.scatter.add.f32 [tilespmem:s20], [sflag:$0x7], $0x80, s26, s19, $0xb8;
	[tilespmem:$0x1C200] =	vst v63  }
0x99: {  	_ =	swait.ge [sflag:s17], $0x4000  }
0x9a: {  	[sflag:s17] =	ssyncset.done $0x0  }
0x9b: {  	[sflag:s17] =	ssyncadd.s32 $0xFFFFC000  }
0x9c: {  	_ =	swait.ge [sflag:s28], $0x4000  }
0x9d: {  	[sflag:s28] =	ssyncset.done $0x0  }
0x9e: {  	[sflag:s28] =	ssyncadd.s32 $0xFFFFC000  }
0x9f: {  	_ =	swait.ge [sflag:s29], $0x80  }
0xa0: {  	[sflag:s29] =	ssyncset.done $0x0  }
0xa1: {  	[sflag:s29] =	ssyncadd.s32 $0xFFFFFF80  }
0xa2: {  	[spmem:s2] =	stream.indirect.scatter.add.f32 [tilespmem:s24], [sflag:$0x7], $0x80, s21, s19, $0xb8;
	[tilespmem:$0x1C200] =	vst v63  }
0xa3: {  	_ =	swait.ge [sflag:s17], $0x4000  }
0xa4: {  	s30 =	sadd.s32 $0x1, s30;
	[sflag:s17] =	ssyncset.done $0x0  }
0xa5: {  	p0 =	sne.s32 s30, s13;
	[sflag:s17] =	ssyncadd.s32 $0xFFFFC000  }
.Ltmp1:
0xa6: {  	[bflag:$0x0] =	sbarrier.arrive $0xFFFF;
	(pc) =	sbr.rel @p0 .LBB2_1-.Ltmp1, $4  }
0xa7: {  	[hbm:s12], [sflag:s9] =	dma.local [spmem:s16], $0x2800  }
0xa8: {  	_ =	swait.ge [sflag:s17], $0x2800  }
0xa9: {  	[sflag:s17] =	ssyncset.done $0x0  }
0xaa: {  	[sflag:s17] =	ssyncadd.s32 $0xFFFFD800  }
0xab: {  	_ =	sfence.sel $0x180000  }
0xac: {  	[bflag:$0x0] =	sbarrier.arrive $0xFFFF  }
0xad: {  	_ =	strace $0x9000004A  }
0xae: {  	s0 =	stileid.u32;
	[bflag:$0x2] =	sbarrier.arrive $0xFFFF  }
0xaf: {  	p0 =	sne.s32 s0, $0x0;
	s0 =	rddreg [dreg:$0x3]  }
0xb0: {  	s0 =	sadd.s32 @!p0 $0x100000, s0  }
0xb1: {  	[sflag:s0] =	ssyncadd.tile.s32 @!p0 $0x1;
	_ =	shalt  }
.Lfunc_end2:
_tile_overlayer_lowered:
.L_overlay_start_2:
0xb2: {  	(tag) =	ssettag $0x2  }
0xb3: {  	s0 =	rddreg [dreg:$0x0];
	s2 =	stileid.u32  }
0xb4: {  	s1 =	rddreg [dreg:$0x1];
	p0 =	sne.s32 s2, $0x0  }
0xb5: {  	s3 =	rddreg [dreg:$0x2];
	[bflag:$0x3] =	sbarrier.arrive $0xFFFF;
	s2 =	simm.s32 @!p0 $0x1C07  }
0xb6: {  	[timem:s3], [sflag:s2] =	dma.local @!p0 [hbm:s0], s1  }
0xb7: {  	s0 =	simm.s32 @!p0 $0x7  }
0xb8: {  	_ =	swait.ge @!p0 [sflag:s0], s1  }
0xb9: {  	s1 =	ssub.s32 @!p0 $0x0, s1;
	[sflag:s0] =	ssyncset.done @!p0 $0x0  }
0xba: {  	[sflag:s0] =	ssyncadd.s32 @!p0 s1  }
0xbb: {  	[bflag:$0x3] =	sbarrier.arrive $0xFFFF  }
0xbc: {  	_ =	shalt  }

// kernel: kernel.18.cloned.1.call-start
scs
__scs_entry_jumppad:
0x0: {  	(pc) =	sbr.rel $0x88, $3  }
0x1: {  	(tag) =	ssettag $0x0;
	lr =	simm.s32 $0x1  }
0x2: {  	[smem:$0x3F95] =	sst lr;
	_ =	strace $0xD0000000  }
0x3: {  	_ = 	snop  }
0x4: {  	_ = 	snop  }
0x5: {  	_ = 	snop  }
0x6: {  	_ = 	snop  }
0x7: {  	_ = 	snop  }
__scs_overlays_trampoline_lowered:
0x8: {  	[smem:$0x3FA4] =	sst s0  }
0x9: {  	[smem:$0x3FA5] =	sst s1  }
0xa: {  	[smem:$0x3FA6] =	sst s2  }
0xb: {  	[smem:$0x3FA7] =	sst s3  }
0xc: {  	[smem:$0x3FA8] =	sst s4  }
0xd: {  	[smem:$0x3FA9] =	sst s5  }
0xe: {  	[smem:$0x3FAA] =	sst s6  }
0xf: {  	[smem:$0x3FAB] =	sst s7  }
0x10: {  	[smem:$0x3FAC] =	sst s8  }
0x11: {  	[smem:$0x3FAD] =	sst s9;
	s0 =	simm.s32 @!p0 $0x0  }
0x12: {  	s1 =	sld [smem:$0x3F93];
	s0 =	simm.s32 @p0 $0x1  }
0x13: {  	[smem:$0x3FAE] =	sst s0;
	s0 =	simm.s32 @!p1 $0x0  }
0x14: {  	s2 =	sld [smem:$0x3F92];
	s0 =	simm.s32 @p1 $0x1  }
0x15: {  	[smem:$0x3FAF] =	sst s0;
	s0 =	simm.s32 @!p2 $0x0  }
0x16: {  	s3 =	sld [smem:$0x3FDB];
	s0 =	simm.s32 @p2 $0x1  }
0x17: {  	s4 =	simm.s32 $0x1BF5;
	[smem:$0x3FB1] =	sst s0  }
0x18: {  	s0 =	sld [smem:$0x3F94];
	_ =	swait.ge [sflag:s4], $0x0  }
0x19: {  	s7 =	sld [smem:$0x3F95]  }
0x1a: {  	s8 =	sadd.s32 $0xFFFFE003, lr  }
0x1b: {  	s9 =	sadd.s32 $0xFFFFFEF7, lr;
	s5 =	simm.s32 $0xFFFFFFFF;
	p2 =	slt.u32 s8, $0xFFFFF086  }
0x1c: {  	p1 =	slt.u32 s9, $0xF7A;
	s5 =	simm.s32 @!p2 $0x0  }
0x1d: {  	s5 =	simm.s32 @p1 $0x1;
	p0 =	seq.s32 s7, s2  }
0x1e: {  	s7 =	smul.u32 @!p0 $0xF7A, s2;
	p2 =	seq.s32 @!p0 s5, $0x0  }
0x1f: {  	s9 =	smul.u32 $0xF7A, s1;
	s8 =	simm.s32 @!p0 $0x1BF5;
	p2 =	por !p2, p0  }
0x20: {  	[sflag:s8] =	ssyncset.s32 @!p0 $0xFFFFF086;
	s6 =	sadd.s32 @!p0 s3, s7;
	s7 =	simm.s32 @!p0 $0x108  }
0x21: {  	s3 =	sadd.s32 s3, s9;
	s6 =	sadd.s32 @!p0 $0x88, s6;
	s7 =	simm.s32 @p2 $0x1082  }
0x22: {  	[simem:s7], [sflag:s8] =	dma.local @!p0 [hbm:s6], $0xF7A  }
0x23: {  	s9 =	sor.u32 $0xD0000000, s2;
	s6 =	simm.s32 $0x108;
	_ =	swait.ge @!p0 [sflag:s8], $0x0  }
0x24: {  	s3 =	sadd.s32 $0x88, s3;
	s6 =	simm.s32 @!p1 $0x1082;
	[sflag:s4] =	ssyncset.s32 $0xFFFFF086  }
0x25: {  	[simem:s6], [sflag:s4] =	dma.local [hbm:s3], $0xF7A  }
0x26: {  	[smem:$0x3F95] =	sst s1;
	(tag) =	ssettag s2;
	_ =	strace s9  }
0x27: {  	s1 =	sld [smem:$0x3FA5]  }
0x28: {  	s2 =	sld [smem:$0x3FA6]  }
0x29: {  	s4 =	sld [smem:$0x3FA8]  }
0x2a: {  	p0 =	seq.s32 s5, $0x0;
	s5 =	sld [smem:$0x3FA9]  }
0x2b: {  	s6 =	sld [smem:$0x3FAA]  }
0x2c: {  	s7 =	sld [smem:$0x3FAB]  }
0x2d: {  	s3 =	simm.s32 $0x108;
	s8 =	sld [smem:$0x3FAC]  }
0x2e: {  	s3 =	simm.s32 @!p0 $0x1082;
	s9 =	sld [smem:$0x3FAD]  }
0x2f: {  	lr =	sadd.s32 s0, s3;
	s0 =	sld [smem:$0x3FA4]  }
0x30: {  	s3 =	sld [smem:$0x3FA7]  }
0x31: {  	[smem:$0x3FB0] =	sst s10  }
0x32: {  	s10 =	sld [smem:$0x3FAE];
	_ =	sdelay $0x3  }
0x33: {  	p0 =	seq.s32 s10, $0x1;
	s10 =	sld [smem:$0x3FB0];
	_ =	sdelay $0x3  }
0x34: {  	[smem:$0x3FB0] =	sst s10  }
0x35: {  	s10 =	sld [smem:$0x3FAF];
	_ =	sdelay $0x3  }
0x36: {  	p1 =	seq.s32 s10, $0x1;
	s10 =	sld [smem:$0x3FB0];
	_ =	sdelay $0x3  }
0x37: {  	[smem:$0x3FB0] =	sst s10  }
0x38: {  	s10 =	sld [smem:$0x3FB1]  }
0x39: {  	_ = 	snop;
	(pc) =	sbr.ind lr, $3  }
0x3a: {  	_ = 	snop  }
0x3b: {  	_ = 	snop  }
0x3c: {  	p2 =	seq.s32 s10, $0x1;
	s10 =	sld [smem:$0x3FB0]  }
0x3d: {  	_ =	shalt  }
0x3e: {  	_ =	shalt  }
0x3f: {  	_ =	shalt  }
0x40: {  	_ =	shalt  }
0x41: {  	_ =	shalt  }
0x42: {  	_ =	shalt  }
0x43: {  	_ =	shalt  }
0x44: {  	_ =	shalt  }
0x45: {  	_ =	shalt  }
0x46: {  	_ =	shalt  }
0x47: {  	_ =	shalt  }
0x48: {  	_ =	shalt  }
0x49: {  	_ =	shalt  }
0x4a: {  	_ =	shalt  }
0x4b: {  	_ =	shalt  }
0x4c: {  	_ =	shalt  }
0x4d: {  	_ =	shalt  }
0x4e: {  	_ =	shalt  }
0x4f: {  	_ =	shalt  }
0x50: {  	_ =	shalt  }
0x51: {  	_ =	shalt  }
0x52: {  	_ =	shalt  }
0x53: {  	_ =	shalt  }
0x54: {  	_ =	shalt  }
0x55: {  	_ =	shalt  }
0x56: {  	_ =	shalt  }
0x57: {  	_ =	shalt  }
0x58: {  	_ =	shalt  }
0x59: {  	_ =	shalt  }
0x5a: {  	_ =	shalt  }
0x5b: {  	_ =	shalt  }
0x5c: {  	_ =	shalt  }
0x5d: {  	_ =	shalt  }
0x5e: {  	_ =	shalt  }
0x5f: {  	_ =	shalt  }
0x60: {  	_ =	shalt  }
0x61: {  	_ =	shalt  }
0x62: {  	_ =	shalt  }
0x63: {  	_ =	shalt  }
0x64: {  	_ =	shalt  }
0x65: {  	_ =	shalt  }
0x66: {  	_ =	shalt  }
0x67: {  	_ =	shalt  }
0x68: {  	_ =	shalt  }
0x69: {  	_ =	shalt  }
0x6a: {  	_ =	shalt  }
0x6b: {  	_ =	shalt  }
0x6c: {  	_ =	shalt  }
0x6d: {  	_ =	shalt  }
0x6e: {  	_ =	shalt  }
0x6f: {  	_ =	shalt  }
0x70: {  	_ =	shalt  }
0x71: {  	_ =	shalt  }
0x72: {  	_ =	shalt  }
0x73: {  	_ =	shalt  }
0x74: {  	_ =	shalt  }
0x75: {  	_ =	shalt  }
0x76: {  	_ =	shalt  }
0x77: {  	_ =	shalt  }
0x78: {  	_ =	shalt  }
0x79: {  	_ =	shalt  }
0x7a: {  	_ =	shalt  }
0x7b: {  	_ =	shalt  }
0x7c: {  	_ =	shalt  }
0x7d: {  	_ =	shalt  }
0x7e: {  	_ =	shalt  }
0x7f: {  	_ =	shalt  }
0x80: {  	_ =	shalt  }
0x81: {  	_ =	shalt  }
0x82: {  	_ =	shalt  }
0x83: {  	_ =	shalt  }
0x84: {  	_ =	shalt  }
0x85: {  	_ =	shalt  }
0x86: {  	_ =	shalt  }
0x87: {  	_ =	shalt  }
.Lfunc_end0:
.L_simem_size_0:
called_computation.2_lowered:
.L_overlay_start_0:
0x88: {  	s2 =	sld [smem:$0x3FD9]  }
0x89: {  	s3 =	sld [smem:$0x3FFE];
	_ =	sdelay $0x1  }
0x8a: {  	s1 =	srdreg.scid  }
0x8b: {  	s0 =	sand.u32 $0x1, s1  }
0x8c: {  	s17 =	sshll.u32 s0, $0xA;
	s2 =	sadd.s32 s3, s2  }
0x8d: {  	s2 =	sadd.s32 s2, s17  }
0x8e: {  	[smem:$0x3FBC] =	sst s2  }
0x8f: {  	_ = 	snop  }
0x90: {  	s2 =	sld [smem:$0x3FD0];
	(tm) =	ssettm $0x1  }
0x91: {  	s18 =	sld [smem:$0x3FFB];
	_ =	sdelay $0x3  }
0x92: {  	_ =	strace s18  }
0x93: {  	s3 =	sld [smem:$0x3FFC];
	_ =	sdelay $0x3  }
0x94: {  	_ =	strace s3  }
0x95: {  	s3 =	sld [smem:$0x3FFD];
	_ =	sdelay $0x3  }
0x96: {  	_ =	strace s3  }
0x97: {  	_ =	strace $0x8FFFFFFF  }
0x98: {  	s19 =	sld [smem:$0x3FDB];
	_ =	sdelay $0x1  }
0x99: {  	s4 =	simm.s32 $_scs_section_size  }
0x9a: {  	s5 =	simm.s32 $_size__tile_overlayer_lowered;
	s6 =	simm.s32 $_tile_overlayer_lowered  }
0x9b: {  	s22 =	simm.s32 $0x1BFF;
	s21 =	sshll.u32 s6, $0x1;
	s3 =	sadd.s32 s4, s19  }
0x9c: {  	s7 =	simm.s32 $0x0;
	s20 =	sshll.u32 s5, $0x1;
	s5 =	sadd.s32 s21, s3  }
0x9d: {  	[timem:s7], [sflag:s22] =	dma.local [hbm:s5], s20  }
0x9e: {  	_ =	swait.ge [sflag:s22], s20  }
0x9f: {  	s4 =	ssub.s32 $0x0, s20;
	[sflag:s22] =	ssyncset.done $0x0  }
0xa0: {  	[sflag:s22] =	ssyncadd.s32 s4;
	_ =	sdelay $0x1  }
0xa1: {  	s23 =	simm.s32 $0x1B8B  }
0xa2: {  	_ =	swait.ge [sflag:s23], $0x1  }
0xa3: {  	[sflag:s23] =	ssyncset.done $0x0  }
0xa4: {  	s25 =	simm.s32 $0x1B8E;
	s24 =	sld [smem:$0x3FFE];
	[sflag:s23] =	ssyncadd.s32 $0xFFFFFFFF  }
0xa5: {  	s26 =	simm.s32 $execute0_lowered;
	[smem:$0x3FD2] =	sst s25  }
0xa6: {  	s5 =	sshll.u32 s26, $0x1;
	_ =	strace $0x8000004C;
	[dreg:$0x1] =	wrdreg $0xFFFFFFFF  }
0xa7: {  	s28 =	simm.s32 $_size_execute0_lowered;
	s3 =	sadd.s32 s3, s5;
	[dreg:$0x0] =	wrdreg $0x0  }
0xa8: {  	s5 =	sshll.u32 s28, $0x1;
	[dreg:$0x2] =	wrdreg s3  }
0xa9: {  	[dreg:$0x3] =	wrdreg s5  }
0xaa: {  	[dreg:$0x4] =	wrdreg $0xC0  }
0xab: {  	_ =	task [dreg:s7], $0x5FFFF  }
0xac: {  	[dreg:$0x1] =	wrdreg $0xFFFFFFFF  }
0xad: {  	[dreg:$0x0] =	wrdreg $0x60  }
0xae: {  	[dreg:$0x2] =	wrdreg s24  }
0xaf: {  	[dreg:$0x3] =	wrdreg s2  }
0xb0: {  	[dreg:$0x4] =	wrdreg $0x82000  }
0xb1: {  	[dreg:$0x5] =	wrdreg $0x9  }
0xb2: {  	_ =	task.clear_ibuf [dreg:s7], $0x6FFFF;
	_ =	strace $0x9000004C  }
0xb3: {  	s29 =	simm.s32 $0x9;
	_ =	strace $0x8000004E  }
0xb4: {  	_ =	swait.ge [sflag:s29], $0x1  }
0xb5: {  	[sflag:s29] =	ssyncadd.s32 $0xFFFFFFFF  }
0xb6: {  	_ =	strace $0x9000004E  }
0xb7: {  	_ =	sfence  }
0xb8: {  	s30 =	sld [smem:$0x0];
	_ =	sdelay $0x2  }
0xb9: {  	s31 =	sshll.u32 s1, $0xD;
	s1 =	sshrl.u32 s1, $0x2  }
0xba: {  	s3 =	sand.u32 $0x4000, s31;
	s1 =	sadd.s32 s1, s30  }
0xbb: {  	s0 =	sor.u32 s3, s0;
	s1 =	sshll.u32 s1, $0x11  }
0xbc: {  	s0 =	sor.u32 s1, s0  }
0xbd: {  	s0 =	sadd.s32 $0x8F2B, s0  }
0xbe: {  	[sflag:s0] =	ssyncadd.remote.s32 $0x1  }
0xbf: {  	_ =	sfence.sel $0xFFFF  }
0xc0: {  	[dreg:$0x0] =	wrdreg $0xFFFFFFFF;
	(pc) =	sbr.abs _section_cstart, $3  }
0xc1: {  	[dreg:$0x1] =	wrdreg $0xFFFFFFFF  }
0xc2: {  	_ =	task.clear_ibuf [dreg:s7], $0x2FFFF;
	_ =	strace $0x9FFFFFFF  }
0xc3: {  	(tm) =	ssettm $0x7FFFFFFF  }
tec
execute0_lowered:
.L_overlay_start_1:
0x0: {  	(tag) =	ssettag $0x1  }
0x1: {  	s0 =	rddreg [dreg:$0x0]  }
0x2: {  	s2 =	rddreg [dreg:$0x2]  }
0x3: {  	s3 =	srdreg.scid;
	s4 =	simm.s32 $0x0;
	s1 =	stileid.u32  }
0x4: {  	s17 =	simm.s32 $0x7;
	s18 =	simm.s32 $0x1;
	s19 =	simm.s32 $0x80  }
0x5: {  	s20 =	simm.s32 $0x200;
	s21 =	simm.s32 $0x180;
	s22 =	simm.s32 $0x5  }
0x6: {  	s23 =	simm.s32 $0x2;
	s24 =	simm.s32 $0x4200;
	s28 =	simm.s32 $0x6  }
0x7: {  	s29 =	simm.s32 $0x4;
	s30 =	simm.s32 $0x0;
	s8 =	smul.u32 $0x14000, s1  }
0x8: {  	s3 =	sand.u32 $0x1, s3;
	[smem:$0x7FF] =	sst s4;
	s10 =	smul.u32 $0x50000, s1  }
0x9: {  	s5 =	sadd.s32 $0x18200, s0;
	s6 =	sadd.s32 $0x4200, s0;
	s7 =	smul.u32 $0x140000, s3  }
0xa: {  	s26 =	sshll.u32 s1, $0x6;
	_ =	strace $0x8000004D;
	s9 =	sshll.u32 s3, $0x4  }
0xb: {  	s3 =	ssub.s32 $0x2, s3;
	s9 =	sor.u32 s1, s9;
	s8 =	sadd.s32 s8, s7  }
0xc: {  	s11 =	sshrl.u32 s3, $0x1;
	s25 =	sshrl.u32 s10, $0x2;
	s8 =	sshrl.u32 s8, $0x3  }
0xd: {  	s7 =	sadd.s32 $0xE200, s0;
	s0 =	sadd.s32 s8, s0;
	s8 =	smul.u32 $0x2800, s9  }
0xe: {  	s3 =	ssub.s32 s3, s11;
	s16 =	sadd.s32 s25, s2;
	s25 =	simm.s32 $0x3  }
0xf: {  	s13 =	smax.u32 s3, $0x1;
	s16 =	sshrl.u32 s16, $0x3;
	s12 =	sshrl.u32 s8, $0x3  }
0x10: {  	s9 =	sor.u32 $0x1C07, s26;
	s26 =	simm.s32 $0x100;
	s31 =	sadd.s32 s6, s12  }
0x11: {  	s11 =	sadd.s32 s7, s12;
	s15 =	sadd.s32 $0x4F0, s12;
	s12 =	sadd.s32 $0x40200, s0  }
0x12: {  	[dreg:$0x4] =	wrdreg s31;
	s14 =	sadd.s32 s6, s15;
	s15 =	sadd.s32 s7, s15  }
.LBB2_1:
0x13: {  	s0 =	rddreg [dreg:$0x1]  }
0x14: {  	[spmem:s16], [sflag:s9] =	dma.local [hbm:s0], $0x2800  }
0x15: {  	_ =	swait.ge [sflag:s17], $0x2800  }
0x16: {  	[sflag:s17] =	ssyncset.done $0x0  }
0x17: {  	[sflag:s17] =	ssyncadd.s32 $0xFFFFD800  }
0x18: {  	[bflag:$0x0] =	sbarrier.arrive $0xFFFF  }
0x19: {  	s10 =	simm.s32 $0x0;
	s3 =	rddreg [dreg:$0x4]  }
0x1a: {  	[tilespmem:s4], [sflag:$0x1] =	stream.linear.gather [hbm4b:s3+s4], $0x80, $0x38;
	[tilespmem:$0x1C200] =	vst v63  }
0x1b: {  	s3 =	sand.u32 $0x3C00, s10  }
0x1c: {  	s0 =	sand.u32 $0x300, s10;
	s3 =	sadd.s32 s8, s3  }
0x1d: {  	[tilespmem:s26], [sflag:$0x3] =	stream.linear.gather [hbm4b:s11+s4], $0x80, $0x38;
	[tilespmem:$0x1C200] =	vst v63  }
0x1e: {  	s0 =	sor.u32 s3, s0;
	_ =	swait.ge [sflag:s18], $0x80  }
0x1f: {  	s0 =	sor.u32 $0x80, s0;
	[sflag:s18] =	ssyncset.done $0x0  }
0x20: {  	s0 =	sshrl.u32 s0, $0x3;
	[sflag:s18] =	ssyncadd.s32 $0xFFFFFF80  }
0x21: {  	[tilespmem:s20], [sflag:$0x5] =	stream.indirect.gather [hbm4b:s5+s19], $0x80, s4, s19, $0xb8;
	[tilespmem:$0x1C200] =	vst v63  }
0x22: {  	s1 =	sadd.s32 s6, s0  }
0x23: {  	[tilespmem:s19], [sflag:$0x2] =	stream.linear.gather [hbm4b:s1+s4], $0x80, $0x38;
	[tilespmem:$0x1C200] =	vst v63  }
0x24: {  	s0 =	sadd.s32 s7, s0  }
0x25: {  	[tilespmem:s21], [sflag:$0x4] =	stream.linear.gather [hbm4b:s0+s4], $0x80, $0x38;
	[tilespmem:$0x1C200] =	vst v63  }
0x26: {  	_ =	swait.ge [sflag:s22], $0x4000  }
0x27: {  	[sflag:s22] =	ssyncset.done $0x0  }
0x28: {  	[sflag:s22] =	ssyncadd.s32 $0xFFFFC000  }
0x29: {  	_ =	swait.ge [sflag:s23], $0x80  }
0x2a: {  	[sflag:s23] =	ssyncset.done $0x0  }
0x2b: {  	[sflag:s23] =	ssyncadd.s32 $0xFFFFFF80  }
0x2c: {  	[tilespmem:s24], [sflag:$0x6] =	stream.indirect.gather [hbm4b:s5+s19], $0x80, s19, s19, $0xb8;
	[tilespmem:$0x1C200] =	vst v63  }
0x2d: {  	_ =	swait.ge [sflag:s25], $0x80  }
0x2e: {  	s10 =	sand.u32 $0x7C00, s26;
	[sflag:s25] =	ssyncset.done $0x0  }
0x2f: {  	s1 =	sand.u32 $0x300, s26;
	s0 =	sadd.s32 s8, s10;
	[sflag:s25] =	ssyncadd.s32 $0xFFFFFF80  }
0x30: {  	[spmem:s2] =	stream.indirect.scatter.add.f32 [tilespmem:s20], [sflag:$0x7], $0x80, s26, s19, $0xb8;
	[tilespmem:$0x1C200] =	vst v63  }
0x31: {  	s0 =	sor.u32 s1, s0;
	_ =	swait.ge [sflag:s17], $0x4000  }
0x32: {  	s0 =	sshrl.u32 s0, $0x3;
	[sflag:s17] =	ssyncset.done $0x0  }
0x33: {  	s10 =	sadd.s32 s6, s0;
	[sflag:s17] =	ssyncadd.s32 $0xFFFFC000  }
0x34: {  	[tilespmem:s4], [sflag:$0x1] =	stream.linear.gather [hbm4b:s10+s4], $0x80, $0x38;
	[tilespmem:$0x1C200] =	vst v63  }
0x35: {  	s0 =	sadd.s32 s7, s0  }
0x36: {  	[tilespmem:s26], [sflag:$0x3] =	stream.linear.gather [hbm4b:s0+s4], $0x80, $0x38;
	[tilespmem:$0x1C200] =	vst v63  }
0x37: {  	_ =	swait.ge [sflag:s28], $0x4000  }
0x38: {  	[sflag:s28] =	ssyncset.done $0x0  }
0x39: {  	[sflag:s28] =	ssyncadd.s32 $0xFFFFC000  }
0x3a: {  	s1 =	simm.s32 $0x100;
	_ =	swait.ge [sflag:s18], $0x80  }
0x3b: {  	s31 =	simm.s32 $0x200;
	s10 =	sand.u32 $0x3C00, s1;
	[sflag:s18] =	ssyncset.done $0x0  }
0x3c: {  	s3 =	sadd.s32 s8, s10;
	s0 =	sand.u32 $0x300, s1;
	[sflag:s18] =	ssyncadd.s32 $0xFFFFFF80  }
0x3d: {  	[tilespmem:s20], [sflag:$0x5] =	stream.indirect.gather [hbm4b:s5+s19], $0x80, s4, s19, $0xb8;
	[tilespmem:$0x1C200] =	vst v63  }
0x3e: {  	s3 =	sor.u32 s3, s0;
	s0 =	simm.s32 $0x300;
	_ =	swait.ge [sflag:s29], $0x80  }
.LBB2_2:
0x3f: {  	p0 =	sne.s32 s0, $0x2700  }
0x40: {  	[sflag:s29] =	ssyncset.done $0x0;
	s1 =	smov.u32 s0;
	s0 =	sadd.s32 $0x100, s0  }
0x41: {  	[sflag:s29] =	ssyncadd.s32 $0xFFFFFF80  }
0x42: {  	[spmem:s2] =	stream.indirect.scatter.add.f32 [tilespmem:s24], [sflag:$0x7], $0x80, s21, s19, $0xb8;
	[tilespmem:$0x1C200] =	vst v63  }
0x43: {  	s3 =	sor.u32 $0x80, s3;
	_ =	swait.ge [sflag:s17], $0x4000  }
0x44: {  	s3 =	sshrl.u32 s3, $0x3;
	[sflag:s17] =	ssyncset.done $0x0  }
0x45: {  	s10 =	sadd.s32 s6, s3;
	[sflag:s17] =	ssyncadd.s32 $0xFFFFC000  }
0x46: {  	[tilespmem:s19], [sflag:$0x2] =	stream.linear.gather [hbm4b:s10+s4], $0x80, $0x38;
	[tilespmem:$0x1C200] =	vst v63  }
0x47: {  	s3 =	sadd.s32 s7, s3  }
0x48: {  	[tilespmem:s21], [sflag:$0x4] =	stream.linear.gather [hbm4b:s3+s4], $0x80, $0x38;
	[tilespmem:$0x1C200] =	vst v63  }
0x49: {  	_ =	swait.ge [sflag:s22], $0x4000  }
0x4a: {  	[sflag:s22] =	ssyncset.done $0x0  }
0x4b: {  	[sflag:s22] =	ssyncadd.s32 $0xFFFFC000  }
0x4c: {  	_ =	swait.ge [sflag:s23], $0x80  }
0x4d: {  	[sflag:s23] =	ssyncset.done $0x0  }
0x4e: {  	[sflag:s23] =	ssyncadd.s32 $0xFFFFFF80  }
0x4f: {  	[tilespmem:s24], [sflag:$0x6] =	stream.indirect.gather [hbm4b:s5+s19], $0x80, s19, s19, $0xb8;
	[tilespmem:$0x1C200] =	vst v63  }
0x50: {  	_ =	swait.ge [sflag:s25], $0x80  }
0x51: {  	[sflag:s25] =	ssyncset.done $0x0  }
0x52: {  	s10 =	sand.u32 $0x300, s31;
	s3 =	sand.u32 $0x7C00, s31;
	[sflag:s25] =	ssyncadd.s32 $0xFFFFFF80  }
0x53: {  	[spmem:s2] =	stream.indirect.scatter.add.f32 [tilespmem:s20], [sflag:$0x7], $0x80, s26, s19, $0xb8;
	[tilespmem:$0x1C200] =	vst v63  }
0x54: {  	s31 =	smov.u32 s1;
	s3 =	sadd.s32 s8, s3;
	_ =	swait.ge [sflag:s17], $0x4000  }
0x55: {  	s1 =	sor.u32 s10, s3;
	[sflag:s17] =	ssyncset.done $0x0  }
0x56: {  	s1 =	sshrl.u32 s1, $0x3;
	[sflag:s17] =	ssyncadd.s32 $0xFFFFC000  }
0x57: {  	s3 =	sadd.s32 s6, s1;
	s1 =	sadd.s32 s7, s1  }
0x58: {  	[tilespmem:s4], [sflag:$0x1] =	stream.linear.gather [hbm4b:s3+s4], $0x80, $0x38;
	[tilespmem:$0x1C200] =	vst v63  }
0x59: {  	_ = 	snop  }
0x5a: {  	[tilespmem:s26], [sflag:$0x3] =	stream.linear.gather [hbm4b:s1+s4], $0x80, $0x38;
	[tilespmem:$0x1C200] =	vst v63  }
0x5b: {  	_ =	swait.ge [sflag:s28], $0x4000  }
0x5c: {  	[sflag:s28] =	ssyncset.done $0x0  }
0x5d: {  	[sflag:s28] =	ssyncadd.s32 $0xFFFFC000  }
.Ltmp0:
0x5e: {  	s1 =	sadd.s32 $0xFFFFFF00, s31;
	_ =	swait.ge [sflag:s18], $0x80;
	(pc) =	sbr.rel @p0 .LBB2_2-.Ltmp0, $4  }
0x5f: {  	s3 =	sand.u32 $0x3C00, s1;
	[sflag:s18] =	ssyncset.done $0x0  }
0x60: {  	s1 =	sand.u32 $0x300, s1;
	s3 =	sadd.s32 s8, s3;
	[sflag:s18] =	ssyncadd.s32 $0xFFFFFF80  }
0x61: {  	[tilespmem:s20], [sflag:$0x5] =	stream.indirect.gather [hbm4b:s5+s19], $0x80, s4, s19, $0xb8;
	[tilespmem:$0x1C200] =	vst v63  }
0x62: {  	s3 =	sor.u32 s3, s1;
	_ =	swait.ge [sflag:s29], $0x80  }
0x63: {  	[sflag:s29] =	ssyncset.done $0x0  }
0x64: {  	[sflag:s29] =	ssyncadd.s32 $0xFFFFFF80  }
0x65: {  	[spmem:s2] =	stream.indirect.scatter.add.f32 [tilespmem:s24], [sflag:$0x7], $0x80, s21, s19, $0xb8;
	[tilespmem:$0x1C200] =	vst v63  }
0x66: {  	s0 =	sor.u32 $0x80, s3;
	_ =	swait.ge [sflag:s17], $0x4000  }
0x67: {  	s0 =	sshrl.u32 s0, $0x3;
	[sflag:s17] =	ssyncset.done $0x0  }
0x68: {  	s1 =	sadd.s32 s6, s0;
	[sflag:s17] =	ssyncadd.s32 $0xFFFFC000  }
0x69: {  	[tilespmem:s19], [sflag:$0x2] =	stream.linear.gather [hbm4b:s1+s4], $0x80, $0x38;
	[tilespmem:$0x1C200] =	vst v63  }
0x6a: {  	s0 =	sadd.s32 s7, s0  }
0x6b: {  	[tilespmem:s21], [sflag:$0x4] =	stream.linear.gather [hbm4b:s0+s4], $0x80, $0x38;
	[tilespmem:$0x1C200] =	vst v63  }
0x6c: {  	_ =	swait.ge [sflag:s22], $0x4000  }
0x6d: {  	[sflag:s22] =	ssyncset.done $0x0  }
0x6e: {  	[sflag:s22] =	ssyncadd.s32 $0xFFFFC000  }
0x6f: {  	_ =	swait.ge [sflag:s23], $0x80  }
0x70: {  	[sflag:s23] =	ssyncset.done $0x0  }
0x71: {  	[sflag:s23] =	ssyncadd.s32 $0xFFFFFF80  }
0x72: {  	[tilespmem:s24], [sflag:$0x6] =	stream.indirect.gather [hbm4b:s5+s19], $0x80, s19, s19, $0xb8;
	[tilespmem:$0x1C200] =	vst v63  }
0x73: {  	_ =	swait.ge [sflag:s25], $0x80  }
0x74: {  	s3 =	sand.u32 $0x7C00, s31;
	[sflag:s25] =	ssyncset.done $0x0  }
0x75: {  	s10 =	sand.u32 $0x300, s31;
	s0 =	sadd.s32 s8, s3;
	[sflag:s25] =	ssyncadd.s32 $0xFFFFFF80  }
0x76: {  	[spmem:s2] =	stream.indirect.scatter.add.f32 [tilespmem:s20], [sflag:$0x7], $0x80, s26, s19, $0xb8;
	[tilespmem:$0x1C200] =	vst v63  }
0x77: {  	s0 =	sor.u32 s10, s0;
	_ =	swait.ge [sflag:s17], $0x4000  }
0x78: {  	s0 =	sshrl.u32 s0, $0x3;
	[sflag:s17] =	ssyncset.done $0x0  }
0x79: {  	s31 =	sadd.s32 s6, s0;
	[sflag:s17] =	ssyncadd.s32 $0xFFFFC000  }
0x7a: {  	[tilespmem:s4], [sflag:$0x1] =	stream.linear.gather [hbm4b:s31+s4], $0x80, $0x38;
	[tilespmem:$0x1C200] =	vst v63  }
0x7b: {  	s0 =	sadd.s32 s7, s0  }
0x7c: {  	[tilespmem:s26], [sflag:$0x3] =	stream.linear.gather [hbm4b:s0+s4], $0x80, $0x38;
	[tilespmem:$0x1C200] =	vst v63  }
0x7d: {  	_ =	swait.ge [sflag:s28], $0x4000  }
0x7e: {  	[sflag:s28] =	ssyncset.done $0x0  }
0x7f: {  	[sflag:s28] =	ssyncadd.s32 $0xFFFFC000  }
0x80: {  	_ =	swait.ge [sflag:s18], $0x80  }
0x81: {  	[sflag:s18] =	ssyncset.done $0x0  }
0x82: {  	[sflag:s18] =	ssyncadd.s32 $0xFFFFFF80  }
0x83: {  	[tilespmem:s20], [sflag:$0x5] =	stream.indirect.gather [hbm4b:s5+s19], $0x80, s4, s19, $0xb8;
	[tilespmem:$0x1C200] =	vst v63  }
0x84: {  	_ =	swait.ge [sflag:s29], $0x80  }
0x85: {  	[sflag:s29] =	ssyncset.done $0x0  }
0x86: {  	[sflag:s29] =	ssyncadd.s32 $0xFFFFFF80  }
0x87: {  	[spmem:s2] =	stream.indirect.scatter.add.f32 [tilespmem:s24], [sflag:$0x7], $0x80, s21, s19, $0xb8;
	[tilespmem:$0x1C200] =	vst v63  }
0x88: {  	_ =	swait.ge [sflag:s17], $0x4000  }
0x89: {  	[sflag:s17] =	ssyncset.done $0x0  }
0x8a: {  	[sflag:s17] =	ssyncadd.s32 $0xFFFFC000  }
0x8b: {  	[tilespmem:s19], [sflag:$0x2] =	stream.linear.gather [hbm4b:s14+s4], $0x80, $0x38;
	[tilespmem:$0x1C200] =	vst v63  }
0x8c: {  	_ = 	snop  }
0x8d: {  	[tilespmem:s21], [sflag:$0x4] =	stream.linear.gather [hbm4b:s15+s4], $0x80, $0x38;
	[tilespmem:$0x1C200] =	vst v63  }
0x8e: {  	_ =	swait.ge [sflag:s22], $0x4000  }
0x8f: {  	[sflag:s22] =	ssyncset.done $0x0  }
0x90: {  	[sflag:s22] =	ssyncadd.s32 $0xFFFFC000  }
0x91: {  	_ =	swait.ge [sflag:s23], $0x80  }
0x92: {  	[sflag:s23] =	ssyncset.done $0x0  }
0x93: {  	[sflag:s23] =	ssyncadd.s32 $0xFFFFFF80  }
0x94: {  	[tilespmem:s24], [sflag:$0x6] =	stream.indirect.gather [hbm4b:s5+s19], $0x80, s19, s19, $0xb8;
	[tilespmem:$0x1C200] =	vst v63  }
0x95: {  	_ =	swait.ge [sflag:s25], $0x80  }
0x96: {  	[sflag:s25] =	ssyncset.done $0x0  }
0x97: {  	[sflag:s25] =	ssyncadd.s32 $0xFFFFFF80  }
0x98: {  	[spmem:s2] =	stream.indirect.scatter.add.f32 [tilespmem:s20], [sflag:$0x7], $0x80, s26, s19, $0xb8;
	[tilespmem:$0x1C200] =	vst v63  }
0x99: {  	_ =	swait.ge [sflag:s17], $0x4000  }
0x9a: {  	[sflag:s17] =	ssyncset.done $0x0  }
0x9b: {  	[sflag:s17] =	ssyncadd.s32 $0xFFFFC000  }
0x9c: {  	_ =	swait.ge [sflag:s28], $0x4000  }
0x9d: {  	[sflag:s28] =	ssyncset.done $0x0  }
0x9e: {  	[sflag:s28] =	ssyncadd.s32 $0xFFFFC000  }
0x9f: {  	_ =	swait.ge [sflag:s29], $0x80  }
0xa0: {  	[sflag:s29] =	ssyncset.done $0x0  }
0xa1: {  	[sflag:s29] =	ssyncadd.s32 $0xFFFFFF80  }
0xa2: {  	[spmem:s2] =	stream.indirect.scatter.add.f32 [tilespmem:s24], [sflag:$0x7], $0x80, s21, s19, $0xb8;
	[tilespmem:$0x1C200] =	vst v63  }
0xa3: {  	_ =	swait.ge [sflag:s17], $0x4000  }
0xa4: {  	s30 =	sadd.s32 $0x1, s30;
	[sflag:s17] =	ssyncset.done $0x0  }
0xa5: {  	p0 =	sne.s32 s30, s13;
	[sflag:s17] =	ssyncadd.s32 $0xFFFFC000  }
.Ltmp1:
0xa6: {  	[bflag:$0x0] =	sbarrier.arrive $0xFFFF;
	(pc) =	sbr.rel @p0 .LBB2_1-.Ltmp1, $4  }
0xa7: {  	[hbm:s12], [sflag:s9] =	dma.local [spmem:s16], $0x2800  }
0xa8: {  	_ =	swait.ge [sflag:s17], $0x2800  }
0xa9: {  	[sflag:s17] =	ssyncset.done $0x0  }
0xaa: {  	[sflag:s17] =	ssyncadd.s32 $0xFFFFD800  }
0xab: {  	_ =	sfence.sel $0x180000  }
0xac: {  	[bflag:$0x0] =	sbarrier.arrive $0xFFFF  }
0xad: {  	_ =	strace $0x9000004D  }
0xae: {  	s0 =	stileid.u32;
	[bflag:$0x2] =	sbarrier.arrive $0xFFFF  }
0xaf: {  	p0 =	sne.s32 s0, $0x0;
	s0 =	rddreg [dreg:$0x3]  }
0xb0: {  	s0 =	sadd.s32 @!p0 $0x100000, s0  }
0xb1: {  	[sflag:s0] =	ssyncadd.tile.s32 @!p0 $0x1;
	_ =	shalt  }
.Lfunc_end2:
_tile_overlayer_lowered:
.L_overlay_start_2:
0xb2: {  	(tag) =	ssettag $0x2  }
0xb3: {  	s0 =	rddreg [dreg:$0x0];
	s2 =	stileid.u32  }
0xb4: {  	s1 =	rddreg [dreg:$0x1];
	p0 =	sne.s32 s2, $0x0  }
0xb5: {  	s3 =	rddreg [dreg:$0x2];
	[bflag:$0x3] =	sbarrier.arrive $0xFFFF;
	s2 =	simm.s32 @!p0 $0x1C07  }
0xb6: {  	[timem:s3], [sflag:s2] =	dma.local @!p0 [hbm:s0], s1  }
0xb7: {  	s0 =	simm.s32 @!p0 $0x7  }
0xb8: {  	_ =	swait.ge @!p0 [sflag:s0], s1  }
0xb9: {  	s1 =	ssub.s32 @!p0 $0x0, s1;
	[sflag:s0] =	ssyncset.done @!p0 $0x0  }
0xba: {  	[sflag:s0] =	ssyncadd.s32 @!p0 s1  }
0xbb: {  	[bflag:$0x3] =	sbarrier.arrive $0xFFFF  }
0xbc: {  	_ =	shalt  }

// kernel: kernel.21.cloned.1.call-start
scs
__scs_entry_jumppad:
0x0: {  	(pc) =	sbr.rel $0x88, $3  }
0x1: {  	(tag) =	ssettag $0x0;
	lr =	simm.s32 $0x1  }
0x2: {  	[smem:$0x3F95] =	sst lr;
	_ =	strace $0xD0000000  }
0x3: {  	_ = 	snop  }
0x4: {  	_ = 	snop  }
0x5: {  	_ = 	snop  }
0x6: {  	_ = 	snop  }
0x7: {  	_ = 	snop  }
__scs_overlays_trampoline_lowered:
0x8: {  	[smem:$0x3FA4] =	sst s0  }
0x9: {  	[smem:$0x3FA5] =	sst s1  }
0xa: {  	[smem:$0x3FA6] =	sst s2  }
0xb: {  	[smem:$0x3FA7] =	sst s3  }
0xc: {  	[smem:$0x3FA8] =	sst s4  }
0xd: {  	[smem:$0x3FA9] =	sst s5  }
0xe: {  	[smem:$0x3FAA] =	sst s6  }
0xf: {  	[smem:$0x3FAB] =	sst s7  }
0x10: {  	[smem:$0x3FAC] =	sst s8  }
0x11: {  	[smem:$0x3FAD] =	sst s9;
	s0 =	simm.s32 @!p0 $0x0  }
0x12: {  	s1 =	sld [smem:$0x3F93];
	s0 =	simm.s32 @p0 $0x1  }
0x13: {  	[smem:$0x3FAE] =	sst s0;
	s0 =	simm.s32 @!p1 $0x0  }
0x14: {  	s2 =	sld [smem:$0x3F92];
	s0 =	simm.s32 @p1 $0x1  }
0x15: {  	[smem:$0x3FAF] =	sst s0;
	s0 =	simm.s32 @!p2 $0x0  }
0x16: {  	s3 =	sld [smem:$0x3FDB];
	s0 =	simm.s32 @p2 $0x1  }
0x17: {  	s4 =	simm.s32 $0x1BF5;
	[smem:$0x3FB1] =	sst s0  }
0x18: {  	s0 =	sld [smem:$0x3F94];
	_ =	swait.ge [sflag:s4], $0x0  }
0x19: {  	s7 =	sld [smem:$0x3F95]  }
0x1a: {  	s8 =	sadd.s32 $0xFFFFE003, lr  }
0x1b: {  	s9 =	sadd.s32 $0xFFFFFEF7, lr;
	s5 =	simm.s32 $0xFFFFFFFF;
	p2 =	slt.u32 s8, $0xFFFFF086  }
0x1c: {  	p1 =	slt.u32 s9, $0xF7A;
	s5 =	simm.s32 @!p2 $0x0  }
0x1d: {  	s5 =	simm.s32 @p1 $0x1;
	p0 =	seq.s32 s7, s2  }
0x1e: {  	s7 =	smul.u32 @!p0 $0xF7A, s2;
	p2 =	seq.s32 @!p0 s5, $0x0  }
0x1f: {  	s9 =	smul.u32 $0xF7A, s1;
	s8 =	simm.s32 @!p0 $0x1BF5;
	p2 =	por !p2, p0  }
0x20: {  	[sflag:s8] =	ssyncset.s32 @!p0 $0xFFFFF086;
	s6 =	sadd.s32 @!p0 s3, s7;
	s7 =	simm.s32 @!p0 $0x108  }
0x21: {  	s3 =	sadd.s32 s3, s9;
	s6 =	sadd.s32 @!p0 $0x88, s6;
	s7 =	simm.s32 @p2 $0x1082  }
0x22: {  	[simem:s7], [sflag:s8] =	dma.local @!p0 [hbm:s6], $0xF7A  }
0x23: {  	s9 =	sor.u32 $0xD0000000, s2;
	s6 =	simm.s32 $0x108;
	_ =	swait.ge @!p0 [sflag:s8], $0x0  }
0x24: {  	s3 =	sadd.s32 $0x88, s3;
	s6 =	simm.s32 @!p1 $0x1082;
	[sflag:s4] =	ssyncset.s32 $0xFFFFF086  }
0x25: {  	[simem:s6], [sflag:s4] =	dma.local [hbm:s3], $0xF7A  }
0x26: {  	[smem:$0x3F95] =	sst s1;
	(tag) =	ssettag s2;
	_ =	strace s9  }
0x27: {  	s1 =	sld [smem:$0x3FA5]  }
0x28: {  	s2 =	sld [smem:$0x3FA6]  }
0x29: {  	s4 =	sld [smem:$0x3FA8]  }
0x2a: {  	p0 =	seq.s32 s5, $0x0;
	s5 =	sld [smem:$0x3FA9]  }
0x2b: {  	s6 =	sld [smem:$0x3FAA]  }
0x2c: {  	s7 =	sld [smem:$0x3FAB]  }
0x2d: {  	s3 =	simm.s32 $0x108;
	s8 =	sld [smem:$0x3FAC]  }
0x2e: {  	s3 =	simm.s32 @!p0 $0x1082;
	s9 =	sld [smem:$0x3FAD]  }
0x2f: {  	lr =	sadd.s32 s0, s3;
	s0 =	sld [smem:$0x3FA4]  }
0x30: {  	s3 =	sld [smem:$0x3FA7]  }
0x31: {  	[smem:$0x3FB0] =	sst s10  }
0x32: {  	s10 =	sld [smem:$0x3FAE];
	_ =	sdelay $0x3  }
0x33: {  	p0 =	seq.s32 s10, $0x1;
	s10 =	sld [smem:$0x3FB0];
	_ =	sdelay $0x3  }
0x34: {  	[smem:$0x3FB0] =	sst s10  }
0x35: {  	s10 =	sld [smem:$0x3FAF];
	_ =	sdelay $0x3  }
0x36: {  	p1 =	seq.s32 s10, $0x1;
	s10 =	sld [smem:$0x3FB0];
	_ =	sdelay $0x3  }
0x37: {  	[smem:$0x3FB0] =	sst s10  }
0x38: {  	s10 =	sld [smem:$0x3FB1]  }
0x39: {  	_ = 	snop;
	(pc) =	sbr.ind lr, $3  }
0x3a: {  	_ = 	snop  }
0x3b: {  	_ = 	snop  }
0x3c: {  	p2 =	seq.s32 s10, $0x1;
	s10 =	sld [smem:$0x3FB0]  }
0x3d: {  	_ =	shalt  }
0x3e: {  	_ =	shalt  }
0x3f: {  	_ =	shalt  }
0x40: {  	_ =	shalt  }
0x41: {  	_ =	shalt  }
0x42: {  	_ =	shalt  }
0x43: {  	_ =	shalt  }
0x44: {  	_ =	shalt  }
0x45: {  	_ =	shalt  }
0x46: {  	_ =	shalt  }
0x47: {  	_ =	shalt  }
0x48: {  	_ =	shalt  }
0x49: {  	_ =	shalt  }
0x4a: {  	_ =	shalt  }
0x4b: {  	_ =	shalt  }
0x4c: {  	_ =	shalt  }
0x4d: {  	_ =	shalt  }
0x4e: {  	_ =	shalt  }
0x4f: {  	_ =	shalt  }
0x50: {  	_ =	shalt  }
0x51: {  	_ =	shalt  }
0x52: {  	_ =	shalt  }
0x53: {  	_ =	shalt  }
0x54: {  	_ =	shalt  }
0x55: {  	_ =	shalt  }
0x56: {  	_ =	shalt  }
0x57: {  	_ =	shalt  }
0x58: {  	_ =	shalt  }
0x59: {  	_ =	shalt  }
0x5a: {  	_ =	shalt  }
0x5b: {  	_ =	shalt  }
0x5c: {  	_ =	shalt  }
0x5d: {  	_ =	shalt  }
0x5e: {  	_ =	shalt  }
0x5f: {  	_ =	shalt  }
0x60: {  	_ =	shalt  }
0x61: {  	_ =	shalt  }
0x62: {  	_ =	shalt  }
0x63: {  	_ =	shalt  }
0x64: {  	_ =	shalt  }
0x65: {  	_ =	shalt  }
0x66: {  	_ =	shalt  }
0x67: {  	_ =	shalt  }
0x68: {  	_ =	shalt  }
0x69: {  	_ =	shalt  }
0x6a: {  	_ =	shalt  }
0x6b: {  	_ =	shalt  }
0x6c: {  	_ =	shalt  }
0x6d: {  	_ =	shalt  }
0x6e: {  	_ =	shalt  }
0x6f: {  	_ =	shalt  }
0x70: {  	_ =	shalt  }
0x71: {  	_ =	shalt  }
0x72: {  	_ =	shalt  }
0x73: {  	_ =	shalt  }
0x74: {  	_ =	shalt  }
0x75: {  	_ =	shalt  }
0x76: {  	_ =	shalt  }
0x77: {  	_ =	shalt  }
0x78: {  	_ =	shalt  }
0x79: {  	_ =	shalt  }
0x7a: {  	_ =	shalt  }
0x7b: {  	_ =	shalt  }
0x7c: {  	_ =	shalt  }
0x7d: {  	_ =	shalt  }
0x7e: {  	_ =	shalt  }
0x7f: {  	_ =	shalt  }
0x80: {  	_ =	shalt  }
0x81: {  	_ =	shalt  }
0x82: {  	_ =	shalt  }
0x83: {  	_ =	shalt  }
0x84: {  	_ =	shalt  }
0x85: {  	_ =	shalt  }
0x86: {  	_ =	shalt  }
0x87: {  	_ =	shalt  }
.Lfunc_end0:
.L_simem_size_0:
called_computation.3_lowered:
.L_overlay_start_0:
0x88: {  	s2 =	sld [smem:$0x3FD9]  }
0x89: {  	s3 =	sld [smem:$0x3FFE];
	_ =	sdelay $0x1  }
0x8a: {  	s1 =	srdreg.scid  }
0x8b: {  	s0 =	sand.u32 $0x1, s1  }
0x8c: {  	s17 =	sshll.u32 s0, $0xA;
	s2 =	sadd.s32 s3, s2  }
0x8d: {  	s2 =	sadd.s32 s2, s17  }
0x8e: {  	[smem:$0x3FBC] =	sst s2  }
0x8f: {  	_ = 	snop  }
0x90: {  	s2 =	sld [smem:$0x3FD0];
	(tm) =	ssettm $0x1  }
0x91: {  	s18 =	sld [smem:$0x3FFB];
	_ =	sdelay $0x3  }
0x92: {  	_ =	strace s18  }
0x93: {  	s3 =	sld [smem:$0x3FFC];
	_ =	sdelay $0x3  }
0x94: {  	_ =	strace s3  }
0x95: {  	s3 =	sld [smem:$0x3FFD];
	_ =	sdelay $0x3  }
0x96: {  	_ =	strace s3  }
0x97: {  	_ =	strace $0x8FFFFFFF  }
0x98: {  	s19 =	sld [smem:$0x3FDB];
	_ =	sdelay $0x1  }
0x99: {  	s4 =	simm.s32 $_scs_section_size  }
0x9a: {  	s5 =	simm.s32 $_size__tile_overlayer_lowered;
	s6 =	simm.s32 $_tile_overlayer_lowered  }
0x9b: {  	s22 =	simm.s32 $0x1BFF;
	s21 =	sshll.u32 s6, $0x1;
	s3 =	sadd.s32 s4, s19  }
0x9c: {  	s7 =	simm.s32 $0x0;
	s20 =	sshll.u32 s5, $0x1;
	s5 =	sadd.s32 s21, s3  }
0x9d: {  	[timem:s7], [sflag:s22] =	dma.local [hbm:s5], s20  }
0x9e: {  	_ =	swait.ge [sflag:s22], s20  }
0x9f: {  	s4 =	ssub.s32 $0x0, s20;
	[sflag:s22] =	ssyncset.done $0x0  }
0xa0: {  	[sflag:s22] =	ssyncadd.s32 s4;
	_ =	sdelay $0x1  }
0xa1: {  	s23 =	simm.s32 $0x1B8B  }
0xa2: {  	_ =	swait.ge [sflag:s23], $0x1  }
0xa3: {  	[sflag:s23] =	ssyncset.done $0x0  }
0xa4: {  	s25 =	simm.s32 $0x1B8E;
	s24 =	sld [smem:$0x3FFE];
	[sflag:s23] =	ssyncadd.s32 $0xFFFFFFFF  }
0xa5: {  	s26 =	simm.s32 $execute0_lowered;
	[smem:$0x3FD2] =	sst s25  }
0xa6: {  	s5 =	sshll.u32 s26, $0x1;
	_ =	strace $0x8000004F;
	[dreg:$0x1] =	wrdreg $0xFFFFFFFF  }
0xa7: {  	s28 =	simm.s32 $_size_execute0_lowered;
	s3 =	sadd.s32 s3, s5;
	[dreg:$0x0] =	wrdreg $0x0  }
0xa8: {  	s5 =	sshll.u32 s28, $0x1;
	[dreg:$0x2] =	wrdreg s3  }
0xa9: {  	[dreg:$0x3] =	wrdreg s5  }
0xaa: {  	[dreg:$0x4] =	wrdreg $0xC0  }
0xab: {  	_ =	task [dreg:s7], $0x5FFFF  }
0xac: {  	[dreg:$0x1] =	wrdreg $0xFFFFFFFF  }
0xad: {  	[dreg:$0x0] =	wrdreg $0x60  }
0xae: {  	[dreg:$0x2] =	wrdreg s24  }
0xaf: {  	[dreg:$0x3] =	wrdreg s2  }
0xb0: {  	[dreg:$0x4] =	wrdreg $0x82000  }
0xb1: {  	[dreg:$0x5] =	wrdreg $0x9  }
0xb2: {  	_ =	task.clear_ibuf [dreg:s7], $0x6FFFF;
	_ =	strace $0x9000004F  }
0xb3: {  	s29 =	simm.s32 $0x9;
	_ =	strace $0x80000051  }
0xb4: {  	_ =	swait.ge [sflag:s29], $0x1  }
0xb5: {  	[sflag:s29] =	ssyncadd.s32 $0xFFFFFFFF  }
0xb6: {  	_ =	strace $0x90000051  }
0xb7: {  	_ =	sfence  }
0xb8: {  	s30 =	sld [smem:$0x0];
	_ =	sdelay $0x2  }
0xb9: {  	s31 =	sshll.u32 s1, $0xD;
	s1 =	sshrl.u32 s1, $0x2  }
0xba: {  	s3 =	sand.u32 $0x4000, s31;
	s1 =	sadd.s32 s1, s30  }
0xbb: {  	s0 =	sor.u32 s3, s0;
	s1 =	sshll.u32 s1, $0x11  }
0xbc: {  	s0 =	sor.u32 s1, s0  }
0xbd: {  	s0 =	sadd.s32 $0x8F2B, s0  }
0xbe: {  	[sflag:s0] =	ssyncadd.remote.s32 $0x1  }
0xbf: {  	_ =	sfence.sel $0xFFFF  }
0xc0: {  	[dreg:$0x0] =	wrdreg $0xFFFFFFFF;
	(pc) =	sbr.abs _section_cstart, $3  }
0xc1: {  	[dreg:$0x1] =	wrdreg $0xFFFFFFFF  }
0xc2: {  	_ =	task.clear_ibuf [dreg:s7], $0x2FFFF;
	_ =	strace $0x9FFFFFFF  }
0xc3: {  	(tm) =	ssettm $0x7FFFFFFF  }
tec
execute0_lowered:
.L_overlay_start_1:
0x0: {  	(tag) =	ssettag $0x1  }
0x1: {  	s0 =	rddreg [dreg:$0x0]  }
0x2: {  	s2 =	rddreg [dreg:$0x2]  }
0x3: {  	s3 =	srdreg.scid;
	s4 =	simm.s32 $0x0;
	s1 =	stileid.u32  }
0x4: {  	s17 =	simm.s32 $0x7;
	s18 =	simm.s32 $0x1;
	s19 =	simm.s32 $0x80  }
0x5: {  	s20 =	simm.s32 $0x200;
	s21 =	simm.s32 $0x180;
	s22 =	simm.s32 $0x5  }
0x6: {  	s23 =	simm.s32 $0x2;
	s24 =	simm.s32 $0x4200;
	s28 =	simm.s32 $0x6  }
0x7: {  	s29 =	simm.s32 $0x4;
	s30 =	simm.s32 $0x0;
	s8 =	smul.u32 $0x14000, s1  }
0x8: {  	s3 =	sand.u32 $0x1, s3;
	[smem:$0x7FF] =	sst s4;
	s10 =	smul.u32 $0x50000, s1  }
0x9: {  	s5 =	sadd.s32 $0x18200, s0;
	s6 =	sadd.s32 $0x4200, s0;
	s7 =	smul.u32 $0x140000, s3  }
0xa: {  	s26 =	sshll.u32 s1, $0x6;
	_ =	strace $0x80000050;
	s9 =	sshll.u32 s3, $0x4  }
0xb: {  	s3 =	ssub.s32 $0x2, s3;
	s9 =	sor.u32 s1, s9;
	s8 =	sadd.s32 s8, s7  }
0xc: {  	s11 =	sshrl.u32 s3, $0x1;
	s25 =	sshrl.u32 s10, $0x2;
	s8 =	sshrl.u32 s8, $0x3  }
0xd: {  	s7 =	sadd.s32 $0xE200, s0;
	s0 =	sadd.s32 s8, s0;
	s8 =	smul.u32 $0x2800, s9  }
0xe: {  	s3 =	ssub.s32 s3, s11;
	s16 =	sadd.s32 s25, s2;
	s25 =	simm.s32 $0x3  }
0xf: {  	s13 =	smax.u32 s3, $0x1;
	s16 =	sshrl.u32 s16, $0x3;
	s12 =	sshrl.u32 s8, $0x3  }
0x10: {  	s9 =	sor.u32 $0x1C07, s26;
	s26 =	simm.s32 $0x100;
	s31 =	sadd.s32 s6, s12  }
0x11: {  	s11 =	sadd.s32 s7, s12;
	s15 =	sadd.s32 $0x4F0, s12;
	s12 =	sadd.s32 $0x40200, s0  }
0x12: {  	[dreg:$0x4] =	wrdreg s31;
	s14 =	sadd.s32 s6, s15;
	s15 =	sadd.s32 s7, s15  }
.LBB2_1:
0x13: {  	s0 =	rddreg [dreg:$0x1]  }
0x14: {  	[spmem:s16], [sflag:s9] =	dma.local [hbm:s0], $0x2800  }
0x15: {  	_ =	swait.ge [sflag:s17], $0x2800  }
0x16: {  	[sflag:s17] =	ssyncset.done $0x0  }
0x17: {  	[sflag:s17] =	ssyncadd.s32 $0xFFFFD800  }
0x18: {  	[bflag:$0x0] =	sbarrier.arrive $0xFFFF  }
0x19: {  	s10 =	simm.s32 $0x0;
	s3 =	rddreg [dreg:$0x4]  }
0x1a: {  	[tilespmem:s4], [sflag:$0x1] =	stream.linear.gather [hbm4b:s3+s4], $0x80, $0x38;
	[tilespmem:$0x1C200] =	vst v63  }
0x1b: {  	s3 =	sand.u32 $0x3C00, s10  }
0x1c: {  	s0 =	sand.u32 $0x300, s10;
	s3 =	sadd.s32 s8, s3  }
0x1d: {  	[tilespmem:s26], [sflag:$0x3] =	stream.linear.gather [hbm4b:s11+s4], $0x80, $0x38;
	[tilespmem:$0x1C200] =	vst v63  }
0x1e: {  	s0 =	sor.u32 s3, s0;
	_ =	swait.ge [sflag:s18], $0x80  }
0x1f: {  	s0 =	sor.u32 $0x80, s0;
	[sflag:s18] =	ssyncset.done $0x0  }
0x20: {  	s0 =	sshrl.u32 s0, $0x3;
	[sflag:s18] =	ssyncadd.s32 $0xFFFFFF80  }
0x21: {  	[tilespmem:s20], [sflag:$0x5] =	stream.indirect.gather [hbm4b:s5+s19], $0x80, s4, s19, $0xb8;
	[tilespmem:$0x1C200] =	vst v63  }
0x22: {  	s1 =	sadd.s32 s6, s0  }
0x23: {  	[tilespmem:s19], [sflag:$0x2] =	stream.linear.gather [hbm4b:s1+s4], $0x80, $0x38;
	[tilespmem:$0x1C200] =	vst v63  }
0x24: {  	s0 =	sadd.s32 s7, s0  }
0x25: {  	[tilespmem:s21], [sflag:$0x4] =	stream.linear.gather [hbm4b:s0+s4], $0x80, $0x38;
	[tilespmem:$0x1C200] =	vst v63  }
0x26: {  	_ =	swait.ge [sflag:s22], $0x4000  }
0x27: {  	[sflag:s22] =	ssyncset.done $0x0  }
0x28: {  	[sflag:s22] =	ssyncadd.s32 $0xFFFFC000  }
0x29: {  	_ =	swait.ge [sflag:s23], $0x80  }
0x2a: {  	[sflag:s23] =	ssyncset.done $0x0  }
0x2b: {  	[sflag:s23] =	ssyncadd.s32 $0xFFFFFF80  }
0x2c: {  	[tilespmem:s24], [sflag:$0x6] =	stream.indirect.gather [hbm4b:s5+s19], $0x80, s19, s19, $0xb8;
	[tilespmem:$0x1C200] =	vst v63  }
0x2d: {  	_ =	swait.ge [sflag:s25], $0x80  }
0x2e: {  	s10 =	sand.u32 $0x7C00, s26;
	[sflag:s25] =	ssyncset.done $0x0  }
0x2f: {  	s1 =	sand.u32 $0x300, s26;
	s0 =	sadd.s32 s8, s10;
	[sflag:s25] =	ssyncadd.s32 $0xFFFFFF80  }
0x30: {  	[spmem:s2] =	stream.indirect.scatter.add.f32 [tilespmem:s20], [sflag:$0x7], $0x80, s26, s19, $0xb8;
	[tilespmem:$0x1C200] =	vst v63  }
0x31: {  	s0 =	sor.u32 s1, s0;
	_ =	swait.ge [sflag:s17], $0x4000  }
0x32: {  	s0 =	sshrl.u32 s0, $0x3;
	[sflag:s17] =	ssyncset.done $0x0  }
0x33: {  	s10 =	sadd.s32 s6, s0;
	[sflag:s17] =	ssyncadd.s32 $0xFFFFC000  }
0x34: {  	[tilespmem:s4], [sflag:$0x1] =	stream.linear.gather [hbm4b:s10+s4], $0x80, $0x38;
	[tilespmem:$0x1C200] =	vst v63  }
0x35: {  	s0 =	sadd.s32 s7, s0  }
0x36: {  	[tilespmem:s26], [sflag:$0x3] =	stream.linear.gather [hbm4b:s0+s4], $0x80, $0x38;
	[tilespmem:$0x1C200] =	vst v63  }
0x37: {  	_ =	swait.ge [sflag:s28], $0x4000  }
0x38: {  	[sflag:s28] =	ssyncset.done $0x0  }
0x39: {  	[sflag:s28] =	ssyncadd.s32 $0xFFFFC000  }
0x3a: {  	s1 =	simm.s32 $0x100;
	_ =	swait.ge [sflag:s18], $0x80  }
0x3b: {  	s31 =	simm.s32 $0x200;
	s10 =	sand.u32 $0x3C00, s1;
	[sflag:s18] =	ssyncset.done $0x0  }
0x3c: {  	s3 =	sadd.s32 s8, s10;
	s0 =	sand.u32 $0x300, s1;
	[sflag:s18] =	ssyncadd.s32 $0xFFFFFF80  }
0x3d: {  	[tilespmem:s20], [sflag:$0x5] =	stream.indirect.gather [hbm4b:s5+s19], $0x80, s4, s19, $0xb8;
	[tilespmem:$0x1C200] =	vst v63  }
0x3e: {  	s3 =	sor.u32 s3, s0;
	s0 =	simm.s32 $0x300;
	_ =	swait.ge [sflag:s29], $0x80  }
.LBB2_2:
0x3f: {  	p0 =	sne.s32 s0, $0x2700  }
0x40: {  	[sflag:s29] =	ssyncset.done $0x0;
	s1 =	smov.u32 s0;
	s0 =	sadd.s32 $0x100, s0  }
0x41: {  	[sflag:s29] =	ssyncadd.s32 $0xFFFFFF80  }
0x42: {  	[spmem:s2] =	stream.indirect.scatter.add.f32 [tilespmem:s24], [sflag:$0x7], $0x80, s21, s19, $0xb8;
	[tilespmem:$0x1C200] =	vst v63  }
0x43: {  	s3 =	sor.u32 $0x80, s3;
	_ =	swait.ge [sflag:s17], $0x4000  }
0x44: {  	s3 =	sshrl.u32 s3, $0x3;
	[sflag:s17] =	ssyncset.done $0x0  }
0x45: {  	s10 =	sadd.s32 s6, s3;
	[sflag:s17] =	ssyncadd.s32 $0xFFFFC000  }
0x46: {  	[tilespmem:s19], [sflag:$0x2] =	stream.linear.gather [hbm4b:s10+s4], $0x80, $0x38;
	[tilespmem:$0x1C200] =	vst v63  }
0x47: {  	s3 =	sadd.s32 s7, s3  }
0x48: {  	[tilespmem:s21], [sflag:$0x4] =	stream.linear.gather [hbm4b:s3+s4], $0x80, $0x38;
	[tilespmem:$0x1C200] =	vst v63  }
0x49: {  	_ =	swait.ge [sflag:s22], $0x4000  }
0x4a: {  	[sflag:s22] =	ssyncset.done $0x0  }
0x4b: {  	[sflag:s22] =	ssyncadd.s32 $0xFFFFC000  }
0x4c: {  	_ =	swait.ge [sflag:s23], $0x80  }
0x4d: {  	[sflag:s23] =	ssyncset.done $0x0  }
0x4e: {  	[sflag:s23] =	ssyncadd.s32 $0xFFFFFF80  }
0x4f: {  	[tilespmem:s24], [sflag:$0x6] =	stream.indirect.gather [hbm4b:s5+s19], $0x80, s19, s19, $0xb8;
	[tilespmem:$0x1C200] =	vst v63  }
0x50: {  	_ =	swait.ge [sflag:s25], $0x80  }
0x51: {  	[sflag:s25] =	ssyncset.done $0x0  }
0x52: {  	s10 =	sand.u32 $0x300, s31;
	s3 =	sand.u32 $0x7C00, s31;
	[sflag:s25] =	ssyncadd.s32 $0xFFFFFF80  }
0x53: {  	[spmem:s2] =	stream.indirect.scatter.add.f32 [tilespmem:s20], [sflag:$0x7], $0x80, s26, s19, $0xb8;
	[tilespmem:$0x1C200] =	vst v63  }
0x54: {  	s31 =	smov.u32 s1;
	s3 =	sadd.s32 s8, s3;
	_ =	swait.ge [sflag:s17], $0x4000  }
0x55: {  	s1 =	sor.u32 s10, s3;
	[sflag:s17] =	ssyncset.done $0x0  }
0x56: {  	s1 =	sshrl.u32 s1, $0x3;
	[sflag:s17] =	ssyncadd.s32 $0xFFFFC000  }
0x57: {  	s3 =	sadd.s32 s6, s1;
	s1 =	sadd.s32 s7, s1  }
0x58: {  	[tilespmem:s4], [sflag:$0x1] =	stream.linear.gather [hbm4b:s3+s4], $0x80, $0x38;
	[tilespmem:$0x1C200] =	vst v63  }
0x59: {  	_ = 	snop  }
0x5a: {  	[tilespmem:s26], [sflag:$0x3] =	stream.linear.gather [hbm4b:s1+s4], $0x80, $0x38;
	[tilespmem:$0x1C200] =	vst v63  }
0x5b: {  	_ =	swait.ge [sflag:s28], $0x4000  }
0x5c: {  	[sflag:s28] =	ssyncset.done $0x0  }
0x5d: {  	[sflag:s28] =	ssyncadd.s32 $0xFFFFC000  }
.Ltmp0:
0x5e: {  	s1 =	sadd.s32 $0xFFFFFF00, s31;
	_ =	swait.ge [sflag:s18], $0x80;
	(pc) =	sbr.rel @p0 .LBB2_2-.Ltmp0, $4  }
0x5f: {  	s3 =	sand.u32 $0x3C00, s1;
	[sflag:s18] =	ssyncset.done $0x0  }
0x60: {  	s1 =	sand.u32 $0x300, s1;
	s3 =	sadd.s32 s8, s3;
	[sflag:s18] =	ssyncadd.s32 $0xFFFFFF80  }
0x61: {  	[tilespmem:s20], [sflag:$0x5] =	stream.indirect.gather [hbm4b:s5+s19], $0x80, s4, s19, $0xb8;
	[tilespmem:$0x1C200] =	vst v63  }
0x62: {  	s3 =	sor.u32 s3, s1;
	_ =	swait.ge [sflag:s29], $0x80  }
0x63: {  	[sflag:s29] =	ssyncset.done $0x0  }
0x64: {  	[sflag:s29] =	ssyncadd.s32 $0xFFFFFF80  }
0x65: {  	[spmem:s2] =	stream.indirect.scatter.add.f32 [tilespmem:s24], [sflag:$0x7], $0x80, s21, s19, $0xb8;
	[tilespmem:$0x1C200] =	vst v63  }
0x66: {  	s0 =	sor.u32 $0x80, s3;
	_ =	swait.ge [sflag:s17], $0x4000  }
0x67: {  	s0 =	sshrl.u32 s0, $0x3;
	[sflag:s17] =	ssyncset.done $0x0  }
0x68: {  	s1 =	sadd.s32 s6, s0;
	[sflag:s17] =	ssyncadd.s32 $0xFFFFC000  }
0x69: {  	[tilespmem:s19], [sflag:$0x2] =	stream.linear.gather [hbm4b:s1+s4], $0x80, $0x38;
	[tilespmem:$0x1C200] =	vst v63  }
0x6a: {  	s0 =	sadd.s32 s7, s0  }
0x6b: {  	[tilespmem:s21], [sflag:$0x4] =	stream.linear.gather [hbm4b:s0+s4], $0x80, $0x38;
	[tilespmem:$0x1C200] =	vst v63  }
0x6c: {  	_ =	swait.ge [sflag:s22], $0x4000  }
0x6d: {  	[sflag:s22] =	ssyncset.done $0x0  }
0x6e: {  	[sflag:s22] =	ssyncadd.s32 $0xFFFFC000  }
0x6f: {  	_ =	swait.ge [sflag:s23], $0x80  }
0x70: {  	[sflag:s23] =	ssyncset.done $0x0  }
0x71: {  	[sflag:s23] =	ssyncadd.s32 $0xFFFFFF80  }
0x72: {  	[tilespmem:s24], [sflag:$0x6] =	stream.indirect.gather [hbm4b:s5+s19], $0x80, s19, s19, $0xb8;
	[tilespmem:$0x1C200] =	vst v63  }
0x73: {  	_ =	swait.ge [sflag:s25], $0x80  }
0x74: {  	s3 =	sand.u32 $0x7C00, s31;
	[sflag:s25] =	ssyncset.done $0x0  }
0x75: {  	s10 =	sand.u32 $0x300, s31;
	s0 =	sadd.s32 s8, s3;
	[sflag:s25] =	ssyncadd.s32 $0xFFFFFF80  }
0x76: {  	[spmem:s2] =	stream.indirect.scatter.add.f32 [tilespmem:s20], [sflag:$0x7], $0x80, s26, s19, $0xb8;
	[tilespmem:$0x1C200] =	vst v63  }
0x77: {  	s0 =	sor.u32 s10, s0;
	_ =	swait.ge [sflag:s17], $0x4000  }
0x78: {  	s0 =	sshrl.u32 s0, $0x3;
	[sflag:s17] =	ssyncset.done $0x0  }
0x79: {  	s31 =	sadd.s32 s6, s0;
	[sflag:s17] =	ssyncadd.s32 $0xFFFFC000  }
0x7a: {  	[tilespmem:s4], [sflag:$0x1] =	stream.linear.gather [hbm4b:s31+s4], $0x80, $0x38;
	[tilespmem:$0x1C200] =	vst v63  }
0x7b: {  	s0 =	sadd.s32 s7, s0  }
0x7c: {  	[tilespmem:s26], [sflag:$0x3] =	stream.linear.gather [hbm4b:s0+s4], $0x80, $0x38;
	[tilespmem:$0x1C200] =	vst v63  }
0x7d: {  	_ =	swait.ge [sflag:s28], $0x4000  }
0x7e: {  	[sflag:s28] =	ssyncset.done $0x0  }
0x7f: {  	[sflag:s28] =	ssyncadd.s32 $0xFFFFC000  }
0x80: {  	_ =	swait.ge [sflag:s18], $0x80  }
0x81: {  	[sflag:s18] =	ssyncset.done $0x0  }
0x82: {  	[sflag:s18] =	ssyncadd.s32 $0xFFFFFF80  }
0x83: {  	[tilespmem:s20], [sflag:$0x5] =	stream.indirect.gather [hbm4b:s5+s19], $0x80, s4, s19, $0xb8;
	[tilespmem:$0x1C200] =	vst v63  }
0x84: {  	_ =	swait.ge [sflag:s29], $0x80  }
0x85: {  	[sflag:s29] =	ssyncset.done $0x0  }
0x86: {  	[sflag:s29] =	ssyncadd.s32 $0xFFFFFF80  }
0x87: {  	[spmem:s2] =	stream.indirect.scatter.add.f32 [tilespmem:s24], [sflag:$0x7], $0x80, s21, s19, $0xb8;
	[tilespmem:$0x1C200] =	vst v63  }
0x88: {  	_ =	swait.ge [sflag:s17], $0x4000  }
0x89: {  	[sflag:s17] =	ssyncset.done $0x0  }
0x8a: {  	[sflag:s17] =	ssyncadd.s32 $0xFFFFC000  }
0x8b: {  	[tilespmem:s19], [sflag:$0x2] =	stream.linear.gather [hbm4b:s14+s4], $0x80, $0x38;
	[tilespmem:$0x1C200] =	vst v63  }
0x8c: {  	_ = 	snop  }
0x8d: {  	[tilespmem:s21], [sflag:$0x4] =	stream.linear.gather [hbm4b:s15+s4], $0x80, $0x38;
	[tilespmem:$0x1C200] =	vst v63  }
0x8e: {  	_ =	swait.ge [sflag:s22], $0x4000  }
0x8f: {  	[sflag:s22] =	ssyncset.done $0x0  }
0x90: {  	[sflag:s22] =	ssyncadd.s32 $0xFFFFC000  }
0x91: {  	_ =	swait.ge [sflag:s23], $0x80  }
0x92: {  	[sflag:s23] =	ssyncset.done $0x0  }
0x93: {  	[sflag:s23] =	ssyncadd.s32 $0xFFFFFF80  }
0x94: {  	[tilespmem:s24], [sflag:$0x6] =	stream.indirect.gather [hbm4b:s5+s19], $0x80, s19, s19, $0xb8;
	[tilespmem:$0x1C200] =	vst v63  }
0x95: {  	_ =	swait.ge [sflag:s25], $0x80  }
0x96: {  	[sflag:s25] =	ssyncset.done $0x0  }
0x97: {  	[sflag:s25] =	ssyncadd.s32 $0xFFFFFF80  }
0x98: {  	[spmem:s2] =	stream.indirect.scatter.add.f32 [tilespmem:s20], [sflag:$0x7], $0x80, s26, s19, $0xb8;
	[tilespmem:$0x1C200] =	vst v63  }
0x99: {  	_ =	swait.ge [sflag:s17], $0x4000  }
0x9a: {  	[sflag:s17] =	ssyncset.done $0x0  }
0x9b: {  	[sflag:s17] =	ssyncadd.s32 $0xFFFFC000  }
0x9c: {  	_ =	swait.ge [sflag:s28], $0x4000  }
0x9d: {  	[sflag:s28] =	ssyncset.done $0x0  }
0x9e: {  	[sflag:s28] =	ssyncadd.s32 $0xFFFFC000  }
0x9f: {  	_ =	swait.ge [sflag:s29], $0x80  }
0xa0: {  	[sflag:s29] =	ssyncset.done $0x0  }
0xa1: {  	[sflag:s29] =	ssyncadd.s32 $0xFFFFFF80  }
0xa2: {  	[spmem:s2] =	stream.indirect.scatter.add.f32 [tilespmem:s24], [sflag:$0x7], $0x80, s21, s19, $0xb8;
	[tilespmem:$0x1C200] =	vst v63  }
0xa3: {  	_ =	swait.ge [sflag:s17], $0x4000  }
0xa4: {  	s30 =	sadd.s32 $0x1, s30;
	[sflag:s17] =	ssyncset.done $0x0  }
0xa5: {  	p0 =	sne.s32 s30, s13;
	[sflag:s17] =	ssyncadd.s32 $0xFFFFC000  }
.Ltmp1:
0xa6: {  	[bflag:$0x0] =	sbarrier.arrive $0xFFFF;
	(pc) =	sbr.rel @p0 .LBB2_1-.Ltmp1, $4  }
0xa7: {  	[hbm:s12], [sflag:s9] =	dma.local [spmem:s16], $0x2800  }
0xa8: {  	_ =	swait.ge [sflag:s17], $0x2800  }
0xa9: {  	[sflag:s17] =	ssyncset.done $0x0  }
0xaa: {  	[sflag:s17] =	ssyncadd.s32 $0xFFFFD800  }
0xab: {  	_ =	sfence.sel $0x180000  }
0xac: {  	[bflag:$0x0] =	sbarrier.arrive $0xFFFF  }
0xad: {  	_ =	strace $0x90000050  }
0xae: {  	s0 =	stileid.u32;
	[bflag:$0x2] =	sbarrier.arrive $0xFFFF  }
0xaf: {  	p0 =	sne.s32 s0, $0x0;
	s0 =	rddreg [dreg:$0x3]  }
0xb0: {  	s0 =	sadd.s32 @!p0 $0x100000, s0  }
0xb1: {  	[sflag:s0] =	ssyncadd.tile.s32 @!p0 $0x1;
	_ =	shalt  }
.Lfunc_end2:
_tile_overlayer_lowered:
.L_overlay_start_2:
0xb2: {  	(tag) =	ssettag $0x2  }
0xb3: {  	s0 =	rddreg [dreg:$0x0];
	s2 =	stileid.u32  }
0xb4: {  	s1 =	rddreg [dreg:$0x1];
	p0 =	sne.s32 s2, $0x0  }
0xb5: {  	s3 =	rddreg [dreg:$0x2];
	[bflag:$0x3] =	sbarrier.arrive $0xFFFF;
	s2 =	simm.s32 @!p0 $0x1C07  }
0xb6: {  	[timem:s3], [sflag:s2] =	dma.local @!p0 [hbm:s0], s1  }
0xb7: {  	s0 =	simm.s32 @!p0 $0x7  }
0xb8: {  	_ =	swait.ge @!p0 [sflag:s0], s1  }
0xb9: {  	s1 =	ssub.s32 @!p0 $0x0, s1;
	[sflag:s0] =	ssyncset.done @!p0 $0x0  }
0xba: {  	[sflag:s0] =	ssyncadd.s32 @!p0 s1  }
0xbb: {  	[bflag:$0x3] =	sbarrier.arrive $0xFFFF  }
0xbc: {  	_ =	shalt  }

// kernel: kernel.24.cloned.1.call-start
scs
__scs_entry_jumppad:
0x0: {  	(pc) =	sbr.rel $0x88, $3  }
0x1: {  	(tag) =	ssettag $0x0;
	lr =	simm.s32 $0x1  }
0x2: {  	[smem:$0x3F95] =	sst lr;
	_ =	strace $0xD0000000  }
0x3: {  	_ = 	snop  }
0x4: {  	_ = 	snop  }
0x5: {  	_ = 	snop  }
0x6: {  	_ = 	snop  }
0x7: {  	_ = 	snop  }
__scs_overlays_trampoline_lowered:
0x8: {  	[smem:$0x3FA4] =	sst s0  }
0x9: {  	[smem:$0x3FA5] =	sst s1  }
0xa: {  	[smem:$0x3FA6] =	sst s2  }
0xb: {  	[smem:$0x3FA7] =	sst s3  }
0xc: {  	[smem:$0x3FA8] =	sst s4  }
0xd: {  	[smem:$0x3FA9] =	sst s5  }
0xe: {  	[smem:$0x3FAA] =	sst s6  }
0xf: {  	[smem:$0x3FAB] =	sst s7  }
0x10: {  	[smem:$0x3FAC] =	sst s8  }
0x11: {  	[smem:$0x3FAD] =	sst s9;
	s0 =	simm.s32 @!p0 $0x0  }
0x12: {  	s1 =	sld [smem:$0x3F93];
	s0 =	simm.s32 @p0 $0x1  }
0x13: {  	[smem:$0x3FAE] =	sst s0;
	s0 =	simm.s32 @!p1 $0x0  }
0x14: {  	s2 =	sld [smem:$0x3F92];
	s0 =	simm.s32 @p1 $0x1  }
0x15: {  	[smem:$0x3FAF] =	sst s0;
	s0 =	simm.s32 @!p2 $0x0  }
0x16: {  	s3 =	sld [smem:$0x3FDB];
	s0 =	simm.s32 @p2 $0x1  }
0x17: {  	s4 =	simm.s32 $0x1BF5;
	[smem:$0x3FB1] =	sst s0  }
0x18: {  	s0 =	sld [smem:$0x3F94];
	_ =	swait.ge [sflag:s4], $0x0  }
0x19: {  	s7 =	sld [smem:$0x3F95]  }
0x1a: {  	s8 =	sadd.s32 $0xFFFFE003, lr  }
0x1b: {  	s9 =	sadd.s32 $0xFFFFFEF7, lr;
	s5 =	simm.s32 $0xFFFFFFFF;
	p2 =	slt.u32 s8, $0xFFFFF086  }
0x1c: {  	p1 =	slt.u32 s9, $0xF7A;
	s5 =	simm.s32 @!p2 $0x0  }
0x1d: {  	s5 =	simm.s32 @p1 $0x1;
	p0 =	seq.s32 s7, s2  }
0x1e: {  	s7 =	smul.u32 @!p0 $0xF7A, s2;
	p2 =	seq.s32 @!p0 s5, $0x0  }
0x1f: {  	s9 =	smul.u32 $0xF7A, s1;
	s8 =	simm.s32 @!p0 $0x1BF5;
	p2 =	por !p2, p0  }
0x20: {  	[sflag:s8] =	ssyncset.s32 @!p0 $0xFFFFF086;
	s6 =	sadd.s32 @!p0 s3, s7;
	s7 =	simm.s32 @!p0 $0x108  }
0x21: {  	s3 =	sadd.s32 s3, s9;
	s6 =	sadd.s32 @!p0 $0x88, s6;
	s7 =	simm.s32 @p2 $0x1082  }
0x22: {  	[simem:s7], [sflag:s8] =	dma.local @!p0 [hbm:s6], $0xF7A  }
0x23: {  	s9 =	sor.u32 $0xD0000000, s2;
	s6 =	simm.s32 $0x108;
	_ =	swait.ge @!p0 [sflag:s8], $0x0  }
0x24: {  	s3 =	sadd.s32 $0x88, s3;
	s6 =	simm.s32 @!p1 $0x1082;
	[sflag:s4] =	ssyncset.s32 $0xFFFFF086  }
0x25: {  	[simem:s6], [sflag:s4] =	dma.local [hbm:s3], $0xF7A  }
0x26: {  	[smem:$0x3F95] =	sst s1;
	(tag) =	ssettag s2;
	_ =	strace s9  }
0x27: {  	s1 =	sld [smem:$0x3FA5]  }
0x28: {  	s2 =	sld [smem:$0x3FA6]  }
0x29: {  	s4 =	sld [smem:$0x3FA8]  }
0x2a: {  	p0 =	seq.s32 s5, $0x0;
	s5 =	sld [smem:$0x3FA9]  }
0x2b: {  	s6 =	sld [smem:$0x3FAA]  }
0x2c: {  	s7 =	sld [smem:$0x3FAB]  }
0x2d: {  	s3 =	simm.s32 $0x108;
	s8 =	sld [smem:$0x3FAC]  }
0x2e: {  	s3 =	simm.s32 @!p0 $0x1082;
	s9 =	sld [smem:$0x3FAD]  }
0x2f: {  	lr =	sadd.s32 s0, s3;
	s0 =	sld [smem:$0x3FA4]  }
0x30: {  	s3 =	sld [smem:$0x3FA7]  }
0x31: {  	[smem:$0x3FB0] =	sst s10  }
0x32: {  	s10 =	sld [smem:$0x3FAE];
	_ =	sdelay $0x3  }
0x33: {  	p0 =	seq.s32 s10, $0x1;
	s10 =	sld [smem:$0x3FB0];
	_ =	sdelay $0x3  }
0x34: {  	[smem:$0x3FB0] =	sst s10  }
0x35: {  	s10 =	sld [smem:$0x3FAF];
	_ =	sdelay $0x3  }
0x36: {  	p1 =	seq.s32 s10, $0x1;
	s10 =	sld [smem:$0x3FB0];
	_ =	sdelay $0x3  }
0x37: {  	[smem:$0x3FB0] =	sst s10  }
0x38: {  	s10 =	sld [smem:$0x3FB1]  }
0x39: {  	_ = 	snop;
	(pc) =	sbr.ind lr, $3  }
0x3a: {  	_ = 	snop  }
0x3b: {  	_ = 	snop  }
0x3c: {  	p2 =	seq.s32 s10, $0x1;
	s10 =	sld [smem:$0x3FB0]  }
0x3d: {  	_ =	shalt  }
0x3e: {  	_ =	shalt  }
0x3f: {  	_ =	shalt  }
0x40: {  	_ =	shalt  }
0x41: {  	_ =	shalt  }
0x42: {  	_ =	shalt  }
0x43: {  	_ =	shalt  }
0x44: {  	_ =	shalt  }
0x45: {  	_ =	shalt  }
0x46: {  	_ =	shalt  }
0x47: {  	_ =	shalt  }
0x48: {  	_ =	shalt  }
0x49: {  	_ =	shalt  }
0x4a: {  	_ =	shalt  }
0x4b: {  	_ =	shalt  }
0x4c: {  	_ =	shalt  }
0x4d: {  	_ =	shalt  }
0x4e: {  	_ =	shalt  }
0x4f: {  	_ =	shalt  }
0x50: {  	_ =	shalt  }
0x51: {  	_ =	shalt  }
0x52: {  	_ =	shalt  }
0x53: {  	_ =	shalt  }
0x54: {  	_ =	shalt  }
0x55: {  	_ =	shalt  }
0x56: {  	_ =	shalt  }
0x57: {  	_ =	shalt  }
0x58: {  	_ =	shalt  }
0x59: {  	_ =	shalt  }
0x5a: {  	_ =	shalt  }
0x5b: {  	_ =	shalt  }
0x5c: {  	_ =	shalt  }
0x5d: {  	_ =	shalt  }
0x5e: {  	_ =	shalt  }
0x5f: {  	_ =	shalt  }
0x60: {  	_ =	shalt  }
0x61: {  	_ =	shalt  }
0x62: {  	_ =	shalt  }
0x63: {  	_ =	shalt  }
0x64: {  	_ =	shalt  }
0x65: {  	_ =	shalt  }
0x66: {  	_ =	shalt  }
0x67: {  	_ =	shalt  }
0x68: {  	_ =	shalt  }
0x69: {  	_ =	shalt  }
0x6a: {  	_ =	shalt  }
0x6b: {  	_ =	shalt  }
0x6c: {  	_ =	shalt  }
0x6d: {  	_ =	shalt  }
0x6e: {  	_ =	shalt  }
0x6f: {  	_ =	shalt  }
0x70: {  	_ =	shalt  }
0x71: {  	_ =	shalt  }
0x72: {  	_ =	shalt  }
0x73: {  	_ =	shalt  }
0x74: {  	_ =	shalt  }
0x75: {  	_ =	shalt  }
0x76: {  	_ =	shalt  }
0x77: {  	_ =	shalt  }
0x78: {  	_ =	shalt  }
0x79: {  	_ =	shalt  }
0x7a: {  	_ =	shalt  }
0x7b: {  	_ =	shalt  }
0x7c: {  	_ =	shalt  }
0x7d: {  	_ =	shalt  }
0x7e: {  	_ =	shalt  }
0x7f: {  	_ =	shalt  }
0x80: {  	_ =	shalt  }
0x81: {  	_ =	shalt  }
0x82: {  	_ =	shalt  }
0x83: {  	_ =	shalt  }
0x84: {  	_ =	shalt  }
0x85: {  	_ =	shalt  }
0x86: {  	_ =	shalt  }
0x87: {  	_ =	shalt  }
.Lfunc_end0:
.L_simem_size_0:
called_computation.4_lowered:
.L_overlay_start_0:
0x88: {  	s2 =	sld [smem:$0x3FD9]  }
0x89: {  	s3 =	sld [smem:$0x3FFE];
	_ =	sdelay $0x1  }
0x8a: {  	s1 =	srdreg.scid  }
0x8b: {  	s0 =	sand.u32 $0x1, s1  }
0x8c: {  	s17 =	sshll.u32 s0, $0xA;
	s2 =	sadd.s32 s3, s2  }
0x8d: {  	s2 =	sadd.s32 s2, s17  }
0x8e: {  	[smem:$0x3FBC] =	sst s2  }
0x8f: {  	_ = 	snop  }
0x90: {  	s2 =	sld [smem:$0x3FD0];
	(tm) =	ssettm $0x1  }
0x91: {  	s18 =	sld [smem:$0x3FFB];
	_ =	sdelay $0x3  }
0x92: {  	_ =	strace s18  }
0x93: {  	s3 =	sld [smem:$0x3FFC];
	_ =	sdelay $0x3  }
0x94: {  	_ =	strace s3  }
0x95: {  	s3 =	sld [smem:$0x3FFD];
	_ =	sdelay $0x3  }
0x96: {  	_ =	strace s3  }
0x97: {  	_ =	strace $0x8FFFFFFF  }
0x98: {  	s19 =	sld [smem:$0x3FDB];
	_ =	sdelay $0x1  }
0x99: {  	s4 =	simm.s32 $_scs_section_size  }
0x9a: {  	s5 =	simm.s32 $_size__tile_overlayer_lowered;
	s6 =	simm.s32 $_tile_overlayer_lowered  }
0x9b: {  	s22 =	simm.s32 $0x1BFF;
	s21 =	sshll.u32 s6, $0x1;
	s3 =	sadd.s32 s4, s19  }
0x9c: {  	s7 =	simm.s32 $0x0;
	s20 =	sshll.u32 s5, $0x1;
	s5 =	sadd.s32 s21, s3  }
0x9d: {  	[timem:s7], [sflag:s22] =	dma.local [hbm:s5], s20  }
0x9e: {  	_ =	swait.ge [sflag:s22], s20  }
0x9f: {  	s4 =	ssub.s32 $0x0, s20;
	[sflag:s22] =	ssyncset.done $0x0  }
0xa0: {  	[sflag:s22] =	ssyncadd.s32 s4;
	_ =	sdelay $0x1  }
0xa1: {  	s23 =	simm.s32 $0x1B8B  }
0xa2: {  	_ =	swait.ge [sflag:s23], $0x1  }
0xa3: {  	[sflag:s23] =	ssyncset.done $0x0  }
0xa4: {  	s25 =	simm.s32 $0x1B8E;
	s24 =	sld [smem:$0x3FFE];
	[sflag:s23] =	ssyncadd.s32 $0xFFFFFFFF  }
0xa5: {  	s26 =	simm.s32 $execute0_lowered;
	[smem:$0x3FD2] =	sst s25  }
0xa6: {  	s5 =	sshll.u32 s26, $0x1;
	_ =	strace $0x80000052;
	[dreg:$0x1] =	wrdreg $0xFFFFFFFF  }
0xa7: {  	s28 =	simm.s32 $_size_execute0_lowered;
	s3 =	sadd.s32 s3, s5;
	[dreg:$0x0] =	wrdreg $0x0  }
0xa8: {  	s5 =	sshll.u32 s28, $0x1;
	[dreg:$0x2] =	wrdreg s3  }
0xa9: {  	[dreg:$0x3] =	wrdreg s5  }
0xaa: {  	[dreg:$0x4] =	wrdreg $0xC0  }
0xab: {  	_ =	task [dreg:s7], $0x5FFFF  }
0xac: {  	[dreg:$0x1] =	wrdreg $0xFFFFFFFF  }
0xad: {  	[dreg:$0x0] =	wrdreg $0x60  }
0xae: {  	[dreg:$0x2] =	wrdreg s24  }
0xaf: {  	[dreg:$0x3] =	wrdreg s2  }
0xb0: {  	[dreg:$0x4] =	wrdreg $0x82000  }
0xb1: {  	[dreg:$0x5] =	wrdreg $0x9  }
0xb2: {  	_ =	task.clear_ibuf [dreg:s7], $0x6FFFF;
	_ =	strace $0x90000052  }
0xb3: {  	s29 =	simm.s32 $0x9;
	_ =	strace $0x80000054  }
0xb4: {  	_ =	swait.ge [sflag:s29], $0x1  }
0xb5: {  	[sflag:s29] =	ssyncadd.s32 $0xFFFFFFFF  }
0xb6: {  	_ =	strace $0x90000054  }
0xb7: {  	_ =	sfence  }
0xb8: {  	s30 =	sld [smem:$0x0];
	_ =	sdelay $0x2  }
0xb9: {  	s31 =	sshll.u32 s1, $0xD;
	s1 =	sshrl.u32 s1, $0x2  }
0xba: {  	s3 =	sand.u32 $0x4000, s31;
	s1 =	sadd.s32 s1, s30  }
0xbb: {  	s0 =	sor.u32 s3, s0;
	s1 =	sshll.u32 s1, $0x11  }
0xbc: {  	s0 =	sor.u32 s1, s0  }
0xbd: {  	s0 =	sadd.s32 $0x8F2B, s0  }
0xbe: {  	[sflag:s0] =	ssyncadd.remote.s32 $0x1  }
0xbf: {  	_ =	sfence.sel $0xFFFF  }
0xc0: {  	[dreg:$0x0] =	wrdreg $0xFFFFFFFF;
	(pc) =	sbr.abs _section_cstart, $3  }
0xc1: {  	[dreg:$0x1] =	wrdreg $0xFFFFFFFF  }
0xc2: {  	_ =	task.clear_ibuf [dreg:s7], $0x2FFFF;
	_ =	strace $0x9FFFFFFF  }
0xc3: {  	(tm) =	ssettm $0x7FFFFFFF  }
tec
execute0_lowered:
.L_overlay_start_1:
0x0: {  	(tag) =	ssettag $0x1  }
0x1: {  	s0 =	rddreg [dreg:$0x0]  }
0x2: {  	s2 =	rddreg [dreg:$0x2]  }
0x3: {  	s3 =	srdreg.scid;
	s4 =	simm.s32 $0x0;
	s1 =	stileid.u32  }
0x4: {  	s17 =	simm.s32 $0x7;
	s18 =	simm.s32 $0x1;
	s19 =	simm.s32 $0x80  }
0x5: {  	s20 =	simm.s32 $0x200;
	s21 =	simm.s32 $0x180;
	s22 =	simm.s32 $0x5  }
0x6: {  	s23 =	simm.s32 $0x2;
	s24 =	simm.s32 $0x4200;
	s28 =	simm.s32 $0x6  }
0x7: {  	s29 =	simm.s32 $0x4;
	s30 =	simm.s32 $0x0;
	s8 =	smul.u32 $0x14000, s1  }
0x8: {  	s3 =	sand.u32 $0x1, s3;
	[smem:$0x7FF] =	sst s4;
	s10 =	smul.u32 $0x50000, s1  }
0x9: {  	s5 =	sadd.s32 $0x18200, s0;
	s6 =	sadd.s32 $0x4200, s0;
	s7 =	smul.u32 $0x140000, s3  }
0xa: {  	s26 =	sshll.u32 s1, $0x6;
	_ =	strace $0x80000053;
	s9 =	sshll.u32 s3, $0x4  }
0xb: {  	s3 =	ssub.s32 $0x2, s3;
	s9 =	sor.u32 s1, s9;
	s8 =	sadd.s32 s8, s7  }
0xc: {  	s11 =	sshrl.u32 s3, $0x1;
	s25 =	sshrl.u32 s10, $0x2;
	s8 =	sshrl.u32 s8, $0x3  }
0xd: {  	s7 =	sadd.s32 $0xE200, s0;
	s0 =	sadd.s32 s8, s0;
	s8 =	smul.u32 $0x2800, s9  }
0xe: {  	s3 =	ssub.s32 s3, s11;
	s16 =	sadd.s32 s25, s2;
	s25 =	simm.s32 $0x3  }
0xf: {  	s13 =	smax.u32 s3, $0x1;
	s16 =	sshrl.u32 s16, $0x3;
	s12 =	sshrl.u32 s8, $0x3  }
0x10: {  	s9 =	sor.u32 $0x1C07, s26;
	s26 =	simm.s32 $0x100;
	s31 =	sadd.s32 s6, s12  }
0x11: {  	s11 =	sadd.s32 s7, s12;
	s15 =	sadd.s32 $0x4F0, s12;
	s12 =	sadd.s32 $0x40200, s0  }
0x12: {  	[dreg:$0x4] =	wrdreg s31;
	s14 =	sadd.s32 s6, s15;
	s15 =	sadd.s32 s7, s15  }
.LBB2_1:
0x13: {  	s0 =	rddreg [dreg:$0x1]  }
0x14: {  	[spmem:s16], [sflag:s9] =	dma.local [hbm:s0], $0x2800  }
0x15: {  	_ =	swait.ge [sflag:s17], $0x2800  }
0x16: {  	[sflag:s17] =	ssyncset.done $0x0  }
0x17: {  	[sflag:s17] =	ssyncadd.s32 $0xFFFFD800  }
0x18: {  	[bflag:$0x0] =	sbarrier.arrive $0xFFFF  }
0x19: {  	s10 =	simm.s32 $0x0;
	s3 =	rddreg [dreg:$0x4]  }
0x1a: {  	[tilespmem:s4], [sflag:$0x1] =	stream.linear.gather [hbm4b:s3+s4], $0x80, $0x38;
	[tilespmem:$0x1C200] =	vst v63  }
0x1b: {  	s3 =	sand.u32 $0x3C00, s10  }
0x1c: {  	s0 =	sand.u32 $0x300, s10;
	s3 =	sadd.s32 s8, s3  }
0x1d: {  	[tilespmem:s26], [sflag:$0x3] =	stream.linear.gather [hbm4b:s11+s4], $0x80, $0x38;
	[tilespmem:$0x1C200] =	vst v63  }
0x1e: {  	s0 =	sor.u32 s3, s0;
	_ =	swait.ge [sflag:s18], $0x80  }
0x1f: {  	s0 =	sor.u32 $0x80, s0;
	[sflag:s18] =	ssyncset.done $0x0  }
0x20: {  	s0 =	sshrl.u32 s0, $0x3;
	[sflag:s18] =	ssyncadd.s32 $0xFFFFFF80  }
0x21: {  	[tilespmem:s20], [sflag:$0x5] =	stream.indirect.gather [hbm4b:s5+s19], $0x80, s4, s19, $0xb8;
	[tilespmem:$0x1C200] =	vst v63  }
0x22: {  	s1 =	sadd.s32 s6, s0  }
0x23: {  	[tilespmem:s19], [sflag:$0x2] =	stream.linear.gather [hbm4b:s1+s4], $0x80, $0x38;
	[tilespmem:$0x1C200] =	vst v63  }
0x24: {  	s0 =	sadd.s32 s7, s0  }
0x25: {  	[tilespmem:s21], [sflag:$0x4] =	stream.linear.gather [hbm4b:s0+s4], $0x80, $0x38;
	[tilespmem:$0x1C200] =	vst v63  }
0x26: {  	_ =	swait.ge [sflag:s22], $0x4000  }
0x27: {  	[sflag:s22] =	ssyncset.done $0x0  }
0x28: {  	[sflag:s22] =	ssyncadd.s32 $0xFFFFC000  }
0x29: {  	_ =	swait.ge [sflag:s23], $0x80  }
0x2a: {  	[sflag:s23] =	ssyncset.done $0x0  }
0x2b: {  	[sflag:s23] =	ssyncadd.s32 $0xFFFFFF80  }
0x2c: {  	[tilespmem:s24], [sflag:$0x6] =	stream.indirect.gather [hbm4b:s5+s19], $0x80, s19, s19, $0xb8;
	[tilespmem:$0x1C200] =	vst v63  }
0x2d: {  	_ =	swait.ge [sflag:s25], $0x80  }
0x2e: {  	s10 =	sand.u32 $0x7C00, s26;
	[sflag:s25] =	ssyncset.done $0x0  }
0x2f: {  	s1 =	sand.u32 $0x300, s26;
	s0 =	sadd.s32 s8, s10;
	[sflag:s25] =	ssyncadd.s32 $0xFFFFFF80  }
0x30: {  	[spmem:s2] =	stream.indirect.scatter.add.f32 [tilespmem:s20], [sflag:$0x7], $0x80, s26, s19, $0xb8;
	[tilespmem:$0x1C200] =	vst v63  }
0x31: {  	s0 =	sor.u32 s1, s0;
	_ =	swait.ge [sflag:s17], $0x4000  }
0x32: {  	s0 =	sshrl.u32 s0, $0x3;
	[sflag:s17] =	ssyncset.done $0x0  }
0x33: {  	s10 =	sadd.s32 s6, s0;
	[sflag:s17] =	ssyncadd.s32 $0xFFFFC000  }
0x34: {  	[tilespmem:s4], [sflag:$0x1] =	stream.linear.gather [hbm4b:s10+s4], $0x80, $0x38;
	[tilespmem:$0x1C200] =	vst v63  }
0x35: {  	s0 =	sadd.s32 s7, s0  }
0x36: {  	[tilespmem:s26], [sflag:$0x3] =	stream.linear.gather [hbm4b:s0+s4], $0x80, $0x38;
	[tilespmem:$0x1C200] =	vst v63  }
0x37: {  	_ =	swait.ge [sflag:s28], $0x4000  }
0x38: {  	[sflag:s28] =	ssyncset.done $0x0  }
0x39: {  	[sflag:s28] =	ssyncadd.s32 $0xFFFFC000  }
0x3a: {  	s1 =	simm.s32 $0x100;
	_ =	swait.ge [sflag:s18], $0x80  }
0x3b: {  	s31 =	simm.s32 $0x200;
	s10 =	sand.u32 $0x3C00, s1;
	[sflag:s18] =	ssyncset.done $0x0  }
0x3c: {  	s3 =	sadd.s32 s8, s10;
	s0 =	sand.u32 $0x300, s1;
	[sflag:s18] =	ssyncadd.s32 $0xFFFFFF80  }
0x3d: {  	[tilespmem:s20], [sflag:$0x5] =	stream.indirect.gather [hbm4b:s5+s19], $0x80, s4, s19, $0xb8;
	[tilespmem:$0x1C200] =	vst v63  }
0x3e: {  	s3 =	sor.u32 s3, s0;
	s0 =	simm.s32 $0x300;
	_ =	swait.ge [sflag:s29], $0x80  }
.LBB2_2:
0x3f: {  	p0 =	sne.s32 s0, $0x2700  }
0x40: {  	[sflag:s29] =	ssyncset.done $0x0;
	s1 =	smov.u32 s0;
	s0 =	sadd.s32 $0x100, s0  }
0x41: {  	[sflag:s29] =	ssyncadd.s32 $0xFFFFFF80  }
0x42: {  	[spmem:s2] =	stream.indirect.scatter.add.f32 [tilespmem:s24], [sflag:$0x7], $0x80, s21, s19, $0xb8;
	[tilespmem:$0x1C200] =	vst v63  }
0x43: {  	s3 =	sor.u32 $0x80, s3;
	_ =	swait.ge [sflag:s17], $0x4000  }
0x44: {  	s3 =	sshrl.u32 s3, $0x3;
	[sflag:s17] =	ssyncset.done $0x0  }
0x45: {  	s10 =	sadd.s32 s6, s3;
	[sflag:s17] =	ssyncadd.s32 $0xFFFFC000  }
0x46: {  	[tilespmem:s19], [sflag:$0x2] =	stream.linear.gather [hbm4b:s10+s4], $0x80, $0x38;
	[tilespmem:$0x1C200] =	vst v63  }
0x47: {  	s3 =	sadd.s32 s7, s3  }
0x48: {  	[tilespmem:s21], [sflag:$0x4] =	stream.linear.gather [hbm4b:s3+s4], $0x80, $0x38;
	[tilespmem:$0x1C200] =	vst v63  }
0x49: {  	_ =	swait.ge [sflag:s22], $0x4000  }
0x4a: {  	[sflag:s22] =	ssyncset.done $0x0  }
0x4b: {  	[sflag:s22] =	ssyncadd.s32 $0xFFFFC000  }
0x4c: {  	_ =	swait.ge [sflag:s23], $0x80  }
0x4d: {  	[sflag:s23] =	ssyncset.done $0x0  }
0x4e: {  	[sflag:s23] =	ssyncadd.s32 $0xFFFFFF80  }
0x4f: {  	[tilespmem:s24], [sflag:$0x6] =	stream.indirect.gather [hbm4b:s5+s19], $0x80, s19, s19, $0xb8;
	[tilespmem:$0x1C200] =	vst v63  }
0x50: {  	_ =	swait.ge [sflag:s25], $0x80  }
0x51: {  	[sflag:s25] =	ssyncset.done $0x0  }
0x52: {  	s10 =	sand.u32 $0x300, s31;
	s3 =	sand.u32 $0x7C00, s31;
	[sflag:s25] =	ssyncadd.s32 $0xFFFFFF80  }
0x53: {  	[spmem:s2] =	stream.indirect.scatter.add.f32 [tilespmem:s20], [sflag:$0x7], $0x80, s26, s19, $0xb8;
	[tilespmem:$0x1C200] =	vst v63  }
0x54: {  	s31 =	smov.u32 s1;
	s3 =	sadd.s32 s8, s3;
	_ =	swait.ge [sflag:s17], $0x4000  }
0x55: {  	s1 =	sor.u32 s10, s3;
	[sflag:s17] =	ssyncset.done $0x0  }
0x56: {  	s1 =	sshrl.u32 s1, $0x3;
	[sflag:s17] =	ssyncadd.s32 $0xFFFFC000  }
0x57: {  	s3 =	sadd.s32 s6, s1;
	s1 =	sadd.s32 s7, s1  }
0x58: {  	[tilespmem:s4], [sflag:$0x1] =	stream.linear.gather [hbm4b:s3+s4], $0x80, $0x38;
	[tilespmem:$0x1C200] =	vst v63  }
0x59: {  	_ = 	snop  }
0x5a: {  	[tilespmem:s26], [sflag:$0x3] =	stream.linear.gather [hbm4b:s1+s4], $0x80, $0x38;
	[tilespmem:$0x1C200] =	vst v63  }
0x5b: {  	_ =	swait.ge [sflag:s28], $0x4000  }
0x5c: {  	[sflag:s28] =	ssyncset.done $0x0  }
0x5d: {  	[sflag:s28] =	ssyncadd.s32 $0xFFFFC000  }
.Ltmp0:
0x5e: {  	s1 =	sadd.s32 $0xFFFFFF00, s31;
	_ =	swait.ge [sflag:s18], $0x80;
	(pc) =	sbr.rel @p0 .LBB2_2-.Ltmp0, $4  }
0x5f: {  	s3 =	sand.u32 $0x3C00, s1;
	[sflag:s18] =	ssyncset.done $0x0  }
0x60: {  	s1 =	sand.u32 $0x300, s1;
	s3 =	sadd.s32 s8, s3;
	[sflag:s18] =	ssyncadd.s32 $0xFFFFFF80  }
0x61: {  	[tilespmem:s20], [sflag:$0x5] =	stream.indirect.gather [hbm4b:s5+s19], $0x80, s4, s19, $0xb8;
	[tilespmem:$0x1C200] =	vst v63  }
0x62: {  	s3 =	sor.u32 s3, s1;
	_ =	swait.ge [sflag:s29], $0x80  }
0x63: {  	[sflag:s29] =	ssyncset.done $0x0  }
0x64: {  	[sflag:s29] =	ssyncadd.s32 $0xFFFFFF80  }
0x65: {  	[spmem:s2] =	stream.indirect.scatter.add.f32 [tilespmem:s24], [sflag:$0x7], $0x80, s21, s19, $0xb8;
	[tilespmem:$0x1C200] =	vst v63  }
0x66: {  	s0 =	sor.u32 $0x80, s3;
	_ =	swait.ge [sflag:s17], $0x4000  }
0x67: {  	s0 =	sshrl.u32 s0, $0x3;
	[sflag:s17] =	ssyncset.done $0x0  }
0x68: {  	s1 =	sadd.s32 s6, s0;
	[sflag:s17] =	ssyncadd.s32 $0xFFFFC000  }
0x69: {  	[tilespmem:s19], [sflag:$0x2] =	stream.linear.gather [hbm4b:s1+s4], $0x80, $0x38;
	[tilespmem:$0x1C200] =	vst v63  }
0x6a: {  	s0 =	sadd.s32 s7, s0  }
0x6b: {  	[tilespmem:s21], [sflag:$0x4] =	stream.linear.gather [hbm4b:s0+s4], $0x80, $0x38;
	[tilespmem:$0x1C200] =	vst v63  }
0x6c: {  	_ =	swait.ge [sflag:s22], $0x4000  }
0x6d: {  	[sflag:s22] =	ssyncset.done $0x0  }
0x6e: {  	[sflag:s22] =	ssyncadd.s32 $0xFFFFC000  }
0x6f: {  	_ =	swait.ge [sflag:s23], $0x80  }
0x70: {  	[sflag:s23] =	ssyncset.done $0x0  }
0x71: {  	[sflag:s23] =	ssyncadd.s32 $0xFFFFFF80  }
0x72: {  	[tilespmem:s24], [sflag:$0x6] =	stream.indirect.gather [hbm4b:s5+s19], $0x80, s19, s19, $0xb8;
	[tilespmem:$0x1C200] =	vst v63  }
0x73: {  	_ =	swait.ge [sflag:s25], $0x80  }
0x74: {  	s3 =	sand.u32 $0x7C00, s31;
	[sflag:s25] =	ssyncset.done $0x0  }
0x75: {  	s10 =	sand.u32 $0x300, s31;
	s0 =	sadd.s32 s8, s3;
	[sflag:s25] =	ssyncadd.s32 $0xFFFFFF80  }
0x76: {  	[spmem:s2] =	stream.indirect.scatter.add.f32 [tilespmem:s20], [sflag:$0x7], $0x80, s26, s19, $0xb8;
	[tilespmem:$0x1C200] =	vst v63  }
0x77: {  	s0 =	sor.u32 s10, s0;
	_ =	swait.ge [sflag:s17], $0x4000  }
0x78: {  	s0 =	sshrl.u32 s0, $0x3;
	[sflag:s17] =	ssyncset.done $0x0  }
0x79: {  	s31 =	sadd.s32 s6, s0;
	[sflag:s17] =	ssyncadd.s32 $0xFFFFC000  }
0x7a: {  	[tilespmem:s4], [sflag:$0x1] =	stream.linear.gather [hbm4b:s31+s4], $0x80, $0x38;
	[tilespmem:$0x1C200] =	vst v63  }
0x7b: {  	s0 =	sadd.s32 s7, s0  }
0x7c: {  	[tilespmem:s26], [sflag:$0x3] =	stream.linear.gather [hbm4b:s0+s4], $0x80, $0x38;
	[tilespmem:$0x1C200] =	vst v63  }
0x7d: {  	_ =	swait.ge [sflag:s28], $0x4000  }
0x7e: {  	[sflag:s28] =	ssyncset.done $0x0  }
0x7f: {  	[sflag:s28] =	ssyncadd.s32 $0xFFFFC000  }
0x80: {  	_ =	swait.ge [sflag:s18], $0x80  }
0x81: {  	[sflag:s18] =	ssyncset.done $0x0  }
0x82: {  	[sflag:s18] =	ssyncadd.s32 $0xFFFFFF80  }
0x83: {  	[tilespmem:s20], [sflag:$0x5] =	stream.indirect.gather [hbm4b:s5+s19], $0x80, s4, s19, $0xb8;
	[tilespmem:$0x1C200] =	vst v63  }
0x84: {  	_ =	swait.ge [sflag:s29], $0x80  }
0x85: {  	[sflag:s29] =	ssyncset.done $0x0  }
0x86: {  	[sflag:s29] =	ssyncadd.s32 $0xFFFFFF80  }
0x87: {  	[spmem:s2] =	stream.indirect.scatter.add.f32 [tilespmem:s24], [sflag:$0x7], $0x80, s21, s19, $0xb8;
	[tilespmem:$0x1C200] =	vst v63  }
0x88: {  	_ =	swait.ge [sflag:s17], $0x4000  }
0x89: {  	[sflag:s17] =	ssyncset.done $0x0  }
0x8a: {  	[sflag:s17] =	ssyncadd.s32 $0xFFFFC000  }
0x8b: {  	[tilespmem:s19], [sflag:$0x2] =	stream.linear.gather [hbm4b:s14+s4], $0x80, $0x38;
	[tilespmem:$0x1C200] =	vst v63  }
0x8c: {  	_ = 	snop  }
0x8d: {  	[tilespmem:s21], [sflag:$0x4] =	stream.linear.gather [hbm4b:s15+s4], $0x80, $0x38;
	[tilespmem:$0x1C200] =	vst v63  }
0x8e: {  	_ =	swait.ge [sflag:s22], $0x4000  }
0x8f: {  	[sflag:s22] =	ssyncset.done $0x0  }
0x90: {  	[sflag:s22] =	ssyncadd.s32 $0xFFFFC000  }
0x91: {  	_ =	swait.ge [sflag:s23], $0x80  }
0x92: {  	[sflag:s23] =	ssyncset.done $0x0  }
0x93: {  	[sflag:s23] =	ssyncadd.s32 $0xFFFFFF80  }
0x94: {  	[tilespmem:s24], [sflag:$0x6] =	stream.indirect.gather [hbm4b:s5+s19], $0x80, s19, s19, $0xb8;
	[tilespmem:$0x1C200] =	vst v63  }
0x95: {  	_ =	swait.ge [sflag:s25], $0x80  }
0x96: {  	[sflag:s25] =	ssyncset.done $0x0  }
0x97: {  	[sflag:s25] =	ssyncadd.s32 $0xFFFFFF80  }
0x98: {  	[spmem:s2] =	stream.indirect.scatter.add.f32 [tilespmem:s20], [sflag:$0x7], $0x80, s26, s19, $0xb8;
	[tilespmem:$0x1C200] =	vst v63  }
0x99: {  	_ =	swait.ge [sflag:s17], $0x4000  }
0x9a: {  	[sflag:s17] =	ssyncset.done $0x0  }
0x9b: {  	[sflag:s17] =	ssyncadd.s32 $0xFFFFC000  }
0x9c: {  	_ =	swait.ge [sflag:s28], $0x4000  }
0x9d: {  	[sflag:s28] =	ssyncset.done $0x0  }
0x9e: {  	[sflag:s28] =	ssyncadd.s32 $0xFFFFC000  }
0x9f: {  	_ =	swait.ge [sflag:s29], $0x80  }
0xa0: {  	[sflag:s29] =	ssyncset.done $0x0  }
0xa1: {  	[sflag:s29] =	ssyncadd.s32 $0xFFFFFF80  }
0xa2: {  	[spmem:s2] =	stream.indirect.scatter.add.f32 [tilespmem:s24], [sflag:$0x7], $0x80, s21, s19, $0xb8;
	[tilespmem:$0x1C200] =	vst v63  }
0xa3: {  	_ =	swait.ge [sflag:s17], $0x4000  }
0xa4: {  	s30 =	sadd.s32 $0x1, s30;
	[sflag:s17] =	ssyncset.done $0x0  }
0xa5: {  	p0 =	sne.s32 s30, s13;
	[sflag:s17] =	ssyncadd.s32 $0xFFFFC000  }
.Ltmp1:
0xa6: {  	[bflag:$0x0] =	sbarrier.arrive $0xFFFF;
	(pc) =	sbr.rel @p0 .LBB2_1-.Ltmp1, $4  }
0xa7: {  	[hbm:s12], [sflag:s9] =	dma.local [spmem:s16], $0x2800  }
0xa8: {  	_ =	swait.ge [sflag:s17], $0x2800  }
0xa9: {  	[sflag:s17] =	ssyncset.done $0x0  }
0xaa: {  	[sflag:s17] =	ssyncadd.s32 $0xFFFFD800  }
0xab: {  	_ =	sfence.sel $0x180000  }
0xac: {  	[bflag:$0x0] =	sbarrier.arrive $0xFFFF  }
0xad: {  	_ =	strace $0x90000053  }
0xae: {  	s0 =	stileid.u32;
	[bflag:$0x2] =	sbarrier.arrive $0xFFFF  }
0xaf: {  	p0 =	sne.s32 s0, $0x0;
	s0 =	rddreg [dreg:$0x3]  }
0xb0: {  	s0 =	sadd.s32 @!p0 $0x100000, s0  }
0xb1: {  	[sflag:s0] =	ssyncadd.tile.s32 @!p0 $0x1;
	_ =	shalt  }
.Lfunc_end2:
_tile_overlayer_lowered:
.L_overlay_start_2:
0xb2: {  	(tag) =	ssettag $0x2  }
0xb3: {  	s0 =	rddreg [dreg:$0x0];
	s2 =	stileid.u32  }
0xb4: {  	s1 =	rddreg [dreg:$0x1];
	p0 =	sne.s32 s2, $0x0  }
0xb5: {  	s3 =	rddreg [dreg:$0x2];
	[bflag:$0x3] =	sbarrier.arrive $0xFFFF;
	s2 =	simm.s32 @!p0 $0x1C07  }
0xb6: {  	[timem:s3], [sflag:s2] =	dma.local @!p0 [hbm:s0], s1  }
0xb7: {  	s0 =	simm.s32 @!p0 $0x7  }
0xb8: {  	_ =	swait.ge @!p0 [sflag:s0], s1  }
0xb9: {  	s1 =	ssub.s32 @!p0 $0x0, s1;
	[sflag:s0] =	ssyncset.done @!p0 $0x0  }
0xba: {  	[sflag:s0] =	ssyncadd.s32 @!p0 s1  }
0xbb: {  	[bflag:$0x3] =	sbarrier.arrive $0xFFFF  }
0xbc: {  	_ =	shalt  }

</sc_bundles>
